<compile_context>
chip_gen: v7x
topology: tpu7x:2x2x1
jax: 0.10.2.dev20260603
libtpu: 0.0.44.dev20260713+nightly
codegen_flags: <defaults>
</compile_context>

<pallas_src>
import functools

import jax
import jax.numpy as jnp
from jax import lax
from jax.experimental import pallas as pl
from jax.experimental.pallas import tpu as pltpu
from jax.experimental.pallas import tpu_sc as plsc

EMBED_DIM = 128
L_WORD = 50
L_RELA = 8
WPAD = 100
EPS = 1e-8
LANES = 16
NCHUNK = EMBED_DIM // LANES
BPW = 128
RELA_VOCAB = 1000


def _rowsum_pair(wbuf, n):
    zero = jnp.zeros((LANES,), jnp.float32)

    def body(r, carry):
        qa, ra = carry
        qa = tuple(qa[j] + wbuf[r, pl.ds(j * LANES, LANES)] for j in range(NCHUNK))
        ra = tuple(ra[j] + wbuf[r + n, pl.ds(j * LANES, LANES)] for j in range(NCHUNK))
        return (qa, ra)

    init = (tuple(zero for _ in range(NCHUNK)), tuple(zero for _ in range(NCHUNK)))
    return lax.fori_loop(0, n, body, init, unroll=2)


def _sc_body(qidx_hbm, tidx_hbm, ridx_hbm, wtab, rtab, out_hbm,
             qidx_v, tidx_v, ridx_v, rtab_v, wb0, wb1, score_v,
             swa, swb, sta, stb, srt):
    nc = 2
    wid = lax.axis_index("s") * nc + lax.axis_index("c")
    base = wid * BPW

    pltpu.sync_copy(qidx_hbm.at[pl.ds(base, BPW)], qidx_v)
    pltpu.sync_copy(tidx_hbm.at[pl.ds(base, BPW)], tidx_v)
    pltpu.sync_copy(ridx_hbm.at[pl.ds(base * L_RELA, BPW * L_RELA)],
                    ridx_v.at[pl.ds(0, BPW * L_RELA)])
    pltpu.async_copy(rtab, rtab_v, srt)

    wbufs = (wb0, wb1)
    sws = (swa, swb)
    sts = (sta, stb)

    def issue_w(e, b):
        pltpu.async_copy(wtab.at[qidx_v.at[e]],
                         wbufs[b].at[pl.ds(0, L_WORD)], sws[b])
        pltpu.async_copy(wtab.at[tidx_v.at[e]],
                         wbufs[b].at[pl.ds(L_WORD, L_WORD)], sts[b])

    def wait_w(e, b):
        pltpu.make_async_copy(wtab.at[qidx_v.at[e]],
                              wbufs[b].at[pl.ds(0, L_WORD)], sws[b]).wait()
        pltpu.make_async_copy(wtab.at[tidx_v.at[e]],
                              wbufs[b].at[pl.ds(L_WORD, L_WORD)], sts[b]).wait()

    issue_w(0, 0)
    pltpu.make_async_copy(rtab, rtab_v, srt).wait()

    lane_iota = lax.iota(jnp.int32, LANES)

    def rela_sum(e):
        acc = [jnp.zeros((LANES,), jnp.float32) for _ in range(NCHUNK)]
        rv = ridx_v[pl.ds(e * L_RELA, LANES)]
        half = NCHUNK // 2
        for i in range(L_RELA):
            r = rv[i]
            for c in range(half):
                x = rtab_v[r, pl.ds(c * LANES, LANES)]
                acc[c] = acc[c] + lax.bitcast_convert_type(
                    x << 16, jnp.float32)
                acc[c + half] = acc[c + half] + lax.bitcast_convert_type(
                    x & jnp.int32(-65536), jnp.float32)
        return acc

    def compute_elem(wbuf, rsum):
        qsum, rtsum = _rowsum_pair(wbuf, L_WORD)
        dv = jnp.zeros((LANES,), jnp.float32)
        n1 = jnp.zeros((LANES,), jnp.float32)
        n2 = jnp.zeros((LANES,), jnp.float32)
        for j in range(NCHUNK):
            q = qsum[j] * (1.0 / L_WORD)
            rm = rtsum[j] * (1.0 / L_WORD) + rsum[j] * (1.0 / L_RELA)
            dv = dv + q * rm
            n1 = n1 + q * q
            n2 = n2 + rm * rm
        for s in (8, 4, 2, 1):
            idx = lane_iota ^ s
            dv = dv + dv.at[idx].get(mode="promise_in_bounds")
            n1 = n1 + n1.at[idx].get(mode="promise_in_bounds")
            n2 = n2 + n2.at[idx].get(mode="promise_in_bounds")
        return dv, n1, n2

    @pl.loop(0, BPW // LANES)
    def _group(g):
        def pbody(p, carry):
            dacc, n1acc, n2acc = carry
            for b in range(2):
                k = p * 2 + b
                e = g * LANES + k
                nxt = e + 1

                @pl.when(nxt < BPW)
                def _():
                    issue_w(jnp.minimum(nxt, BPW - 1), 1 - b)

                rsum = rela_sum(e)
                wait_w(e, b)
                d_v, n1_v, n2_v = compute_elem(wbufs[b], rsum)
                sel = lane_iota == k
                dacc = jnp.where(sel, d_v, dacc)
                n1acc = jnp.where(sel, n1_v, n1acc)
                n2acc = jnp.where(sel, n2_v, n2acc)
            return (dacc, n1acc, n2acc)

        zero = jnp.zeros((LANES,), jnp.float32)
        dacc, n1acc, n2acc = lax.fori_loop(0, LANES // 2, pbody,
                                           (zero, zero, zero))

        prod = n1acc * n2acc
        yi = (lax.bitcast_convert_type(prod, jnp.int32) >> 1) \
            + jnp.int32(0x1FBD1DF5)
        y = lax.bitcast_convert_type(yi, jnp.float32)
        for _ in range(3):
            y = 0.5 * (y + prod / y)
        score = dacc / jnp.maximum(y, EPS)
        score_v[pl.ds(g * LANES, LANES)] = score

    pltpu.sync_copy(score_v, out_hbm.at[pl.ds(base, BPW)])


@functools.cache
def _build(batch):
    mesh = plsc.VectorSubcoreMesh(core_axis_name="c", subcore_axis_name="s")
    return pl.kernel(
        _sc_body,
        out_type=jax.ShapeDtypeStruct((batch,), jnp.float32),
        mesh=mesh,
        compiler_params=pltpu.CompilerParams(use_tc_tiling_on_sc=False),
        scratch_types=[
            pltpu.VMEM((BPW, L_WORD), jnp.int32),
            pltpu.VMEM((BPW, L_WORD), jnp.int32),
            pltpu.VMEM((BPW * L_RELA + LANES,), jnp.int32),
            pltpu.VMEM((RELA_VOCAB, EMBED_DIM // 2), jnp.int32),
            pltpu.VMEM((WPAD, EMBED_DIM), jnp.float32),
            pltpu.VMEM((WPAD, EMBED_DIM), jnp.float32),
            pltpu.VMEM((BPW,), jnp.float32),
            pltpu.SemaphoreType.DMA,
            pltpu.SemaphoreType.DMA,
            pltpu.SemaphoreType.DMA,
            pltpu.SemaphoreType.DMA,
            pltpu.SemaphoreType.DMA,
        ],
    )


def kernel(ques_x, rela_text_x, rela_x, word_emb, rela_emb):
    batch = ques_x.shape[0]
    qidx = ques_x.astype(jnp.int32)
    tidx = rela_text_x.astype(jnp.int32)
    ridx = rela_x.astype(jnp.int32).reshape(-1)
    half = rela_emb.shape[1] // 2
    xbits = lax.bitcast_convert_type(rela_emb, jnp.int32) + jnp.int32(0x8000)
    rtab = lax.shift_right_logical(xbits[:, :half], 16)         | (xbits[:, half:] & jnp.int32(-65536))
    return _build(batch)(qidx, tidx, ridx, word_emb, rtab)

# --- scband reference (transcript-rebuilt; emitter-appended) ---
"""Pipeline reference for scband-model-62302795595874 (READ-ONLY COPY).

The authoritative reference and input builder live on the scoring server;
editing this copy changes nothing except your own understanding.
"""

import jax, jax.numpy as jnp
import numpy as np

WORD_VOCAB = 100000
RELA_VOCAB = 1000
EMBED_DIM = 128
EPS = 1e-8


def setup_inputs(seed: int = 0) -> dict:
    key = jax.random.key(seed)
    k1, k2, k3, k4, k5 = jax.random.split(key, 5)
    ques_x = jax.random.randint(k1, (4096, 50), 0, WORD_VOCAB, dtype=jnp.int64) if jax.config.jax_enable_x64 else jax.random.randint(k1, (4096, 50), 0, WORD_VOCAB).astype(jnp.int32)
    rela_text_x = jax.random.randint(k2, (4096, 50), 0, WORD_VOCAB).astype(ques_x.dtype)
    rela_x = jax.random.randint(k3, (4096, 8), 0, RELA_VOCAB).astype(ques_x.dtype)
    word_emb = jax.random.normal(k4, (WORD_VOCAB, EMBED_DIM), dtype=jnp.float32)
    rela_emb = jax.random.normal(k5, (RELA_VOCAB, EMBED_DIM), dtype=jnp.float32) * (1.0 / np.sqrt(EMBED_DIM))
    return {"ques_x": ques_x, "rela_text_x": rela_text_x, "rela_x": rela_x, "word_emb": word_emb, "rela_emb": rela_emb}


def reference(ques_x, rela_text_x, rela_x, word_emb, rela_emb):
    # dropout_rate = 0.0 (eval / identity). Original transposes [B,L]->[L,B],
    # embeds, then means over axis 0 == mean over seq axis of [B,L,d].
    ques_e = jnp.take(word_emb, ques_x, axis=0)          # [B, Lq, d]
    rela_text_e = jnp.take(word_emb, rela_text_x, axis=0)  # [B, Lt, d]
    rela_e = jnp.take(rela_emb, rela_x, axis=0)          # [B, Lr, d]
    ques = jnp.mean(ques_e, axis=1)                      # [B, d]
    rela_text = jnp.mean(rela_text_e, axis=1)            # [B, d]
    rela_id = jnp.mean(rela_e, axis=1)                   # [B, d]
    rela = rela_text + rela_id
    # torch.nn.CosineSimilarity(dim=1): x1.x2 / max(||x1||*||x2||, eps)
    dot = jnp.sum(ques * rela, axis=1)
    n1 = jnp.linalg.norm(ques, axis=1)
    n2 = jnp.linalg.norm(rela, axis=1)
    score = dot / jnp.maximum(n1 * n2, EPS)
    return score

if __name__ == "__main__":
    import jax
    _d = setup_inputs()
    print(jax.jit(kernel)(*tuple(_d.values())))

</pallas_src>

<mosaic_0001>
#map = affine_map<(d0, d1) -> (0, 0)>
#map1 = affine_map<(d0, d1) -> (0)>
module attributes {stable_mosaic.version = 14 : i64} {
  func.func @_sc_body(%arg0: i32, %arg1: i32, %arg2: memref<4096x50xi32, #tpu.memory_space<hbm>>, %arg3: memref<4096x50xi32, #tpu.memory_space<hbm>>, %arg4: memref<32768xi32, #tpu.memory_space<hbm>>, %arg5: memref<100000x128xf32, #tpu.memory_space<hbm>>, %arg6: memref<1000x64xi32, #tpu.memory_space<hbm>>, %arg7: memref<4096xf32, #tpu.memory_space<hbm>>, %arg8: memref<128x50xi32, #tpu.memory_space<vmem>>, %arg9: memref<128x50xi32, #tpu.memory_space<vmem>>, %arg10: memref<1040xi32, #tpu.memory_space<vmem>>, %arg11: memref<1000x64xi32, #tpu.memory_space<vmem>>, %arg12: memref<100x128xf32, #tpu.memory_space<vmem>>, %arg13: memref<100x128xf32, #tpu.memory_space<vmem>>, %arg14: memref<128xf32, #tpu.memory_space<vmem>>, %arg15: memref<!tpu.dma_semaphore, #tpu.memory_space<semaphore_mem>>, %arg16: memref<!tpu.dma_semaphore, #tpu.memory_space<semaphore_mem>>, %arg17: memref<!tpu.dma_semaphore, #tpu.memory_space<semaphore_mem>>, %arg18: memref<!tpu.dma_semaphore, #tpu.memory_space<semaphore_mem>>, %arg19: memref<!tpu.dma_semaphore, #tpu.memory_space<semaphore_mem>>) attributes {dimension_semantics = [#tpu.dimension_semantics<core_parallel>, #tpu.dimension_semantics<subcore_parallel>], iteration_bounds = array<i64: 2, 16>, scalar_prefetch = 0 : i64, scratch_operands = 12 : i64, tpu.core_type = #tpu.core_type<sc_vector_subcore>, window_params = [{transform_indices = #map}, {transform_indices = #map}, {transform_indices = #map1}, {transform_indices = #map}, {transform_indices = #map}, {transform_indices = #map1}]} {
    %mul3A = arith.constant 2 : i32
    %mul3A_0 = arith.muli %arg1, %mul3A : i32
    %add3A = arith.addi %mul3A_0, %arg0 : i32
    %mul3A_1 = arith.constant 128 : i32
    %mul3A_2 = arith.muli %add3A, %mul3A_1 : i32
    "tpu.region"() ({
      %run_scoped3A = tpu.sem_alloc : memref<!tpu.dma_semaphore, #tpu.memory_space<semaphore_mem>>
      %dma_start3A_28 = arith.constant 0 : i32
      %dma_start3A_29 = tpu.memref_slice %arg2[%mul3A_2, %dma_start3A_28] : memref<4096x50xi32, #tpu.memory_space<hbm>> -> memref<128x50xi32, #tpu.memory_space<hbm>>
      %dma_start3A_30 = arith.constant 0 : i32
      %dma_start3A_31 = tpu.memref_slice %arg2[%mul3A_2, %dma_start3A_30] : memref<4096x50xi32, #tpu.memory_space<hbm>> -> memref<128x50xi32, #tpu.memory_space<hbm>>
      tpu.enqueue_dma source(%dma_start3A_31 : memref<128x50xi32, #tpu.memory_space<hbm>>) target(%arg8 : memref<128x50xi32, #tpu.memory_space<vmem>>) target_semaphore(%run_scoped3A : memref<!tpu.dma_semaphore, #tpu.memory_space<semaphore_mem>>)
      %dma_wait3A = arith.constant 0 : i32
      %dma_wait3A_32 = tpu.memref_slice %arg2[%mul3A_2, %dma_wait3A] : memref<4096x50xi32, #tpu.memory_space<hbm>> -> memref<128x50xi32, #tpu.memory_space<hbm>>
      %dma_wait3A_33 = arith.constant 0 : i32
      %dma_wait3A_34 = tpu.memref_slice %arg2[%mul3A_2, %dma_wait3A_33] : memref<4096x50xi32, #tpu.memory_space<hbm>> -> memref<128x50xi32, #tpu.memory_space<hbm>>
      tpu.wait_dma2 semaphore(%run_scoped3A : memref<!tpu.dma_semaphore, #tpu.memory_space<semaphore_mem>>) src(%dma_wait3A_34 : memref<128x50xi32, #tpu.memory_space<hbm>>) dst(%arg8 : memref<128x50xi32, #tpu.memory_space<vmem>>)
      tpu.yield
    }) : () -> ()
    "tpu.region"() ({
      %run_scoped3A = tpu.sem_alloc : memref<!tpu.dma_semaphore, #tpu.memory_space<semaphore_mem>>
      %dma_start3A_28 = arith.constant 0 : i32
      %dma_start3A_29 = tpu.memref_slice %arg3[%mul3A_2, %dma_start3A_28] : memref<4096x50xi32, #tpu.memory_space<hbm>> -> memref<128x50xi32, #tpu.memory_space<hbm>>
      %dma_start3A_30 = arith.constant 0 : i32
      %dma_start3A_31 = tpu.memref_slice %arg3[%mul3A_2, %dma_start3A_30] : memref<4096x50xi32, #tpu.memory_space<hbm>> -> memref<128x50xi32, #tpu.memory_space<hbm>>
      tpu.enqueue_dma source(%dma_start3A_31 : memref<128x50xi32, #tpu.memory_space<hbm>>) target(%arg9 : memref<128x50xi32, #tpu.memory_space<vmem>>) target_semaphore(%run_scoped3A : memref<!tpu.dma_semaphore, #tpu.memory_space<semaphore_mem>>)
      %dma_wait3A = arith.constant 0 : i32
      %dma_wait3A_32 = tpu.memref_slice %arg3[%mul3A_2, %dma_wait3A] : memref<4096x50xi32, #tpu.memory_space<hbm>> -> memref<128x50xi32, #tpu.memory_space<hbm>>
      %dma_wait3A_33 = arith.constant 0 : i32
      %dma_wait3A_34 = tpu.memref_slice %arg3[%mul3A_2, %dma_wait3A_33] : memref<4096x50xi32, #tpu.memory_space<hbm>> -> memref<128x50xi32, #tpu.memory_space<hbm>>
      tpu.wait_dma2 semaphore(%run_scoped3A : memref<!tpu.dma_semaphore, #tpu.memory_space<semaphore_mem>>) src(%dma_wait3A_34 : memref<128x50xi32, #tpu.memory_space<hbm>>) dst(%arg9 : memref<128x50xi32, #tpu.memory_space<vmem>>)
      tpu.yield
    }) : () -> ()
    %mul3A_3 = arith.constant 8 : i32
    %mul3A_4 = arith.muli %mul3A_2, %mul3A_3 : i32
    "tpu.region"() ({
      %run_scoped3A = tpu.sem_alloc : memref<!tpu.dma_semaphore, #tpu.memory_space<semaphore_mem>>
      %dma_start3A_28 = arith.constant 0 : i32
      %dma_start3A_29 = tpu.memref_slice %arg10[%dma_start3A_28] : memref<1040xi32, #tpu.memory_space<vmem>> -> memref<1024xi32, #tpu.memory_space<vmem>>
      %dma_start3A_30 = tpu.memref_slice %arg4[%mul3A_4] : memref<32768xi32, #tpu.memory_space<hbm>> -> memref<1024xi32, #tpu.memory_space<hbm>>
      %dma_start3A_31 = arith.constant 0 : i32
      %dma_start3A_32 = tpu.memref_slice %arg10[%dma_start3A_31] : memref<1040xi32, #tpu.memory_space<vmem>> -> memref<1024xi32, #tpu.memory_space<vmem>>
      %dma_start3A_33 = tpu.memref_slice %arg4[%mul3A_4] : memref<32768xi32, #tpu.memory_space<hbm>> -> memref<1024xi32, #tpu.memory_space<hbm>>
      tpu.enqueue_dma source(%dma_start3A_33 : memref<1024xi32, #tpu.memory_space<hbm>>) target(%dma_start3A_32 : memref<1024xi32, #tpu.memory_space<vmem>>) target_semaphore(%run_scoped3A : memref<!tpu.dma_semaphore, #tpu.memory_space<semaphore_mem>>)
      %dma_wait3A = arith.constant 0 : i32
      %dma_wait3A_34 = tpu.memref_slice %arg10[%dma_wait3A] : memref<1040xi32, #tpu.memory_space<vmem>> -> memref<1024xi32, #tpu.memory_space<vmem>>
      %dma_wait3A_35 = tpu.memref_slice %arg4[%mul3A_4] : memref<32768xi32, #tpu.memory_space<hbm>> -> memref<1024xi32, #tpu.memory_space<hbm>>
      %dma_wait3A_36 = arith.constant 0 : i32
      %dma_wait3A_37 = tpu.memref_slice %arg10[%dma_wait3A_36] : memref<1040xi32, #tpu.memory_space<vmem>> -> memref<1024xi32, #tpu.memory_space<vmem>>
      %dma_wait3A_38 = tpu.memref_slice %arg4[%mul3A_4] : memref<32768xi32, #tpu.memory_space<hbm>> -> memref<1024xi32, #tpu.memory_space<hbm>>
      tpu.wait_dma2 semaphore(%run_scoped3A : memref<!tpu.dma_semaphore, #tpu.memory_space<semaphore_mem>>) src(%dma_wait3A_38 : memref<1024xi32, #tpu.memory_space<hbm>>) dst(%dma_wait3A_37 : memref<1024xi32, #tpu.memory_space<vmem>>)
      tpu.yield
    }) : () -> ()
    tpu.enqueue_dma source(%arg6 : memref<1000x64xi32, #tpu.memory_space<hbm>>) target(%arg11 : memref<1000x64xi32, #tpu.memory_space<vmem>>) target_semaphore(%arg19 : memref<!tpu.dma_semaphore, #tpu.memory_space<semaphore_mem>>)
    %dma_start3A = arith.constant 0 : i32
    %dma_start3A_5 = arith.constant 0 : i32
    %dma_start3A_6 = arith.constant 0 : i32
    %dma_start3A_7 = tpu.memref_slice %arg12[%dma_start3A_5, %dma_start3A_6] : memref<100x128xf32, #tpu.memory_space<vmem>> -> memref<50x128xf32, #tpu.memory_space<vmem>>
    %dma_start3A_8 = arith.constant 0 : i32
    %dma_start3A_9 = tpu.memref_slice %arg8[%dma_start3A, %dma_start3A_8] : memref<128x50xi32, #tpu.memory_space<vmem>> -> memref<1x50xi32, #tpu.memory_space<vmem>>
    %dma_start3A_10 = tpu.memref_squeeze %dma_start3A_9 : memref<1x50xi32, #tpu.memory_space<vmem>> -> memref<50xi32, #tpu.memory_space<vmem>>
    %dma_start3A_11 = arith.constant 0 : i32
    %dma_start3A_12 = arith.constant 0 : i32
    %dma_start3A_13 = tpu.memref_slice %arg5[%dma_start3A_11, %dma_start3A_12] : memref<100000x128xf32, #tpu.memory_space<hbm>> -> memref<100000x128xf32, #tpu.memory_space<hbm>>
    tpu.enqueue_indirect_dma source(%dma_start3A_13 : memref<100000x128xf32, #tpu.memory_space<hbm>>) target(%dma_start3A_7 : memref<50x128xf32, #tpu.memory_space<vmem>>) offsets(%dma_start3A_10 : memref<50xi32, #tpu.memory_space<vmem>>) semaphore(%arg15 : memref<!tpu.dma_semaphore, #tpu.memory_space<semaphore_mem>>)
    %dma_start3A_14 = arith.constant 0 : i32
    %dma_start3A_15 = arith.constant 50 : i32
    %dma_start3A_16 = arith.constant 0 : i32
    %dma_start3A_17 = tpu.memref_slice %arg12[%dma_start3A_15, %dma_start3A_16] : memref<100x128xf32, #tpu.memory_space<vmem>> -> memref<50x128xf32, #tpu.memory_space<vmem>>
    %dma_start3A_18 = arith.constant 0 : i32
    %dma_start3A_19 = tpu.memref_slice %arg9[%dma_start3A_14, %dma_start3A_18] : memref<128x50xi32, #tpu.memory_space<vmem>> -> memref<1x50xi32, #tpu.memory_space<vmem>>
    %dma_start3A_20 = tpu.memref_squeeze %dma_start3A_19 : memref<1x50xi32, #tpu.memory_space<vmem>> -> memref<50xi32, #tpu.memory_space<vmem>>
    %dma_start3A_21 = arith.constant 0 : i32
    %dma_start3A_22 = arith.constant 0 : i32
    %dma_start3A_23 = tpu.memref_slice %arg5[%dma_start3A_21, %dma_start3A_22] : memref<100000x128xf32, #tpu.memory_space<hbm>> -> memref<100000x128xf32, #tpu.memory_space<hbm>>
    tpu.enqueue_indirect_dma source(%dma_start3A_23 : memref<100000x128xf32, #tpu.memory_space<hbm>>) target(%dma_start3A_17 : memref<50x128xf32, #tpu.memory_space<vmem>>) offsets(%dma_start3A_20 : memref<50xi32, #tpu.memory_space<vmem>>) semaphore(%arg17 : memref<!tpu.dma_semaphore, #tpu.memory_space<semaphore_mem>>)
    tpu.wait_dma2 semaphore(%arg19 : memref<!tpu.dma_semaphore, #tpu.memory_space<semaphore_mem>>) src(%arg6 : memref<1000x64xi32, #tpu.memory_space<hbm>>) dst(%arg11 : memref<1000x64xi32, #tpu.memory_space<vmem>>)
    %iota3A = tpu.iota {dimensions = array<i32: 0>} : vector<16xi32>
    %scan3A = arith.constant 0 : i32
    %scan3A_24 = arith.constant 8 : i32
    %scan3A_25 = arith.addi %scan3A, %scan3A_24 : i32
    %scan3A_26 = arith.constant 1 : i32
    scf.for %scan3A_28 = %scan3A to %scan3A_25 step %scan3A_26  : i32 {
      %mul3A_29 = arith.constant 1 : i32
      %mul3A_30 = arith.muli %scan3A_28, %mul3A_29 : i32
      %add3A_31 = arith.constant 0 : i32
      %add3A_32 = arith.addi %add3A_31, %mul3A_30 : i32
      %broadcast_in_dim3A = arith.constant 0.000000e+00 : f32
      %broadcast_in_dim3A_33 = vector.broadcast %broadcast_in_dim3A : f32 to vector<16xf32>
      %scan3A_34 = arith.constant 0 : i32
      %scan3A_35 = arith.constant 8 : i32
      %scan3A_36 = arith.addi %scan3A_34, %scan3A_35 : i32
      %scan3A_37 = arith.constant 1 : i32
      %scan3A_38:3 = scf.for %scan3A_69 = %scan3A_34 to %scan3A_36 step %scan3A_37 iter_args(%scan3A_70 = %broadcast_in_dim3A_33, %scan3A_71 = %broadcast_in_dim3A_33, %scan3A_72 = %broadcast_in_dim3A_33) -> (vector<16xf32>, vector<16xf32>, vector<16xf32>)  : i32 {
        %mul3A_73 = arith.constant 2 : i32
        %mul3A_74 = arith.muli %scan3A_69, %mul3A_73 : i32
        %add3A_75 = arith.constant 0 : i32
        %add3A_76 = arith.addi %mul3A_74, %add3A_75 : i32
        %mul3A_77 = arith.constant 16 : i32
        %mul3A_78 = arith.muli %add3A_32, %mul3A_77 : i32
        %add3A_79 = arith.addi %mul3A_78, %add3A_76 : i32
        %add3A_80 = arith.constant 1 : i32
        %add3A_81 = arith.addi %add3A_79, %add3A_80 : i32
        %lt3A = arith.constant 128 : i32
        %lt3A_82 = arith.cmpi slt, %add3A_81, %lt3A : i32
        %convert_element_type3A = arith.extui %lt3A_82 : i1 to i32
        %cond3A = arith.constant 0 : i32
        %cond3A_83 = arith.cmpi ne, %convert_element_type3A, %cond3A : i32
        scf.if %cond3A_83 {
          %min3A = arith.constant 127 : i32
          %min3A_1676 = arith.minsi %add3A_81, %min3A : i32
          %dma_start3A_1677 = arith.constant 0 : i32
          %dma_start3A_1678 = arith.constant 0 : i32
          %dma_start3A_1679 = tpu.memref_slice %arg13[%dma_start3A_1677, %dma_start3A_1678] : memref<100x128xf32, #tpu.memory_space<vmem>> -> memref<50x128xf32, #tpu.memory_space<vmem>>
          %dma_start3A_1680 = arith.constant 0 : i32
          %dma_start3A_1681 = tpu.memref_slice %arg8[%min3A_1676, %dma_start3A_1680] : memref<128x50xi32, #tpu.memory_space<vmem>> -> memref<1x50xi32, #tpu.memory_space<vmem>>
          %dma_start3A_1682 = tpu.memref_squeeze %dma_start3A_1681 : memref<1x50xi32, #tpu.memory_space<vmem>> -> memref<50xi32, #tpu.memory_space<vmem>>
          %dma_start3A_1683 = arith.constant 0 : i32
          %dma_start3A_1684 = arith.constant 0 : i32
          %dma_start3A_1685 = tpu.memref_slice %arg5[%dma_start3A_1683, %dma_start3A_1684] : memref<100000x128xf32, #tpu.memory_space<hbm>> -> memref<100000x128xf32, #tpu.memory_space<hbm>>
          tpu.enqueue_indirect_dma source(%dma_start3A_1685 : memref<100000x128xf32, #tpu.memory_space<hbm>>) target(%dma_start3A_1679 : memref<50x128xf32, #tpu.memory_space<vmem>>) offsets(%dma_start3A_1682 : memref<50xi32, #tpu.memory_space<vmem>>) semaphore(%arg16 : memref<!tpu.dma_semaphore, #tpu.memory_space<semaphore_mem>>)
          %dma_start3A_1686 = arith.constant 50 : i32
          %dma_start3A_1687 = arith.constant 0 : i32
          %dma_start3A_1688 = tpu.memref_slice %arg13[%dma_start3A_1686, %dma_start3A_1687] : memref<100x128xf32, #tpu.memory_space<vmem>> -> memref<50x128xf32, #tpu.memory_space<vmem>>
          %dma_start3A_1689 = arith.constant 0 : i32
          %dma_start3A_1690 = tpu.memref_slice %arg9[%min3A_1676, %dma_start3A_1689] : memref<128x50xi32, #tpu.memory_space<vmem>> -> memref<1x50xi32, #tpu.memory_space<vmem>>
          %dma_start3A_1691 = tpu.memref_squeeze %dma_start3A_1690 : memref<1x50xi32, #tpu.memory_space<vmem>> -> memref<50xi32, #tpu.memory_space<vmem>>
          %dma_start3A_1692 = arith.constant 0 : i32
          %dma_start3A_1693 = arith.constant 0 : i32
          %dma_start3A_1694 = tpu.memref_slice %arg5[%dma_start3A_1692, %dma_start3A_1693] : memref<100000x128xf32, #tpu.memory_space<hbm>> -> memref<100000x128xf32, #tpu.memory_space<hbm>>
          tpu.enqueue_indirect_dma source(%dma_start3A_1694 : memref<100000x128xf32, #tpu.memory_space<hbm>>) target(%dma_start3A_1688 : memref<50x128xf32, #tpu.memory_space<vmem>>) offsets(%dma_start3A_1691 : memref<50xi32, #tpu.memory_space<vmem>>) semaphore(%arg18 : memref<!tpu.dma_semaphore, #tpu.memory_space<semaphore_mem>>)
        } else {
        }
        %broadcast_in_dim3A_84 = arith.constant 0.000000e+00 : f32
        %broadcast_in_dim3A_85 = vector.broadcast %broadcast_in_dim3A_84 : f32 to vector<16xf32>
        %broadcast_in_dim3A_86 = arith.constant 0.000000e+00 : f32
        %broadcast_in_dim3A_87 = vector.broadcast %broadcast_in_dim3A_86 : f32 to vector<16xf32>
        %broadcast_in_dim3A_88 = arith.constant 0.000000e+00 : f32
        %broadcast_in_dim3A_89 = vector.broadcast %broadcast_in_dim3A_88 : f32 to vector<16xf32>
        %broadcast_in_dim3A_90 = arith.constant 0.000000e+00 : f32
        %broadcast_in_dim3A_91 = vector.broadcast %broadcast_in_dim3A_90 : f32 to vector<16xf32>
        %broadcast_in_dim3A_92 = arith.constant 0.000000e+00 : f32
        %broadcast_in_dim3A_93 = vector.broadcast %broadcast_in_dim3A_92 : f32 to vector<16xf32>
        %broadcast_in_dim3A_94 = arith.constant 0.000000e+00 : f32
        %broadcast_in_dim3A_95 = vector.broadcast %broadcast_in_dim3A_94 : f32 to vector<16xf32>
        %broadcast_in_dim3A_96 = arith.constant 0.000000e+00 : f32
        %broadcast_in_dim3A_97 = vector.broadcast %broadcast_in_dim3A_96 : f32 to vector<16xf32>
        %broadcast_in_dim3A_98 = arith.constant 0.000000e+00 : f32
        %broadcast_in_dim3A_99 = vector.broadcast %broadcast_in_dim3A_98 : f32 to vector<16xf32>
        %mul3A_100 = arith.constant 8 : i32
        %mul3A_101 = arith.muli %add3A_79, %mul3A_100 : i32
        %get3A = arith.index_cast %mul3A_101 : i32 to index
        %get3A_102 = tpu.vector_load %arg10[%get3A] {strides = array<i32>} : memref<1040xi32, #tpu.memory_space<vmem>>, vector<16xi32>,
        %get3A_103 = vector.shape_cast %get3A_102 : vector<16xi32> to vector<16xi32>
        %slice3A = vector.extract_strided_slice %get3A_103 {offsets = [0], sizes = [1], strides = [1]} : vector<16xi32> to vector<1xi32>
        %squeeze3A = vector.extract %slice3A[0] : i32 from vector<1xi32>
        %get3A_104 = arith.index_cast %squeeze3A : i32 to index
        %get3A_105 = arith.constant 0 : index
        %get3A_106 = tpu.vector_load %arg11[%get3A_104, %get3A_105] {strides = array<i32>} : memref<1000x64xi32, #tpu.memory_space<vmem>>, vector<1x16xi32>,
        %get3A_107 = vector.shape_cast %get3A_106 : vector<1x16xi32> to vector<16xi32>
        %shift_left3A = arith.constant 16 : i32
        %shift_left3A_108 = vector.broadcast %shift_left3A : i32 to vector<16xi32>
        %shift_left3A_109 = arith.shli %get3A_107, %shift_left3A_108 : vector<16xi32>
        %bitcast_convert_type3A_110 = tpu.bitcast %shift_left3A_109 : vector<16xi32> -> vector<16xf32>
        %add3A_111 = arith.addf %broadcast_in_dim3A_85, %bitcast_convert_type3A_110 : vector<16xf32>
        %and3A = arith.constant -65536 : i32
        %and3A_112 = vector.broadcast %and3A : i32 to vector<16xi32>
        %and3A_113 = arith.andi %get3A_107, %and3A_112 : vector<16xi32>
        %bitcast_convert_type3A_114 = tpu.bitcast %and3A_113 : vector<16xi32> -> vector<16xf32>
        %add3A_115 = arith.addf %broadcast_in_dim3A_93, %bitcast_convert_type3A_114 : vector<16xf32>
        %get3A_116 = arith.index_cast %squeeze3A : i32 to index
        %get3A_117 = arith.constant 16 : index
        %get3A_118 = tpu.vector_load %arg11[%get3A_116, %get3A_117] {strides = array<i32>} : memref<1000x64xi32, #tpu.memory_space<vmem>>, vector<1x16xi32>,
        %get3A_119 = vector.shape_cast %get3A_118 : vector<1x16xi32> to vector<16xi32>
        %shift_left3A_120 = arith.constant 16 : i32
        %shift_left3A_121 = vector.broadcast %shift_left3A_120 : i32 to vector<16xi32>
        %shift_left3A_122 = arith.shli %get3A_119, %shift_left3A_121 : vector<16xi32>
        %bitcast_convert_type3A_123 = tpu.bitcast %shift_left3A_122 : vector<16xi32> -> vector<16xf32>
        %add3A_124 = arith.addf %broadcast_in_dim3A_87, %bitcast_convert_type3A_123 : vector<16xf32>
        %and3A_125 = arith.constant -65536 : i32
        %and3A_126 = vector.broadcast %and3A_125 : i32 to vector<16xi32>
        %and3A_127 = arith.andi %get3A_119, %and3A_126 : vector<16xi32>
        %bitcast_convert_type3A_128 = tpu.bitcast %and3A_127 : vector<16xi32> -> vector<16xf32>
        %add3A_129 = arith.addf %broadcast_in_dim3A_95, %bitcast_convert_type3A_128 : vector<16xf32>
        %get3A_130 = arith.index_cast %squeeze3A : i32 to index
        %get3A_131 = arith.constant 32 : index
        %get3A_132 = tpu.vector_load %arg11[%get3A_130, %get3A_131] {strides = array<i32>} : memref<1000x64xi32, #tpu.memory_space<vmem>>, vector<1x16xi32>,
        %get3A_133 = vector.shape_cast %get3A_132 : vector<1x16xi32> to vector<16xi32>
        %shift_left3A_134 = arith.constant 16 : i32
        %shift_left3A_135 = vector.broadcast %shift_left3A_134 : i32 to vector<16xi32>
        %shift_left3A_136 = arith.shli %get3A_133, %shift_left3A_135 : vector<16xi32>
        %bitcast_convert_type3A_137 = tpu.bitcast %shift_left3A_136 : vector<16xi32> -> vector<16xf32>
        %add3A_138 = arith.addf %broadcast_in_dim3A_89, %bitcast_convert_type3A_137 : vector<16xf32>
        %and3A_139 = arith.constant -65536 : i32
        %and3A_140 = vector.broadcast %and3A_139 : i32 to vector<16xi32>
        %and3A_141 = arith.andi %get3A_133, %and3A_140 : vector<16xi32>
        %bitcast_convert_type3A_142 = tpu.bitcast %and3A_141 : vector<16xi32> -> vector<16xf32>
        %add3A_143 = arith.addf %broadcast_in_dim3A_97, %bitcast_convert_type3A_142 : vector<16xf32>
        %get3A_144 = arith.index_cast %squeeze3A : i32 to index
        %get3A_145 = arith.constant 48 : index
        %get3A_146 = tpu.vector_load %arg11[%get3A_144, %get3A_145] {strides = array<i32>} : memref<1000x64xi32, #tpu.memory_space<vmem>>, vector<1x16xi32>,
        %get3A_147 = vector.shape_cast %get3A_146 : vector<1x16xi32> to vector<16xi32>
        %shift_left3A_148 = arith.constant 16 : i32
        %shift_left3A_149 = vector.broadcast %shift_left3A_148 : i32 to vector<16xi32>
        %shift_left3A_150 = arith.shli %get3A_147, %shift_left3A_149 : vector<16xi32>
        %bitcast_convert_type3A_151 = tpu.bitcast %shift_left3A_150 : vector<16xi32> -> vector<16xf32>
        %add3A_152 = arith.addf %broadcast_in_dim3A_91, %bitcast_convert_type3A_151 : vector<16xf32>
        %and3A_153 = arith.constant -65536 : i32
        %and3A_154 = vector.broadcast %and3A_153 : i32 to vector<16xi32>
        %and3A_155 = arith.andi %get3A_147, %and3A_154 : vector<16xi32>
        %bitcast_convert_type3A_156 = tpu.bitcast %and3A_155 : vector<16xi32> -> vector<16xf32>
        %add3A_157 = arith.addf %broadcast_in_dim3A_99, %bitcast_convert_type3A_156 : vector<16xf32>
        %slice3A_158 = vector.extract_strided_slice %get3A_103 {offsets = [1], sizes = [1], strides = [1]} : vector<16xi32> to vector<1xi32>
        %squeeze3A_159 = vector.extract %slice3A_158[0] : i32 from vector<1xi32>
        %get3A_160 = arith.index_cast %squeeze3A_159 : i32 to index
        %get3A_161 = arith.constant 0 : index
        %get3A_162 = tpu.vector_load %arg11[%get3A_160, %get3A_161] {strides = array<i32>} : memref<1000x64xi32, #tpu.memory_space<vmem>>, vector<1x16xi32>,
        %get3A_163 = vector.shape_cast %get3A_162 : vector<1x16xi32> to vector<16xi32>
        %shift_left3A_164 = arith.constant 16 : i32
        %shift_left3A_165 = vector.broadcast %shift_left3A_164 : i32 to vector<16xi32>
        %shift_left3A_166 = arith.shli %get3A_163, %shift_left3A_165 : vector<16xi32>
        %bitcast_convert_type3A_167 = tpu.bitcast %shift_left3A_166 : vector<16xi32> -> vector<16xf32>
        %add3A_168 = arith.addf %add3A_111, %bitcast_convert_type3A_167 : vector<16xf32>
        %and3A_169 = arith.constant -65536 : i32
        %and3A_170 = vector.broadcast %and3A_169 : i32 to vector<16xi32>
        %and3A_171 = arith.andi %get3A_163, %and3A_170 : vector<16xi32>
        %bitcast_convert_type3A_172 = tpu.bitcast %and3A_171 : vector<16xi32> -> vector<16xf32>
        %add3A_173 = arith.addf %add3A_115, %bitcast_convert_type3A_172 : vector<16xf32>
        %get3A_174 = arith.index_cast %squeeze3A_159 : i32 to index
        %get3A_175 = arith.constant 16 : index
        %get3A_176 = tpu.vector_load %arg11[%get3A_174, %get3A_175] {strides = array<i32>} : memref<1000x64xi32, #tpu.memory_space<vmem>>, vector<1x16xi32>,
        %get3A_177 = vector.shape_cast %get3A_176 : vector<1x16xi32> to vector<16xi32>
        %shift_left3A_178 = arith.constant 16 : i32
        %shift_left3A_179 = vector.broadcast %shift_left3A_178 : i32 to vector<16xi32>
        %shift_left3A_180 = arith.shli %get3A_177, %shift_left3A_179 : vector<16xi32>
        %bitcast_convert_type3A_181 = tpu.bitcast %shift_left3A_180 : vector<16xi32> -> vector<16xf32>
        %add3A_182 = arith.addf %add3A_124, %bitcast_convert_type3A_181 : vector<16xf32>
        %and3A_183 = arith.constant -65536 : i32
        %and3A_184 = vector.broadcast %and3A_183 : i32 to vector<16xi32>
        %and3A_185 = arith.andi %get3A_177, %and3A_184 : vector<16xi32>
        %bitcast_convert_type3A_186 = tpu.bitcast %and3A_185 : vector<16xi32> -> vector<16xf32>
        %add3A_187 = arith.addf %add3A_129, %bitcast_convert_type3A_186 : vector<16xf32>
        %get3A_188 = arith.index_cast %squeeze3A_159 : i32 to index
        %get3A_189 = arith.constant 32 : index
        %get3A_190 = tpu.vector_load %arg11[%get3A_188, %get3A_189] {strides = array<i32>} : memref<1000x64xi32, #tpu.memory_space<vmem>>, vector<1x16xi32>,
        %get3A_191 = vector.shape_cast %get3A_190 : vector<1x16xi32> to vector<16xi32>
        %shift_left3A_192 = arith.constant 16 : i32
        %shift_left3A_193 = vector.broadcast %shift_left3A_192 : i32 to vector<16xi32>
        %shift_left3A_194 = arith.shli %get3A_191, %shift_left3A_193 : vector<16xi32>
        %bitcast_convert_type3A_195 = tpu.bitcast %shift_left3A_194 : vector<16xi32> -> vector<16xf32>
        %add3A_196 = arith.addf %add3A_138, %bitcast_convert_type3A_195 : vector<16xf32>
        %and3A_197 = arith.constant -65536 : i32
        %and3A_198 = vector.broadcast %and3A_197 : i32 to vector<16xi32>
        %and3A_199 = arith.andi %get3A_191, %and3A_198 : vector<16xi32>
        %bitcast_convert_type3A_200 = tpu.bitcast %and3A_199 : vector<16xi32> -> vector<16xf32>
        %add3A_201 = arith.addf %add3A_143, %bitcast_convert_type3A_200 : vector<16xf32>
        %get3A_202 = arith.index_cast %squeeze3A_159 : i32 to index
        %get3A_203 = arith.constant 48 : index
        %get3A_204 = tpu.vector_load %arg11[%get3A_202, %get3A_203] {strides = array<i32>} : memref<1000x64xi32, #tpu.memory_space<vmem>>, vector<1x16xi32>,
        %get3A_205 = vector.shape_cast %get3A_204 : vector<1x16xi32> to vector<16xi32>
        %shift_left3A_206 = arith.constant 16 : i32
        %shift_left3A_207 = vector.broadcast %shift_left3A_206 : i32 to vector<16xi32>
        %shift_left3A_208 = arith.shli %get3A_205, %shift_left3A_207 : vector<16xi32>
        %bitcast_convert_type3A_209 = tpu.bitcast %shift_left3A_208 : vector<16xi32> -> vector<16xf32>
        %add3A_210 = arith.addf %add3A_152, %bitcast_convert_type3A_209 : vector<16xf32>
        %and3A_211 = arith.constant -65536 : i32
        %and3A_212 = vector.broadcast %and3A_211 : i32 to vector<16xi32>
        %and3A_213 = arith.andi %get3A_205, %and3A_212 : vector<16xi32>
        %bitcast_convert_type3A_214 = tpu.bitcast %and3A_213 : vector<16xi32> -> vector<16xf32>
        %add3A_215 = arith.addf %add3A_157, %bitcast_convert_type3A_214 : vector<16xf32>
        %slice3A_216 = vector.extract_strided_slice %get3A_103 {offsets = [2], sizes = [1], strides = [1]} : vector<16xi32> to vector<1xi32>
        %squeeze3A_217 = vector.extract %slice3A_216[0] : i32 from vector<1xi32>
        %get3A_218 = arith.index_cast %squeeze3A_217 : i32 to index
        %get3A_219 = arith.constant 0 : index
        %get3A_220 = tpu.vector_load %arg11[%get3A_218, %get3A_219] {strides = array<i32>} : memref<1000x64xi32, #tpu.memory_space<vmem>>, vector<1x16xi32>,
        %get3A_221 = vector.shape_cast %get3A_220 : vector<1x16xi32> to vector<16xi32>
        %shift_left3A_222 = arith.constant 16 : i32
        %shift_left3A_223 = vector.broadcast %shift_left3A_222 : i32 to vector<16xi32>
        %shift_left3A_224 = arith.shli %get3A_221, %shift_left3A_223 : vector<16xi32>
        %bitcast_convert_type3A_225 = tpu.bitcast %shift_left3A_224 : vector<16xi32> -> vector<16xf32>
        %add3A_226 = arith.addf %add3A_168, %bitcast_convert_type3A_225 : vector<16xf32>
        %and3A_227 = arith.constant -65536 : i32
        %and3A_228 = vector.broadcast %and3A_227 : i32 to vector<16xi32>
        %and3A_229 = arith.andi %get3A_221, %and3A_228 : vector<16xi32>
        %bitcast_convert_type3A_230 = tpu.bitcast %and3A_229 : vector<16xi32> -> vector<16xf32>
        %add3A_231 = arith.addf %add3A_173, %bitcast_convert_type3A_230 : vector<16xf32>
        %get3A_232 = arith.index_cast %squeeze3A_217 : i32 to index
        %get3A_233 = arith.constant 16 : index
        %get3A_234 = tpu.vector_load %arg11[%get3A_232, %get3A_233] {strides = array<i32>} : memref<1000x64xi32, #tpu.memory_space<vmem>>, vector<1x16xi32>,
        %get3A_235 = vector.shape_cast %get3A_234 : vector<1x16xi32> to vector<16xi32>
        %shift_left3A_236 = arith.constant 16 : i32
        %shift_left3A_237 = vector.broadcast %shift_left3A_236 : i32 to vector<16xi32>
        %shift_left3A_238 = arith.shli %get3A_235, %shift_left3A_237 : vector<16xi32>
        %bitcast_convert_type3A_239 = tpu.bitcast %shift_left3A_238 : vector<16xi32> -> vector<16xf32>
        %add3A_240 = arith.addf %add3A_182, %bitcast_convert_type3A_239 : vector<16xf32>
        %and3A_241 = arith.constant -65536 : i32
        %and3A_242 = vector.broadcast %and3A_241 : i32 to vector<16xi32>
        %and3A_243 = arith.andi %get3A_235, %and3A_242 : vector<16xi32>
        %bitcast_convert_type3A_244 = tpu.bitcast %and3A_243 : vector<16xi32> -> vector<16xf32>
        %add3A_245 = arith.addf %add3A_187, %bitcast_convert_type3A_244 : vector<16xf32>
        %get3A_246 = arith.index_cast %squeeze3A_217 : i32 to index
        %get3A_247 = arith.constant 32 : index
        %get3A_248 = tpu.vector_load %arg11[%get3A_246, %get3A_247] {strides = array<i32>} : memref<1000x64xi32, #tpu.memory_space<vmem>>, vector<1x16xi32>,
        %get3A_249 = vector.shape_cast %get3A_248 : vector<1x16xi32> to vector<16xi32>
        %shift_left3A_250 = arith.constant 16 : i32
        %shift_left3A_251 = vector.broadcast %shift_left3A_250 : i32 to vector<16xi32>
        %shift_left3A_252 = arith.shli %get3A_249, %shift_left3A_251 : vector<16xi32>
        %bitcast_convert_type3A_253 = tpu.bitcast %shift_left3A_252 : vector<16xi32> -> vector<16xf32>
        %add3A_254 = arith.addf %add3A_196, %bitcast_convert_type3A_253 : vector<16xf32>
        %and3A_255 = arith.constant -65536 : i32
        %and3A_256 = vector.broadcast %and3A_255 : i32 to vector<16xi32>
        %and3A_257 = arith.andi %get3A_249, %and3A_256 : vector<16xi32>
        %bitcast_convert_type3A_258 = tpu.bitcast %and3A_257 : vector<16xi32> -> vector<16xf32>
        %add3A_259 = arith.addf %add3A_201, %bitcast_convert_type3A_258 : vector<16xf32>
        %get3A_260 = arith.index_cast %squeeze3A_217 : i32 to index
        %get3A_261 = arith.constant 48 : index
        %get3A_262 = tpu.vector_load %arg11[%get3A_260, %get3A_261] {strides = array<i32>} : memref<1000x64xi32, #tpu.memory_space<vmem>>, vector<1x16xi32>,
        %get3A_263 = vector.shape_cast %get3A_262 : vector<1x16xi32> to vector<16xi32>
        %shift_left3A_264 = arith.constant 16 : i32
        %shift_left3A_265 = vector.broadcast %shift_left3A_264 : i32 to vector<16xi32>
        %shift_left3A_266 = arith.shli %get3A_263, %shift_left3A_265 : vector<16xi32>
        %bitcast_convert_type3A_267 = tpu.bitcast %shift_left3A_266 : vector<16xi32> -> vector<16xf32>
        %add3A_268 = arith.addf %add3A_210, %bitcast_convert_type3A_267 : vector<16xf32>
        %and3A_269 = arith.constant -65536 : i32
        %and3A_270 = vector.broadcast %and3A_269 : i32 to vector<16xi32>
        %and3A_271 = arith.andi %get3A_263, %and3A_270 : vector<16xi32>
        %bitcast_convert_type3A_272 = tpu.bitcast %and3A_271 : vector<16xi32> -> vector<16xf32>
        %add3A_273 = arith.addf %add3A_215, %bitcast_convert_type3A_272 : vector<16xf32>
        %slice3A_274 = vector.extract_strided_slice %get3A_103 {offsets = [3], sizes = [1], strides = [1]} : vector<16xi32> to vector<1xi32>
        %squeeze3A_275 = vector.extract %slice3A_274[0] : i32 from vector<1xi32>
        %get3A_276 = arith.index_cast %squeeze3A_275 : i32 to index
        %get3A_277 = arith.constant 0 : index
        %get3A_278 = tpu.vector_load %arg11[%get3A_276, %get3A_277] {strides = array<i32>} : memref<1000x64xi32, #tpu.memory_space<vmem>>, vector<1x16xi32>,
        %get3A_279 = vector.shape_cast %get3A_278 : vector<1x16xi32> to vector<16xi32>
        %shift_left3A_280 = arith.constant 16 : i32
        %shift_left3A_281 = vector.broadcast %shift_left3A_280 : i32 to vector<16xi32>
        %shift_left3A_282 = arith.shli %get3A_279, %shift_left3A_281 : vector<16xi32>
        %bitcast_convert_type3A_283 = tpu.bitcast %shift_left3A_282 : vector<16xi32> -> vector<16xf32>
        %add3A_284 = arith.addf %add3A_226, %bitcast_convert_type3A_283 : vector<16xf32>
        %and3A_285 = arith.constant -65536 : i32
        %and3A_286 = vector.broadcast %and3A_285 : i32 to vector<16xi32>
        %and3A_287 = arith.andi %get3A_279, %and3A_286 : vector<16xi32>
        %bitcast_convert_type3A_288 = tpu.bitcast %and3A_287 : vector<16xi32> -> vector<16xf32>
        %add3A_289 = arith.addf %add3A_231, %bitcast_convert_type3A_288 : vector<16xf32>
        %get3A_290 = arith.index_cast %squeeze3A_275 : i32 to index
        %get3A_291 = arith.constant 16 : index
        %get3A_292 = tpu.vector_load %arg11[%get3A_290, %get3A_291] {strides = array<i32>} : memref<1000x64xi32, #tpu.memory_space<vmem>>, vector<1x16xi32>,
        %get3A_293 = vector.shape_cast %get3A_292 : vector<1x16xi32> to vector<16xi32>
        %shift_left3A_294 = arith.constant 16 : i32
        %shift_left3A_295 = vector.broadcast %shift_left3A_294 : i32 to vector<16xi32>
        %shift_left3A_296 = arith.shli %get3A_293, %shift_left3A_295 : vector<16xi32>
        %bitcast_convert_type3A_297 = tpu.bitcast %shift_left3A_296 : vector<16xi32> -> vector<16xf32>
        %add3A_298 = arith.addf %add3A_240, %bitcast_convert_type3A_297 : vector<16xf32>
        %and3A_299 = arith.constant -65536 : i32
        %and3A_300 = vector.broadcast %and3A_299 : i32 to vector<16xi32>
        %and3A_301 = arith.andi %get3A_293, %and3A_300 : vector<16xi32>
        %bitcast_convert_type3A_302 = tpu.bitcast %and3A_301 : vector<16xi32> -> vector<16xf32>
        %add3A_303 = arith.addf %add3A_245, %bitcast_convert_type3A_302 : vector<16xf32>
        %get3A_304 = arith.index_cast %squeeze3A_275 : i32 to index
        %get3A_305 = arith.constant 32 : index
        %get3A_306 = tpu.vector_load %arg11[%get3A_304, %get3A_305] {strides = array<i32>} : memref<1000x64xi32, #tpu.memory_space<vmem>>, vector<1x16xi32>,
        %get3A_307 = vector.shape_cast %get3A_306 : vector<1x16xi32> to vector<16xi32>
        %shift_left3A_308 = arith.constant 16 : i32
        %shift_left3A_309 = vector.broadcast %shift_left3A_308 : i32 to vector<16xi32>
        %shift_left3A_310 = arith.shli %get3A_307, %shift_left3A_309 : vector<16xi32>
        %bitcast_convert_type3A_311 = tpu.bitcast %shift_left3A_310 : vector<16xi32> -> vector<16xf32>
        %add3A_312 = arith.addf %add3A_254, %bitcast_convert_type3A_311 : vector<16xf32>
        %and3A_313 = arith.constant -65536 : i32
        %and3A_314 = vector.broadcast %and3A_313 : i32 to vector<16xi32>
        %and3A_315 = arith.andi %get3A_307, %and3A_314 : vector<16xi32>
        %bitcast_convert_type3A_316 = tpu.bitcast %and3A_315 : vector<16xi32> -> vector<16xf32>
        %add3A_317 = arith.addf %add3A_259, %bitcast_convert_type3A_316 : vector<16xf32>
        %get3A_318 = arith.index_cast %squeeze3A_275 : i32 to index
        %get3A_319 = arith.constant 48 : index
        %get3A_320 = tpu.vector_load %arg11[%get3A_318, %get3A_319] {strides = array<i32>} : memref<1000x64xi32, #tpu.memory_space<vmem>>, vector<1x16xi32>,
        %get3A_321 = vector.shape_cast %get3A_320 : vector<1x16xi32> to vector<16xi32>
        %shift_left3A_322 = arith.constant 16 : i32
        %shift_left3A_323 = vector.broadcast %shift_left3A_322 : i32 to vector<16xi32>
        %shift_left3A_324 = arith.shli %get3A_321, %shift_left3A_323 : vector<16xi32>
        %bitcast_convert_type3A_325 = tpu.bitcast %shift_left3A_324 : vector<16xi32> -> vector<16xf32>
        %add3A_326 = arith.addf %add3A_268, %bitcast_convert_type3A_325 : vector<16xf32>
        %and3A_327 = arith.constant -65536 : i32
        %and3A_328 = vector.broadcast %and3A_327 : i32 to vector<16xi32>
        %and3A_329 = arith.andi %get3A_321, %and3A_328 : vector<16xi32>
        %bitcast_convert_type3A_330 = tpu.bitcast %and3A_329 : vector<16xi32> -> vector<16xf32>
        %add3A_331 = arith.addf %add3A_273, %bitcast_convert_type3A_330 : vector<16xf32>
        %slice3A_332 = vector.extract_strided_slice %get3A_103 {offsets = [4], sizes = [1], strides = [1]} : vector<16xi32> to vector<1xi32>
        %squeeze3A_333 = vector.extract %slice3A_332[0] : i32 from vector<1xi32>
        %get3A_334 = arith.index_cast %squeeze3A_333 : i32 to index
        %get3A_335 = arith.constant 0 : index
        %get3A_336 = tpu.vector_load %arg11[%get3A_334, %get3A_335] {strides = array<i32>} : memref<1000x64xi32, #tpu.memory_space<vmem>>, vector<1x16xi32>,
        %get3A_337 = vector.shape_cast %get3A_336 : vector<1x16xi32> to vector<16xi32>
        %shift_left3A_338 = arith.constant 16 : i32
        %shift_left3A_339 = vector.broadcast %shift_left3A_338 : i32 to vector<16xi32>
        %shift_left3A_340 = arith.shli %get3A_337, %shift_left3A_339 : vector<16xi32>
        %bitcast_convert_type3A_341 = tpu.bitcast %shift_left3A_340 : vector<16xi32> -> vector<16xf32>
        %add3A_342 = arith.addf %add3A_284, %bitcast_convert_type3A_341 : vector<16xf32>
        %and3A_343 = arith.constant -65536 : i32
        %and3A_344 = vector.broadcast %and3A_343 : i32 to vector<16xi32>
        %and3A_345 = arith.andi %get3A_337, %and3A_344 : vector<16xi32>
        %bitcast_convert_type3A_346 = tpu.bitcast %and3A_345 : vector<16xi32> -> vector<16xf32>
        %add3A_347 = arith.addf %add3A_289, %bitcast_convert_type3A_346 : vector<16xf32>
        %get3A_348 = arith.index_cast %squeeze3A_333 : i32 to index
        %get3A_349 = arith.constant 16 : index
        %get3A_350 = tpu.vector_load %arg11[%get3A_348, %get3A_349] {strides = array<i32>} : memref<1000x64xi32, #tpu.memory_space<vmem>>, vector<1x16xi32>,
        %get3A_351 = vector.shape_cast %get3A_350 : vector<1x16xi32> to vector<16xi32>
        %shift_left3A_352 = arith.constant 16 : i32
        %shift_left3A_353 = vector.broadcast %shift_left3A_352 : i32 to vector<16xi32>
        %shift_left3A_354 = arith.shli %get3A_351, %shift_left3A_353 : vector<16xi32>
        %bitcast_convert_type3A_355 = tpu.bitcast %shift_left3A_354 : vector<16xi32> -> vector<16xf32>
        %add3A_356 = arith.addf %add3A_298, %bitcast_convert_type3A_355 : vector<16xf32>
        %and3A_357 = arith.constant -65536 : i32
        %and3A_358 = vector.broadcast %and3A_357 : i32 to vector<16xi32>
        %and3A_359 = arith.andi %get3A_351, %and3A_358 : vector<16xi32>
        %bitcast_convert_type3A_360 = tpu.bitcast %and3A_359 : vector<16xi32> -> vector<16xf32>
        %add3A_361 = arith.addf %add3A_303, %bitcast_convert_type3A_360 : vector<16xf32>
        %get3A_362 = arith.index_cast %squeeze3A_333 : i32 to index
        %get3A_363 = arith.constant 32 : index
        %get3A_364 = tpu.vector_load %arg11[%get3A_362, %get3A_363] {strides = array<i32>} : memref<1000x64xi32, #tpu.memory_space<vmem>>, vector<1x16xi32>,
        %get3A_365 = vector.shape_cast %get3A_364 : vector<1x16xi32> to vector<16xi32>
        %shift_left3A_366 = arith.constant 16 : i32
        %shift_left3A_367 = vector.broadcast %shift_left3A_366 : i32 to vector<16xi32>
        %shift_left3A_368 = arith.shli %get3A_365, %shift_left3A_367 : vector<16xi32>
        %bitcast_convert_type3A_369 = tpu.bitcast %shift_left3A_368 : vector<16xi32> -> vector<16xf32>
        %add3A_370 = arith.addf %add3A_312, %bitcast_convert_type3A_369 : vector<16xf32>
        %and3A_371 = arith.constant -65536 : i32
        %and3A_372 = vector.broadcast %and3A_371 : i32 to vector<16xi32>
        %and3A_373 = arith.andi %get3A_365, %and3A_372 : vector<16xi32>
        %bitcast_convert_type3A_374 = tpu.bitcast %and3A_373 : vector<16xi32> -> vector<16xf32>
        %add3A_375 = arith.addf %add3A_317, %bitcast_convert_type3A_374 : vector<16xf32>
        %get3A_376 = arith.index_cast %squeeze3A_333 : i32 to index
        %get3A_377 = arith.constant 48 : index
        %get3A_378 = tpu.vector_load %arg11[%get3A_376, %get3A_377] {strides = array<i32>} : memref<1000x64xi32, #tpu.memory_space<vmem>>, vector<1x16xi32>,
        %get3A_379 = vector.shape_cast %get3A_378 : vector<1x16xi32> to vector<16xi32>
        %shift_left3A_380 = arith.constant 16 : i32
        %shift_left3A_381 = vector.broadcast %shift_left3A_380 : i32 to vector<16xi32>
        %shift_left3A_382 = arith.shli %get3A_379, %shift_left3A_381 : vector<16xi32>
        %bitcast_convert_type3A_383 = tpu.bitcast %shift_left3A_382 : vector<16xi32> -> vector<16xf32>
        %add3A_384 = arith.addf %add3A_326, %bitcast_convert_type3A_383 : vector<16xf32>
        %and3A_385 = arith.constant -65536 : i32
        %and3A_386 = vector.broadcast %and3A_385 : i32 to vector<16xi32>
        %and3A_387 = arith.andi %get3A_379, %and3A_386 : vector<16xi32>
        %bitcast_convert_type3A_388 = tpu.bitcast %and3A_387 : vector<16xi32> -> vector<16xf32>
        %add3A_389 = arith.addf %add3A_331, %bitcast_convert_type3A_388 : vector<16xf32>
        %slice3A_390 = vector.extract_strided_slice %get3A_103 {offsets = [5], sizes = [1], strides = [1]} : vector<16xi32> to vector<1xi32>
        %squeeze3A_391 = vector.extract %slice3A_390[0] : i32 from vector<1xi32>
        %get3A_392 = arith.index_cast %squeeze3A_391 : i32 to index
        %get3A_393 = arith.constant 0 : index
        %get3A_394 = tpu.vector_load %arg11[%get3A_392, %get3A_393] {strides = array<i32>} : memref<1000x64xi32, #tpu.memory_space<vmem>>, vector<1x16xi32>,
        %get3A_395 = vector.shape_cast %get3A_394 : vector<1x16xi32> to vector<16xi32>
        %shift_left3A_396 = arith.constant 16 : i32
        %shift_left3A_397 = vector.broadcast %shift_left3A_396 : i32 to vector<16xi32>
        %shift_left3A_398 = arith.shli %get3A_395, %shift_left3A_397 : vector<16xi32>
        %bitcast_convert_type3A_399 = tpu.bitcast %shift_left3A_398 : vector<16xi32> -> vector<16xf32>
        %add3A_400 = arith.addf %add3A_342, %bitcast_convert_type3A_399 : vector<16xf32>
        %and3A_401 = arith.constant -65536 : i32
        %and3A_402 = vector.broadcast %and3A_401 : i32 to vector<16xi32>
        %and3A_403 = arith.andi %get3A_395, %and3A_402 : vector<16xi32>
        %bitcast_convert_type3A_404 = tpu.bitcast %and3A_403 : vector<16xi32> -> vector<16xf32>
        %add3A_405 = arith.addf %add3A_347, %bitcast_convert_type3A_404 : vector<16xf32>
        %get3A_406 = arith.index_cast %squeeze3A_391 : i32 to index
        %get3A_407 = arith.constant 16 : index
        %get3A_408 = tpu.vector_load %arg11[%get3A_406, %get3A_407] {strides = array<i32>} : memref<1000x64xi32, #tpu.memory_space<vmem>>, vector<1x16xi32>,
        %get3A_409 = vector.shape_cast %get3A_408 : vector<1x16xi32> to vector<16xi32>
        %shift_left3A_410 = arith.constant 16 : i32
        %shift_left3A_411 = vector.broadcast %shift_left3A_410 : i32 to vector<16xi32>
        %shift_left3A_412 = arith.shli %get3A_409, %shift_left3A_411 : vector<16xi32>
        %bitcast_convert_type3A_413 = tpu.bitcast %shift_left3A_412 : vector<16xi32> -> vector<16xf32>
        %add3A_414 = arith.addf %add3A_356, %bitcast_convert_type3A_413 : vector<16xf32>
        %and3A_415 = arith.constant -65536 : i32
        %and3A_416 = vector.broadcast %and3A_415 : i32 to vector<16xi32>
        %and3A_417 = arith.andi %get3A_409, %and3A_416 : vector<16xi32>
        %bitcast_convert_type3A_418 = tpu.bitcast %and3A_417 : vector<16xi32> -> vector<16xf32>
        %add3A_419 = arith.addf %add3A_361, %bitcast_convert_type3A_418 : vector<16xf32>
        %get3A_420 = arith.index_cast %squeeze3A_391 : i32 to index
        %get3A_421 = arith.constant 32 : index
        %get3A_422 = tpu.vector_load %arg11[%get3A_420, %get3A_421] {strides = array<i32>} : memref<1000x64xi32, #tpu.memory_space<vmem>>, vector<1x16xi32>,
        %get3A_423 = vector.shape_cast %get3A_422 : vector<1x16xi32> to vector<16xi32>
        %shift_left3A_424 = arith.constant 16 : i32
        %shift_left3A_425 = vector.broadcast %shift_left3A_424 : i32 to vector<16xi32>
        %shift_left3A_426 = arith.shli %get3A_423, %shift_left3A_425 : vector<16xi32>
        %bitcast_convert_type3A_427 = tpu.bitcast %shift_left3A_426 : vector<16xi32> -> vector<16xf32>
        %add3A_428 = arith.addf %add3A_370, %bitcast_convert_type3A_427 : vector<16xf32>
        %and3A_429 = arith.constant -65536 : i32
        %and3A_430 = vector.broadcast %and3A_429 : i32 to vector<16xi32>
        %and3A_431 = arith.andi %get3A_423, %and3A_430 : vector<16xi32>
        %bitcast_convert_type3A_432 = tpu.bitcast %and3A_431 : vector<16xi32> -> vector<16xf32>
        %add3A_433 = arith.addf %add3A_375, %bitcast_convert_type3A_432 : vector<16xf32>
        %get3A_434 = arith.index_cast %squeeze3A_391 : i32 to index
        %get3A_435 = arith.constant 48 : index
        %get3A_436 = tpu.vector_load %arg11[%get3A_434, %get3A_435] {strides = array<i32>} : memref<1000x64xi32, #tpu.memory_space<vmem>>, vector<1x16xi32>,
        %get3A_437 = vector.shape_cast %get3A_436 : vector<1x16xi32> to vector<16xi32>
        %shift_left3A_438 = arith.constant 16 : i32
        %shift_left3A_439 = vector.broadcast %shift_left3A_438 : i32 to vector<16xi32>
        %shift_left3A_440 = arith.shli %get3A_437, %shift_left3A_439 : vector<16xi32>
        %bitcast_convert_type3A_441 = tpu.bitcast %shift_left3A_440 : vector<16xi32> -> vector<16xf32>
        %add3A_442 = arith.addf %add3A_384, %bitcast_convert_type3A_441 : vector<16xf32>
        %and3A_443 = arith.constant -65536 : i32
        %and3A_444 = vector.broadcast %and3A_443 : i32 to vector<16xi32>
        %and3A_445 = arith.andi %get3A_437, %and3A_444 : vector<16xi32>
        %bitcast_convert_type3A_446 = tpu.bitcast %and3A_445 : vector<16xi32> -> vector<16xf32>
        %add3A_447 = arith.addf %add3A_389, %bitcast_convert_type3A_446 : vector<16xf32>
        %slice3A_448 = vector.extract_strided_slice %get3A_103 {offsets = [6], sizes = [1], strides = [1]} : vector<16xi32> to vector<1xi32>
        %squeeze3A_449 = vector.extract %slice3A_448[0] : i32 from vector<1xi32>
        %get3A_450 = arith.index_cast %squeeze3A_449 : i32 to index
        %get3A_451 = arith.constant 0 : index
        %get3A_452 = tpu.vector_load %arg11[%get3A_450, %get3A_451] {strides = array<i32>} : memref<1000x64xi32, #tpu.memory_space<vmem>>, vector<1x16xi32>,
        %get3A_453 = vector.shape_cast %get3A_452 : vector<1x16xi32> to vector<16xi32>
        %shift_left3A_454 = arith.constant 16 : i32
        %shift_left3A_455 = vector.broadcast %shift_left3A_454 : i32 to vector<16xi32>
        %shift_left3A_456 = arith.shli %get3A_453, %shift_left3A_455 : vector<16xi32>
        %bitcast_convert_type3A_457 = tpu.bitcast %shift_left3A_456 : vector<16xi32> -> vector<16xf32>
        %add3A_458 = arith.addf %add3A_400, %bitcast_convert_type3A_457 : vector<16xf32>
        %and3A_459 = arith.constant -65536 : i32
        %and3A_460 = vector.broadcast %and3A_459 : i32 to vector<16xi32>
        %and3A_461 = arith.andi %get3A_453, %and3A_460 : vector<16xi32>
        %bitcast_convert_type3A_462 = tpu.bitcast %and3A_461 : vector<16xi32> -> vector<16xf32>
        %add3A_463 = arith.addf %add3A_405, %bitcast_convert_type3A_462 : vector<16xf32>
        %get3A_464 = arith.index_cast %squeeze3A_449 : i32 to index
        %get3A_465 = arith.constant 16 : index
        %get3A_466 = tpu.vector_load %arg11[%get3A_464, %get3A_465] {strides = array<i32>} : memref<1000x64xi32, #tpu.memory_space<vmem>>, vector<1x16xi32>,
        %get3A_467 = vector.shape_cast %get3A_466 : vector<1x16xi32> to vector<16xi32>
        %shift_left3A_468 = arith.constant 16 : i32
        %shift_left3A_469 = vector.broadcast %shift_left3A_468 : i32 to vector<16xi32>
        %shift_left3A_470 = arith.shli %get3A_467, %shift_left3A_469 : vector<16xi32>
        %bitcast_convert_type3A_471 = tpu.bitcast %shift_left3A_470 : vector<16xi32> -> vector<16xf32>
        %add3A_472 = arith.addf %add3A_414, %bitcast_convert_type3A_471 : vector<16xf32>
        %and3A_473 = arith.constant -65536 : i32
        %and3A_474 = vector.broadcast %and3A_473 : i32 to vector<16xi32>
        %and3A_475 = arith.andi %get3A_467, %and3A_474 : vector<16xi32>
        %bitcast_convert_type3A_476 = tpu.bitcast %and3A_475 : vector<16xi32> -> vector<16xf32>
        %add3A_477 = arith.addf %add3A_419, %bitcast_convert_type3A_476 : vector<16xf32>
        %get3A_478 = arith.index_cast %squeeze3A_449 : i32 to index
        %get3A_479 = arith.constant 32 : index
        %get3A_480 = tpu.vector_load %arg11[%get3A_478, %get3A_479] {strides = array<i32>} : memref<1000x64xi32, #tpu.memory_space<vmem>>, vector<1x16xi32>,
        %get3A_481 = vector.shape_cast %get3A_480 : vector<1x16xi32> to vector<16xi32>
        %shift_left3A_482 = arith.constant 16 : i32
        %shift_left3A_483 = vector.broadcast %shift_left3A_482 : i32 to vector<16xi32>
        %shift_left3A_484 = arith.shli %get3A_481, %shift_left3A_483 : vector<16xi32>
        %bitcast_convert_type3A_485 = tpu.bitcast %shift_left3A_484 : vector<16xi32> -> vector<16xf32>
        %add3A_486 = arith.addf %add3A_428, %bitcast_convert_type3A_485 : vector<16xf32>
        %and3A_487 = arith.constant -65536 : i32
        %and3A_488 = vector.broadcast %and3A_487 : i32 to vector<16xi32>
        %and3A_489 = arith.andi %get3A_481, %and3A_488 : vector<16xi32>
        %bitcast_convert_type3A_490 = tpu.bitcast %and3A_489 : vector<16xi32> -> vector<16xf32>
        %add3A_491 = arith.addf %add3A_433, %bitcast_convert_type3A_490 : vector<16xf32>
        %get3A_492 = arith.index_cast %squeeze3A_449 : i32 to index
        %get3A_493 = arith.constant 48 : index
        %get3A_494 = tpu.vector_load %arg11[%get3A_492, %get3A_493] {strides = array<i32>} : memref<1000x64xi32, #tpu.memory_space<vmem>>, vector<1x16xi32>,
        %get3A_495 = vector.shape_cast %get3A_494 : vector<1x16xi32> to vector<16xi32>
        %shift_left3A_496 = arith.constant 16 : i32
        %shift_left3A_497 = vector.broadcast %shift_left3A_496 : i32 to vector<16xi32>
        %shift_left3A_498 = arith.shli %get3A_495, %shift_left3A_497 : vector<16xi32>
        %bitcast_convert_type3A_499 = tpu.bitcast %shift_left3A_498 : vector<16xi32> -> vector<16xf32>
        %add3A_500 = arith.addf %add3A_442, %bitcast_convert_type3A_499 : vector<16xf32>
        %and3A_501 = arith.constant -65536 : i32
        %and3A_502 = vector.broadcast %and3A_501 : i32 to vector<16xi32>
        %and3A_503 = arith.andi %get3A_495, %and3A_502 : vector<16xi32>
        %bitcast_convert_type3A_504 = tpu.bitcast %and3A_503 : vector<16xi32> -> vector<16xf32>
        %add3A_505 = arith.addf %add3A_447, %bitcast_convert_type3A_504 : vector<16xf32>
        %slice3A_506 = vector.extract_strided_slice %get3A_103 {offsets = [7], sizes = [1], strides = [1]} : vector<16xi32> to vector<1xi32>
        %squeeze3A_507 = vector.extract %slice3A_506[0] : i32 from vector<1xi32>
        %get3A_508 = arith.index_cast %squeeze3A_507 : i32 to index
        %get3A_509 = arith.constant 0 : index
        %get3A_510 = tpu.vector_load %arg11[%get3A_508, %get3A_509] {strides = array<i32>} : memref<1000x64xi32, #tpu.memory_space<vmem>>, vector<1x16xi32>,
        %get3A_511 = vector.shape_cast %get3A_510 : vector<1x16xi32> to vector<16xi32>
        %shift_left3A_512 = arith.constant 16 : i32
        %shift_left3A_513 = vector.broadcast %shift_left3A_512 : i32 to vector<16xi32>
        %shift_left3A_514 = arith.shli %get3A_511, %shift_left3A_513 : vector<16xi32>
        %bitcast_convert_type3A_515 = tpu.bitcast %shift_left3A_514 : vector<16xi32> -> vector<16xf32>
        %add3A_516 = arith.addf %add3A_458, %bitcast_convert_type3A_515 : vector<16xf32>
        %and3A_517 = arith.constant -65536 : i32
        %and3A_518 = vector.broadcast %and3A_517 : i32 to vector<16xi32>
        %and3A_519 = arith.andi %get3A_511, %and3A_518 : vector<16xi32>
        %bitcast_convert_type3A_520 = tpu.bitcast %and3A_519 : vector<16xi32> -> vector<16xf32>
        %add3A_521 = arith.addf %add3A_463, %bitcast_convert_type3A_520 : vector<16xf32>
        %get3A_522 = arith.index_cast %squeeze3A_507 : i32 to index
        %get3A_523 = arith.constant 16 : index
        %get3A_524 = tpu.vector_load %arg11[%get3A_522, %get3A_523] {strides = array<i32>} : memref<1000x64xi32, #tpu.memory_space<vmem>>, vector<1x16xi32>,
        %get3A_525 = vector.shape_cast %get3A_524 : vector<1x16xi32> to vector<16xi32>
        %shift_left3A_526 = arith.constant 16 : i32
        %shift_left3A_527 = vector.broadcast %shift_left3A_526 : i32 to vector<16xi32>
        %shift_left3A_528 = arith.shli %get3A_525, %shift_left3A_527 : vector<16xi32>
        %bitcast_convert_type3A_529 = tpu.bitcast %shift_left3A_528 : vector<16xi32> -> vector<16xf32>
        %add3A_530 = arith.addf %add3A_472, %bitcast_convert_type3A_529 : vector<16xf32>
        %and3A_531 = arith.constant -65536 : i32
        %and3A_532 = vector.broadcast %and3A_531 : i32 to vector<16xi32>
        %and3A_533 = arith.andi %get3A_525, %and3A_532 : vector<16xi32>
        %bitcast_convert_type3A_534 = tpu.bitcast %and3A_533 : vector<16xi32> -> vector<16xf32>
        %add3A_535 = arith.addf %add3A_477, %bitcast_convert_type3A_534 : vector<16xf32>
        %get3A_536 = arith.index_cast %squeeze3A_507 : i32 to index
        %get3A_537 = arith.constant 32 : index
        %get3A_538 = tpu.vector_load %arg11[%get3A_536, %get3A_537] {strides = array<i32>} : memref<1000x64xi32, #tpu.memory_space<vmem>>, vector<1x16xi32>,
        %get3A_539 = vector.shape_cast %get3A_538 : vector<1x16xi32> to vector<16xi32>
        %shift_left3A_540 = arith.constant 16 : i32
        %shift_left3A_541 = vector.broadcast %shift_left3A_540 : i32 to vector<16xi32>
        %shift_left3A_542 = arith.shli %get3A_539, %shift_left3A_541 : vector<16xi32>
        %bitcast_convert_type3A_543 = tpu.bitcast %shift_left3A_542 : vector<16xi32> -> vector<16xf32>
        %add3A_544 = arith.addf %add3A_486, %bitcast_convert_type3A_543 : vector<16xf32>
        %and3A_545 = arith.constant -65536 : i32
        %and3A_546 = vector.broadcast %and3A_545 : i32 to vector<16xi32>
        %and3A_547 = arith.andi %get3A_539, %and3A_546 : vector<16xi32>
        %bitcast_convert_type3A_548 = tpu.bitcast %and3A_547 : vector<16xi32> -> vector<16xf32>
        %add3A_549 = arith.addf %add3A_491, %bitcast_convert_type3A_548 : vector<16xf32>
        %get3A_550 = arith.index_cast %squeeze3A_507 : i32 to index
        %get3A_551 = arith.constant 48 : index
        %get3A_552 = tpu.vector_load %arg11[%get3A_550, %get3A_551] {strides = array<i32>} : memref<1000x64xi32, #tpu.memory_space<vmem>>, vector<1x16xi32>,
        %get3A_553 = vector.shape_cast %get3A_552 : vector<1x16xi32> to vector<16xi32>
        %shift_left3A_554 = arith.constant 16 : i32
        %shift_left3A_555 = vector.broadcast %shift_left3A_554 : i32 to vector<16xi32>
        %shift_left3A_556 = arith.shli %get3A_553, %shift_left3A_555 : vector<16xi32>
        %bitcast_convert_type3A_557 = tpu.bitcast %shift_left3A_556 : vector<16xi32> -> vector<16xf32>
        %add3A_558 = arith.addf %add3A_500, %bitcast_convert_type3A_557 : vector<16xf32>
        %and3A_559 = arith.constant -65536 : i32
        %and3A_560 = vector.broadcast %and3A_559 : i32 to vector<16xi32>
        %and3A_561 = arith.andi %get3A_553, %and3A_560 : vector<16xi32>
        %bitcast_convert_type3A_562 = tpu.bitcast %and3A_561 : vector<16xi32> -> vector<16xf32>
        %add3A_563 = arith.addf %add3A_505, %bitcast_convert_type3A_562 : vector<16xf32>
        %dma_wait3A = arith.constant 0 : i32
        %dma_wait3A_564 = arith.constant 0 : i32
        %dma_wait3A_565 = tpu.memref_slice %arg12[%dma_wait3A, %dma_wait3A_564] : memref<100x128xf32, #tpu.memory_space<vmem>> -> memref<50x128xf32, #tpu.memory_space<vmem>>
        %dma_wait3A_566 = arith.constant 0 : i32
        %dma_wait3A_567 = tpu.memref_slice %arg8[%add3A_79, %dma_wait3A_566] : memref<128x50xi32, #tpu.memory_space<vmem>> -> memref<1x50xi32, #tpu.memory_space<vmem>>
        %dma_wait3A_568 = tpu.memref_squeeze %dma_wait3A_567 : memref<1x50xi32, #tpu.memory_space<vmem>> -> memref<50xi32, #tpu.memory_space<vmem>>
        %dma_wait3A_569 = arith.constant 0 : i32
        %dma_wait3A_570 = arith.constant 0 : i32
        %dma_wait3A_571 = tpu.memref_slice %arg5[%dma_wait3A_569, %dma_wait3A_570] : memref<100000x128xf32, #tpu.memory_space<hbm>> -> memref<100000x128xf32, #tpu.memory_space<hbm>>
        tpu.wait_indirect_dma semaphore(%arg15 : memref<!tpu.dma_semaphore, #tpu.memory_space<semaphore_mem>>) src(%dma_wait3A_571 : memref<100000x128xf32, #tpu.memory_space<hbm>>) dst(%dma_wait3A_565 : memref<50x128xf32, #tpu.memory_space<vmem>>)
        %dma_wait3A_572 = arith.constant 50 : i32
        %dma_wait3A_573 = arith.constant 0 : i32
        %dma_wait3A_574 = tpu.memref_slice %arg12[%dma_wait3A_572, %dma_wait3A_573] : memref<100x128xf32, #tpu.memory_space<vmem>> -> memref<50x128xf32, #tpu.memory_space<vmem>>
        %dma_wait3A_575 = arith.constant 0 : i32
        %dma_wait3A_576 = tpu.memref_slice %arg9[%add3A_79, %dma_wait3A_575] : memref<128x50xi32, #tpu.memory_space<vmem>> -> memref<1x50xi32, #tpu.memory_space<vmem>>
        %dma_wait3A_577 = tpu.memref_squeeze %dma_wait3A_576 : memref<1x50xi32, #tpu.memory_space<vmem>> -> memref<50xi32, #tpu.memory_space<vmem>>
        %dma_wait3A_578 = arith.constant 0 : i32
        %dma_wait3A_579 = arith.constant 0 : i32
        %dma_wait3A_580 = tpu.memref_slice %arg5[%dma_wait3A_578, %dma_wait3A_579] : memref<100000x128xf32, #tpu.memory_space<hbm>> -> memref<100000x128xf32, #tpu.memory_space<hbm>>
        tpu.wait_indirect_dma semaphore(%arg17 : memref<!tpu.dma_semaphore, #tpu.memory_space<semaphore_mem>>) src(%dma_wait3A_580 : memref<100000x128xf32, #tpu.memory_space<hbm>>) dst(%dma_wait3A_574 : memref<50x128xf32, #tpu.memory_space<vmem>>)
        %broadcast_in_dim3A_581 = arith.constant 0.000000e+00 : f32
        %broadcast_in_dim3A_582 = vector.broadcast %broadcast_in_dim3A_581 : f32 to vector<16xf32>
        %scan3A_583 = arith.constant 0 : i32
        %scan3A_584 = arith.constant 50 : i32
        %scan3A_585 = arith.addi %scan3A_583, %scan3A_584 : i32
        %scan3A_586 = arith.constant 2 : i32
        %scan3A_587:16 = scf.for %scan3A_1676 = %scan3A_583 to %scan3A_585 step %scan3A_586 iter_args(%scan3A_1677 = %broadcast_in_dim3A_582, %scan3A_1678 = %broadcast_in_dim3A_582, %scan3A_1679 = %broadcast_in_dim3A_582, %scan3A_1680 = %broadcast_in_dim3A_582, %scan3A_1681 = %broadcast_in_dim3A_582, %scan3A_1682 = %broadcast_in_dim3A_582, %scan3A_1683 = %broadcast_in_dim3A_582, %scan3A_1684 = %broadcast_in_dim3A_582, %scan3A_1685 = %broadcast_in_dim3A_582, %scan3A_1686 = %broadcast_in_dim3A_582, %scan3A_1687 = %broadcast_in_dim3A_582, %scan3A_1688 = %broadcast_in_dim3A_582, %scan3A_1689 = %broadcast_in_dim3A_582, %scan3A_1690 = %broadcast_in_dim3A_582, %scan3A_1691 = %broadcast_in_dim3A_582, %scan3A_1692 = %broadcast_in_dim3A_582) -> (vector<16xf32>, vector<16xf32>, vector<16xf32>, vector<16xf32>, vector<16xf32>, vector<16xf32>, vector<16xf32>, vector<16xf32>, vector<16xf32>, vector<16xf32>, vector<16xf32>, vector<16xf32>, vector<16xf32>, vector<16xf32>, vector<16xf32>, vector<16xf32>)  : i32 {
          %get3A_1693 = arith.index_cast %scan3A_1676 : i32 to index
          %get3A_1694 = arith.constant 0 : index
          %get3A_1695 = tpu.vector_load %arg12[%get3A_1693, %get3A_1694] {strides = array<i32>} : memref<100x128xf32, #tpu.memory_space<vmem>>, vector<1x16xf32>,
          %get3A_1696 = vector.shape_cast %get3A_1695 : vector<1x16xf32> to vector<16xf32>
          %add3A_1697 = arith.addf %scan3A_1677, %get3A_1696 : vector<16xf32>
          %get3A_1698 = arith.index_cast %scan3A_1676 : i32 to index
          %get3A_1699 = arith.constant 16 : index
          %get3A_1700 = tpu.vector_load %arg12[%get3A_1698, %get3A_1699] {strides = array<i32>} : memref<100x128xf32, #tpu.memory_space<vmem>>, vector<1x16xf32>,
          %get3A_1701 = vector.shape_cast %get3A_1700 : vector<1x16xf32> to vector<16xf32>
          %add3A_1702 = arith.addf %scan3A_1678, %get3A_1701 : vector<16xf32>
          %get3A_1703 = arith.index_cast %scan3A_1676 : i32 to index
          %get3A_1704 = arith.constant 32 : index
          %get3A_1705 = tpu.vector_load %arg12[%get3A_1703, %get3A_1704] {strides = array<i32>} : memref<100x128xf32, #tpu.memory_space<vmem>>, vector<1x16xf32>,
          %get3A_1706 = vector.shape_cast %get3A_1705 : vector<1x16xf32> to vector<16xf32>
          %add3A_1707 = arith.addf %scan3A_1679, %get3A_1706 : vector<16xf32>
          %get3A_1708 = arith.index_cast %scan3A_1676 : i32 to index
          %get3A_1709 = arith.constant 48 : index
          %get3A_1710 = tpu.vector_load %arg12[%get3A_1708, %get3A_1709] {strides = array<i32>} : memref<100x128xf32, #tpu.memory_space<vmem>>, vector<1x16xf32>,
          %get3A_1711 = vector.shape_cast %get3A_1710 : vector<1x16xf32> to vector<16xf32>
          %add3A_1712 = arith.addf %scan3A_1680, %get3A_1711 : vector<16xf32>
          %get3A_1713 = arith.index_cast %scan3A_1676 : i32 to index
          %get3A_1714 = arith.constant 64 : index
          %get3A_1715 = tpu.vector_load %arg12[%get3A_1713, %get3A_1714] {strides = array<i32>} : memref<100x128xf32, #tpu.memory_space<vmem>>, vector<1x16xf32>,
          %get3A_1716 = vector.shape_cast %get3A_1715 : vector<1x16xf32> to vector<16xf32>
          %add3A_1717 = arith.addf %scan3A_1681, %get3A_1716 : vector<16xf32>
          %get3A_1718 = arith.index_cast %scan3A_1676 : i32 to index
          %get3A_1719 = arith.constant 80 : index
          %get3A_1720 = tpu.vector_load %arg12[%get3A_1718, %get3A_1719] {strides = array<i32>} : memref<100x128xf32, #tpu.memory_space<vmem>>, vector<1x16xf32>,
          %get3A_1721 = vector.shape_cast %get3A_1720 : vector<1x16xf32> to vector<16xf32>
          %add3A_1722 = arith.addf %scan3A_1682, %get3A_1721 : vector<16xf32>
          %get3A_1723 = arith.index_cast %scan3A_1676 : i32 to index
          %get3A_1724 = arith.constant 96 : index
          %get3A_1725 = tpu.vector_load %arg12[%get3A_1723, %get3A_1724] {strides = array<i32>} : memref<100x128xf32, #tpu.memory_space<vmem>>, vector<1x16xf32>,
          %get3A_1726 = vector.shape_cast %get3A_1725 : vector<1x16xf32> to vector<16xf32>
          %add3A_1727 = arith.addf %scan3A_1683, %get3A_1726 : vector<16xf32>
          %get3A_1728 = arith.index_cast %scan3A_1676 : i32 to index
          %get3A_1729 = arith.constant 112 : index
          %get3A_1730 = tpu.vector_load %arg12[%get3A_1728, %get3A_1729] {strides = array<i32>} : memref<100x128xf32, #tpu.memory_space<vmem>>, vector<1x16xf32>,
          %get3A_1731 = vector.shape_cast %get3A_1730 : vector<1x16xf32> to vector<16xf32>
          %add3A_1732 = arith.addf %scan3A_1684, %get3A_1731 : vector<16xf32>
          %add3A_1733 = arith.constant 50 : i32
          %add3A_1734 = arith.addi %scan3A_1676, %add3A_1733 : i32
          %get3A_1735 = arith.index_cast %add3A_1734 : i32 to index
          %get3A_1736 = arith.constant 0 : index
          %get3A_1737 = tpu.vector_load %arg12[%get3A_1735, %get3A_1736] {strides = array<i32>} : memref<100x128xf32, #tpu.memory_space<vmem>>, vector<1x16xf32>,
          %get3A_1738 = vector.shape_cast %get3A_1737 : vector<1x16xf32> to vector<16xf32>
          %add3A_1739 = arith.addf %scan3A_1685, %get3A_1738 : vector<16xf32>
          %add3A_1740 = arith.constant 50 : i32
          %add3A_1741 = arith.addi %scan3A_1676, %add3A_1740 : i32
          %get3A_1742 = arith.index_cast %add3A_1741 : i32 to index
          %get3A_1743 = arith.constant 16 : index
          %get3A_1744 = tpu.vector_load %arg12[%get3A_1742, %get3A_1743] {strides = array<i32>} : memref<100x128xf32, #tpu.memory_space<vmem>>, vector<1x16xf32>,
          %get3A_1745 = vector.shape_cast %get3A_1744 : vector<1x16xf32> to vector<16xf32>
          %add3A_1746 = arith.addf %scan3A_1686, %get3A_1745 : vector<16xf32>
          %add3A_1747 = arith.constant 50 : i32
          %add3A_1748 = arith.addi %scan3A_1676, %add3A_1747 : i32
          %get3A_1749 = arith.index_cast %add3A_1748 : i32 to index
          %get3A_1750 = arith.constant 32 : index
          %get3A_1751 = tpu.vector_load %arg12[%get3A_1749, %get3A_1750] {strides = array<i32>} : memref<100x128xf32, #tpu.memory_space<vmem>>, vector<1x16xf32>,
          %get3A_1752 = vector.shape_cast %get3A_1751 : vector<1x16xf32> to vector<16xf32>
          %add3A_1753 = arith.addf %scan3A_1687, %get3A_1752 : vector<16xf32>
          %add3A_1754 = arith.constant 50 : i32
          %add3A_1755 = arith.addi %scan3A_1676, %add3A_1754 : i32
          %get3A_1756 = arith.index_cast %add3A_1755 : i32 to index
          %get3A_1757 = arith.constant 48 : index
          %get3A_1758 = tpu.vector_load %arg12[%get3A_1756, %get3A_1757] {strides = array<i32>} : memref<100x128xf32, #tpu.memory_space<vmem>>, vector<1x16xf32>,
          %get3A_1759 = vector.shape_cast %get3A_1758 : vector<1x16xf32> to vector<16xf32>
          %add3A_1760 = arith.addf %scan3A_1688, %get3A_1759 : vector<16xf32>
          %add3A_1761 = arith.constant 50 : i32
          %add3A_1762 = arith.addi %scan3A_1676, %add3A_1761 : i32
          %get3A_1763 = arith.index_cast %add3A_1762 : i32 to index
          %get3A_1764 = arith.constant 64 : index
          %get3A_1765 = tpu.vector_load %arg12[%get3A_1763, %get3A_1764] {strides = array<i32>} : memref<100x128xf32, #tpu.memory_space<vmem>>, vector<1x16xf32>,
          %get3A_1766 = vector.shape_cast %get3A_1765 : vector<1x16xf32> to vector<16xf32>
          %add3A_1767 = arith.addf %scan3A_1689, %get3A_1766 : vector<16xf32>
          %add3A_1768 = arith.constant 50 : i32
          %add3A_1769 = arith.addi %scan3A_1676, %add3A_1768 : i32
          %get3A_1770 = arith.index_cast %add3A_1769 : i32 to index
          %get3A_1771 = arith.constant 80 : index
          %get3A_1772 = tpu.vector_load %arg12[%get3A_1770, %get3A_1771] {strides = array<i32>} : memref<100x128xf32, #tpu.memory_space<vmem>>, vector<1x16xf32>,
          %get3A_1773 = vector.shape_cast %get3A_1772 : vector<1x16xf32> to vector<16xf32>
          %add3A_1774 = arith.addf %scan3A_1690, %get3A_1773 : vector<16xf32>
          %add3A_1775 = arith.constant 50 : i32
          %add3A_1776 = arith.addi %scan3A_1676, %add3A_1775 : i32
          %get3A_1777 = arith.index_cast %add3A_1776 : i32 to index
          %get3A_1778 = arith.constant 96 : index
          %get3A_1779 = tpu.vector_load %arg12[%get3A_1777, %get3A_1778] {strides = array<i32>} : memref<100x128xf32, #tpu.memory_space<vmem>>, vector<1x16xf32>,
          %get3A_1780 = vector.shape_cast %get3A_1779 : vector<1x16xf32> to vector<16xf32>
          %add3A_1781 = arith.addf %scan3A_1691, %get3A_1780 : vector<16xf32>
          %add3A_1782 = arith.constant 50 : i32
          %add3A_1783 = arith.addi %scan3A_1676, %add3A_1782 : i32
          %get3A_1784 = arith.index_cast %add3A_1783 : i32 to index
          %get3A_1785 = arith.constant 112 : index
          %get3A_1786 = tpu.vector_load %arg12[%get3A_1784, %get3A_1785] {strides = array<i32>} : memref<100x128xf32, #tpu.memory_space<vmem>>, vector<1x16xf32>,
          %get3A_1787 = vector.shape_cast %get3A_1786 : vector<1x16xf32> to vector<16xf32>
          %add3A_1788 = arith.addf %scan3A_1692, %get3A_1787 : vector<16xf32>
          %scan3A_1789 = arith.constant 1 : i32
          %scan3A_1790 = arith.addi %scan3A_1676, %scan3A_1789 : i32
          %get3A_1791 = arith.index_cast %scan3A_1790 : i32 to index
          %get3A_1792 = arith.constant 0 : index
          %get3A_1793 = tpu.vector_load %arg12[%get3A_1791, %get3A_1792] {strides = array<i32>} : memref<100x128xf32, #tpu.memory_space<vmem>>, vector<1x16xf32>,
          %get3A_1794 = vector.shape_cast %get3A_1793 : vector<1x16xf32> to vector<16xf32>
          %add3A_1795 = arith.addf %add3A_1697, %get3A_1794 : vector<16xf32>
          %get3A_1796 = arith.index_cast %scan3A_1790 : i32 to index
          %get3A_1797 = arith.constant 16 : index
          %get3A_1798 = tpu.vector_load %arg12[%get3A_1796, %get3A_1797] {strides = array<i32>} : memref<100x128xf32, #tpu.memory_space<vmem>>, vector<1x16xf32>,
          %get3A_1799 = vector.shape_cast %get3A_1798 : vector<1x16xf32> to vector<16xf32>
          %add3A_1800 = arith.addf %add3A_1702, %get3A_1799 : vector<16xf32>
          %get3A_1801 = arith.index_cast %scan3A_1790 : i32 to index
          %get3A_1802 = arith.constant 32 : index
          %get3A_1803 = tpu.vector_load %arg12[%get3A_1801, %get3A_1802] {strides = array<i32>} : memref<100x128xf32, #tpu.memory_space<vmem>>, vector<1x16xf32>,
          %get3A_1804 = vector.shape_cast %get3A_1803 : vector<1x16xf32> to vector<16xf32>
          %add3A_1805 = arith.addf %add3A_1707, %get3A_1804 : vector<16xf32>
          %get3A_1806 = arith.index_cast %scan3A_1790 : i32 to index
          %get3A_1807 = arith.constant 48 : index
          %get3A_1808 = tpu.vector_load %arg12[%get3A_1806, %get3A_1807] {strides = array<i32>} : memref<100x128xf32, #tpu.memory_space<vmem>>, vector<1x16xf32>,
          %get3A_1809 = vector.shape_cast %get3A_1808 : vector<1x16xf32> to vector<16xf32>
          %add3A_1810 = arith.addf %add3A_1712, %get3A_1809 : vector<16xf32>
          %get3A_1811 = arith.index_cast %scan3A_1790 : i32 to index
          %get3A_1812 = arith.constant 64 : index
          %get3A_1813 = tpu.vector_load %arg12[%get3A_1811, %get3A_1812] {strides = array<i32>} : memref<100x128xf32, #tpu.memory_space<vmem>>, vector<1x16xf32>,
          %get3A_1814 = vector.shape_cast %get3A_1813 : vector<1x16xf32> to vector<16xf32>
          %add3A_1815 = arith.addf %add3A_1717, %get3A_1814 : vector<16xf32>
          %get3A_1816 = arith.index_cast %scan3A_1790 : i32 to index
          %get3A_1817 = arith.constant 80 : index
          %get3A_1818 = tpu.vector_load %arg12[%get3A_1816, %get3A_1817] {strides = array<i32>} : memref<100x128xf32, #tpu.memory_space<vmem>>, vector<1x16xf32>,
          %get3A_1819 = vector.shape_cast %get3A_1818 : vector<1x16xf32> to vector<16xf32>
          %add3A_1820 = arith.addf %add3A_1722, %get3A_1819 : vector<16xf32>
          %get3A_1821 = arith.index_cast %scan3A_1790 : i32 to index
          %get3A_1822 = arith.constant 96 : index
          %get3A_1823 = tpu.vector_load %arg12[%get3A_1821, %get3A_1822] {strides = array<i32>} : memref<100x128xf32, #tpu.memory_space<vmem>>, vector<1x16xf32>,
          %get3A_1824 = vector.shape_cast %get3A_1823 : vector<1x16xf32> to vector<16xf32>
          %add3A_1825 = arith.addf %add3A_1727, %get3A_1824 : vector<16xf32>
          %get3A_1826 = arith.index_cast %scan3A_1790 : i32 to index
          %get3A_1827 = arith.constant 112 : index
          %get3A_1828 = tpu.vector_load %arg12[%get3A_1826, %get3A_1827] {strides = array<i32>} : memref<100x128xf32, #tpu.memory_space<vmem>>, vector<1x16xf32>,
          %get3A_1829 = vector.shape_cast %get3A_1828 : vector<1x16xf32> to vector<16xf32>
          %add3A_1830 = arith.addf %add3A_1732, %get3A_1829 : vector<16xf32>
          %add3A_1831 = arith.constant 50 : i32
          %add3A_1832 = arith.addi %scan3A_1790, %add3A_1831 : i32
          %get3A_1833 = arith.index_cast %add3A_1832 : i32 to index
          %get3A_1834 = arith.constant 0 : index
          %get3A_1835 = tpu.vector_load %arg12[%get3A_1833, %get3A_1834] {strides = array<i32>} : memref<100x128xf32, #tpu.memory_space<vmem>>, vector<1x16xf32>,
          %get3A_1836 = vector.shape_cast %get3A_1835 : vector<1x16xf32> to vector<16xf32>
          %add3A_1837 = arith.addf %add3A_1739, %get3A_1836 : vector<16xf32>
          %add3A_1838 = arith.constant 50 : i32
          %add3A_1839 = arith.addi %scan3A_1790, %add3A_1838 : i32
          %get3A_1840 = arith.index_cast %add3A_1839 : i32 to index
          %get3A_1841 = arith.constant 16 : index
          %get3A_1842 = tpu.vector_load %arg12[%get3A_1840, %get3A_1841] {strides = array<i32>} : memref<100x128xf32, #tpu.memory_space<vmem>>, vector<1x16xf32>,
          %get3A_1843 = vector.shape_cast %get3A_1842 : vector<1x16xf32> to vector<16xf32>
          %add3A_1844 = arith.addf %add3A_1746, %get3A_1843 : vector<16xf32>
          %add3A_1845 = arith.constant 50 : i32
          %add3A_1846 = arith.addi %scan3A_1790, %add3A_1845 : i32
          %get3A_1847 = arith.index_cast %add3A_1846 : i32 to index
          %get3A_1848 = arith.constant 32 : index
          %get3A_1849 = tpu.vector_load %arg12[%get3A_1847, %get3A_1848] {strides = array<i32>} : memref<100x128xf32, #tpu.memory_space<vmem>>, vector<1x16xf32>,
          %get3A_1850 = vector.shape_cast %get3A_1849 : vector<1x16xf32> to vector<16xf32>
          %add3A_1851 = arith.addf %add3A_1753, %get3A_1850 : vector<16xf32>
          %add3A_1852 = arith.constant 50 : i32
          %add3A_1853 = arith.addi %scan3A_1790, %add3A_1852 : i32
          %get3A_1854 = arith.index_cast %add3A_1853 : i32 to index
          %get3A_1855 = arith.constant 48 : index
          %get3A_1856 = tpu.vector_load %arg12[%get3A_1854, %get3A_1855] {strides = array<i32>} : memref<100x128xf32, #tpu.memory_space<vmem>>, vector<1x16xf32>,
          %get3A_1857 = vector.shape_cast %get3A_1856 : vector<1x16xf32> to vector<16xf32>
          %add3A_1858 = arith.addf %add3A_1760, %get3A_1857 : vector<16xf32>
          %add3A_1859 = arith.constant 50 : i32
          %add3A_1860 = arith.addi %scan3A_1790, %add3A_1859 : i32
          %get3A_1861 = arith.index_cast %add3A_1860 : i32 to index
          %get3A_1862 = arith.constant 64 : index
          %get3A_1863 = tpu.vector_load %arg12[%get3A_1861, %get3A_1862] {strides = array<i32>} : memref<100x128xf32, #tpu.memory_space<vmem>>, vector<1x16xf32>,
          %get3A_1864 = vector.shape_cast %get3A_1863 : vector<1x16xf32> to vector<16xf32>
          %add3A_1865 = arith.addf %add3A_1767, %get3A_1864 : vector<16xf32>
          %add3A_1866 = arith.constant 50 : i32
          %add3A_1867 = arith.addi %scan3A_1790, %add3A_1866 : i32
          %get3A_1868 = arith.index_cast %add3A_1867 : i32 to index
          %get3A_1869 = arith.constant 80 : index
          %get3A_1870 = tpu.vector_load %arg12[%get3A_1868, %get3A_1869] {strides = array<i32>} : memref<100x128xf32, #tpu.memory_space<vmem>>, vector<1x16xf32>,
          %get3A_1871 = vector.shape_cast %get3A_1870 : vector<1x16xf32> to vector<16xf32>
          %add3A_1872 = arith.addf %add3A_1774, %get3A_1871 : vector<16xf32>
          %add3A_1873 = arith.constant 50 : i32
          %add3A_1874 = arith.addi %scan3A_1790, %add3A_1873 : i32
          %get3A_1875 = arith.index_cast %add3A_1874 : i32 to index
          %get3A_1876 = arith.constant 96 : index
          %get3A_1877 = tpu.vector_load %arg12[%get3A_1875, %get3A_1876] {strides = array<i32>} : memref<100x128xf32, #tpu.memory_space<vmem>>, vector<1x16xf32>,
          %get3A_1878 = vector.shape_cast %get3A_1877 : vector<1x16xf32> to vector<16xf32>
          %add3A_1879 = arith.addf %add3A_1781, %get3A_1878 : vector<16xf32>
          %add3A_1880 = arith.constant 50 : i32
          %add3A_1881 = arith.addi %scan3A_1790, %add3A_1880 : i32
          %get3A_1882 = arith.index_cast %add3A_1881 : i32 to index
          %get3A_1883 = arith.constant 112 : index
          %get3A_1884 = tpu.vector_load %arg12[%get3A_1882, %get3A_1883] {strides = array<i32>} : memref<100x128xf32, #tpu.memory_space<vmem>>, vector<1x16xf32>,
          %get3A_1885 = vector.shape_cast %get3A_1884 : vector<1x16xf32> to vector<16xf32>
          %add3A_1886 = arith.addf %add3A_1788, %get3A_1885 : vector<16xf32>
          scf.yield %add3A_1795, %add3A_1800, %add3A_1805, %add3A_1810, %add3A_1815, %add3A_1820, %add3A_1825, %add3A_1830, %add3A_1837, %add3A_1844, %add3A_1851, %add3A_1858, %add3A_1865, %add3A_1872, %add3A_1879, %add3A_1886 : vector<16xf32>, vector<16xf32>, vector<16xf32>, vector<16xf32>, vector<16xf32>, vector<16xf32>, vector<16xf32>, vector<16xf32>, vector<16xf32>, vector<16xf32>, vector<16xf32>, vector<16xf32>, vector<16xf32>, vector<16xf32>, vector<16xf32>, vector<16xf32>
        }
        %scan3A_588 = arith.constant 50 : i32
        %broadcast_in_dim3A_589 = arith.constant 0.000000e+00 : f32
        %broadcast_in_dim3A_590 = vector.broadcast %broadcast_in_dim3A_589 : f32 to vector<16xf32>
        %broadcast_in_dim3A_591 = arith.constant 0.000000e+00 : f32
        %broadcast_in_dim3A_592 = vector.broadcast %broadcast_in_dim3A_591 : f32 to vector<16xf32>
        %broadcast_in_dim3A_593 = arith.constant 0.000000e+00 : f32
        %broadcast_in_dim3A_594 = vector.broadcast %broadcast_in_dim3A_593 : f32 to vector<16xf32>
        %mul3A_595 = arith.constant 2.000000e-02 : f32
        %mul3A_596 = vector.broadcast %mul3A_595 : f32 to vector<16xf32>
        %mul3A_597 = arith.mulf %scan3A_587#0, %mul3A_596 : vector<16xf32>
        %mul3A_598 = arith.constant 2.000000e-02 : f32
        %mul3A_599 = vector.broadcast %mul3A_598 : f32 to vector<16xf32>
        %mul3A_600 = arith.mulf %scan3A_587#8, %mul3A_599 : vector<16xf32>
        %mul3A_601 = arith.constant 1.250000e-01 : f32
        %mul3A_602 = vector.broadcast %mul3A_601 : f32 to vector<16xf32>
        %mul3A_603 = arith.mulf %add3A_516, %mul3A_602 : vector<16xf32>
        %add3A_604 = arith.addf %mul3A_600, %mul3A_603 : vector<16xf32>
        %mul3A_605 = arith.mulf %mul3A_597, %add3A_604 : vector<16xf32>
        %add3A_606 = arith.addf %broadcast_in_dim3A_590, %mul3A_605 : vector<16xf32>
        %mul3A_607 = arith.mulf %mul3A_597, %mul3A_597 : vector<16xf32>
        %add3A_608 = arith.addf %broadcast_in_dim3A_592, %mul3A_607 : vector<16xf32>
        %mul3A_609 = arith.mulf %add3A_604, %add3A_604 : vector<16xf32>
        %add3A_610 = arith.addf %broadcast_in_dim3A_594, %mul3A_609 : vector<16xf32>
        %mul3A_611 = arith.constant 2.000000e-02 : f32
        %mul3A_612 = vector.broadcast %mul3A_611 : f32 to vector<16xf32>
        %mul3A_613 = arith.mulf %scan3A_587#1, %mul3A_612 : vector<16xf32>
        %mul3A_614 = arith.constant 2.000000e-02 : f32
        %mul3A_615 = vector.broadcast %mul3A_614 : f32 to vector<16xf32>
        %mul3A_616 = arith.mulf %scan3A_587#9, %mul3A_615 : vector<16xf32>
        %mul3A_617 = arith.constant 1.250000e-01 : f32
        %mul3A_618 = vector.broadcast %mul3A_617 : f32 to vector<16xf32>
        %mul3A_619 = arith.mulf %add3A_530, %mul3A_618 : vector<16xf32>
        %add3A_620 = arith.addf %mul3A_616, %mul3A_619 : vector<16xf32>
        %mul3A_621 = arith.mulf %mul3A_613, %add3A_620 : vector<16xf32>
        %add3A_622 = arith.addf %add3A_606, %mul3A_621 : vector<16xf32>
        %mul3A_623 = arith.mulf %mul3A_613, %mul3A_613 : vector<16xf32>
        %add3A_624 = arith.addf %add3A_608, %mul3A_623 : vector<16xf32>
        %mul3A_625 = arith.mulf %add3A_620, %add3A_620 : vector<16xf32>
        %add3A_626 = arith.addf %add3A_610, %mul3A_625 : vector<16xf32>
        %mul3A_627 = arith.constant 2.000000e-02 : f32
        %mul3A_628 = vector.broadcast %mul3A_627 : f32 to vector<16xf32>
        %mul3A_629 = arith.mulf %scan3A_587#2, %mul3A_628 : vector<16xf32>
        %mul3A_630 = arith.constant 2.000000e-02 : f32
        %mul3A_631 = vector.broadcast %mul3A_630 : f32 to vector<16xf32>
        %mul3A_632 = arith.mulf %scan3A_587#10, %mul3A_631 : vector<16xf32>
        %mul3A_633 = arith.constant 1.250000e-01 : f32
        %mul3A_634 = vector.broadcast %mul3A_633 : f32 to vector<16xf32>
        %mul3A_635 = arith.mulf %add3A_544, %mul3A_634 : vector<16xf32>
        %add3A_636 = arith.addf %mul3A_632, %mul3A_635 : vector<16xf32>
        %mul3A_637 = arith.mulf %mul3A_629, %add3A_636 : vector<16xf32>
        %add3A_638 = arith.addf %add3A_622, %mul3A_637 : vector<16xf32>
        %mul3A_639 = arith.mulf %mul3A_629, %mul3A_629 : vector<16xf32>
        %add3A_640 = arith.addf %add3A_624, %mul3A_639 : vector<16xf32>
        %mul3A_641 = arith.mulf %add3A_636, %add3A_636 : vector<16xf32>
        %add3A_642 = arith.addf %add3A_626, %mul3A_641 : vector<16xf32>
        %mul3A_643 = arith.constant 2.000000e-02 : f32
        %mul3A_644 = vector.broadcast %mul3A_643 : f32 to vector<16xf32>
        %mul3A_645 = arith.mulf %scan3A_587#3, %mul3A_644 : vector<16xf32>
        %mul3A_646 = arith.constant 2.000000e-02 : f32
        %mul3A_647 = vector.broadcast %mul3A_646 : f32 to vector<16xf32>
        %mul3A_648 = arith.mulf %scan3A_587#11, %mul3A_647 : vector<16xf32>
        %mul3A_649 = arith.constant 1.250000e-01 : f32
        %mul3A_650 = vector.broadcast %mul3A_649 : f32 to vector<16xf32>
        %mul3A_651 = arith.mulf %add3A_558, %mul3A_650 : vector<16xf32>
        %add3A_652 = arith.addf %mul3A_648, %mul3A_651 : vector<16xf32>
        %mul3A_653 = arith.mulf %mul3A_645, %add3A_652 : vector<16xf32>
        %add3A_654 = arith.addf %add3A_638, %mul3A_653 : vector<16xf32>
        %mul3A_655 = arith.mulf %mul3A_645, %mul3A_645 : vector<16xf32>
        %add3A_656 = arith.addf %add3A_640, %mul3A_655 : vector<16xf32>
        %mul3A_657 = arith.mulf %add3A_652, %add3A_652 : vector<16xf32>
        %add3A_658 = arith.addf %add3A_642, %mul3A_657 : vector<16xf32>
        %mul3A_659 = arith.constant 2.000000e-02 : f32
        %mul3A_660 = vector.broadcast %mul3A_659 : f32 to vector<16xf32>
        %mul3A_661 = arith.mulf %scan3A_587#4, %mul3A_660 : vector<16xf32>
        %mul3A_662 = arith.constant 2.000000e-02 : f32
        %mul3A_663 = vector.broadcast %mul3A_662 : f32 to vector<16xf32>
        %mul3A_664 = arith.mulf %scan3A_587#12, %mul3A_663 : vector<16xf32>
        %mul3A_665 = arith.constant 1.250000e-01 : f32
        %mul3A_666 = vector.broadcast %mul3A_665 : f32 to vector<16xf32>
        %mul3A_667 = arith.mulf %add3A_521, %mul3A_666 : vector<16xf32>
        %add3A_668 = arith.addf %mul3A_664, %mul3A_667 : vector<16xf32>
        %mul3A_669 = arith.mulf %mul3A_661, %add3A_668 : vector<16xf32>
        %add3A_670 = arith.addf %add3A_654, %mul3A_669 : vector<16xf32>
        %mul3A_671 = arith.mulf %mul3A_661, %mul3A_661 : vector<16xf32>
        %add3A_672 = arith.addf %add3A_656, %mul3A_671 : vector<16xf32>
        %mul3A_673 = arith.mulf %add3A_668, %add3A_668 : vector<16xf32>
        %add3A_674 = arith.addf %add3A_658, %mul3A_673 : vector<16xf32>
        %mul3A_675 = arith.constant 2.000000e-02 : f32
        %mul3A_676 = vector.broadcast %mul3A_675 : f32 to vector<16xf32>
        %mul3A_677 = arith.mulf %scan3A_587#5, %mul3A_676 : vector<16xf32>
        %mul3A_678 = arith.constant 2.000000e-02 : f32
        %mul3A_679 = vector.broadcast %mul3A_678 : f32 to vector<16xf32>
        %mul3A_680 = arith.mulf %scan3A_587#13, %mul3A_679 : vector<16xf32>
        %mul3A_681 = arith.constant 1.250000e-01 : f32
        %mul3A_682 = vector.broadcast %mul3A_681 : f32 to vector<16xf32>
        %mul3A_683 = arith.mulf %add3A_535, %mul3A_682 : vector<16xf32>
        %add3A_684 = arith.addf %mul3A_680, %mul3A_683 : vector<16xf32>
        %mul3A_685 = arith.mulf %mul3A_677, %add3A_684 : vector<16xf32>
        %add3A_686 = arith.addf %add3A_670, %mul3A_685 : vector<16xf32>
        %mul3A_687 = arith.mulf %mul3A_677, %mul3A_677 : vector<16xf32>
        %add3A_688 = arith.addf %add3A_672, %mul3A_687 : vector<16xf32>
        %mul3A_689 = arith.mulf %add3A_684, %add3A_684 : vector<16xf32>
        %add3A_690 = arith.addf %add3A_674, %mul3A_689 : vector<16xf32>
        %mul3A_691 = arith.constant 2.000000e-02 : f32
        %mul3A_692 = vector.broadcast %mul3A_691 : f32 to vector<16xf32>
        %mul3A_693 = arith.mulf %scan3A_587#6, %mul3A_692 : vector<16xf32>
        %mul3A_694 = arith.constant 2.000000e-02 : f32
        %mul3A_695 = vector.broadcast %mul3A_694 : f32 to vector<16xf32>
        %mul3A_696 = arith.mulf %scan3A_587#14, %mul3A_695 : vector<16xf32>
        %mul3A_697 = arith.constant 1.250000e-01 : f32
        %mul3A_698 = vector.broadcast %mul3A_697 : f32 to vector<16xf32>
        %mul3A_699 = arith.mulf %add3A_549, %mul3A_698 : vector<16xf32>
        %add3A_700 = arith.addf %mul3A_696, %mul3A_699 : vector<16xf32>
        %mul3A_701 = arith.mulf %mul3A_693, %add3A_700 : vector<16xf32>
        %add3A_702 = arith.addf %add3A_686, %mul3A_701 : vector<16xf32>
        %mul3A_703 = arith.mulf %mul3A_693, %mul3A_693 : vector<16xf32>
        %add3A_704 = arith.addf %add3A_688, %mul3A_703 : vector<16xf32>
        %mul3A_705 = arith.mulf %add3A_700, %add3A_700 : vector<16xf32>
        %add3A_706 = arith.addf %add3A_690, %mul3A_705 : vector<16xf32>
        %mul3A_707 = arith.constant 2.000000e-02 : f32
        %mul3A_708 = vector.broadcast %mul3A_707 : f32 to vector<16xf32>
        %mul3A_709 = arith.mulf %scan3A_587#7, %mul3A_708 : vector<16xf32>
        %mul3A_710 = arith.constant 2.000000e-02 : f32
        %mul3A_711 = vector.broadcast %mul3A_710 : f32 to vector<16xf32>
        %mul3A_712 = arith.mulf %scan3A_587#15, %mul3A_711 : vector<16xf32>
        %mul3A_713 = arith.constant 1.250000e-01 : f32
        %mul3A_714 = vector.broadcast %mul3A_713 : f32 to vector<16xf32>
        %mul3A_715 = arith.mulf %add3A_563, %mul3A_714 : vector<16xf32>
        %add3A_716 = arith.addf %mul3A_712, %mul3A_715 : vector<16xf32>
        %mul3A_717 = arith.mulf %mul3A_709, %add3A_716 : vector<16xf32>
        %add3A_718 = arith.addf %add3A_702, %mul3A_717 : vector<16xf32>
        %mul3A_719 = arith.mulf %mul3A_709, %mul3A_709 : vector<16xf32>
        %add3A_720 = arith.addf %add3A_704, %mul3A_719 : vector<16xf32>
        %mul3A_721 = arith.mulf %add3A_716, %add3A_716 : vector<16xf32>
        %add3A_722 = arith.addf %add3A_706, %mul3A_721 : vector<16xf32>
        %xor3A = arith.constant 8 : i32
        %xor3A_723 = vector.broadcast %xor3A : i32 to vector<16xi32>
        %xor3A_724 = arith.xori %iota3A, %xor3A_723 : vector<16xi32>
        %lt3A_725 = arith.constant 0 : i32
        %lt3A_726 = vector.broadcast %lt3A_725 : i32 to vector<16xi32>
        %lt3A_727 = arith.cmpi slt, %xor3A_724, %lt3A_726 : vector<16xi32>
        %add3A_728 = arith.constant 16 : i32
        %add3A_729 = vector.broadcast %add3A_728 : i32 to vector<16xi32>
        %add3A_730 = arith.addi %xor3A_724, %add3A_729 : vector<16xi32>
        %select_n3A = arith.select %lt3A_727, %add3A_730, %xor3A_724 : vector<16xi1>, vector<16xi32>
        %broadcast_in_dim3A_731 = vector.shape_cast %select_n3A : vector<16xi32> to vector<16x1xi32>
        %gather3A = vector.shape_cast %broadcast_in_dim3A_731 : vector<16x1xi32> to vector<16xi32>
        %gather3A_732 = tpu.dynamic_gather %add3A_718[%gather3A] in [0] : vector<16xf32>, vector<16xi32> -> vector<16xf32>
        %add3A_733 = arith.addf %add3A_718, %gather3A_732 : vector<16xf32>
        %lt3A_734 = arith.constant 0 : i32
        %lt3A_735 = vector.broadcast %lt3A_734 : i32 to vector<16xi32>
        %lt3A_736 = arith.cmpi slt, %xor3A_724, %lt3A_735 : vector<16xi32>
        %add3A_737 = arith.constant 16 : i32
        %add3A_738 = vector.broadcast %add3A_737 : i32 to vector<16xi32>
        %add3A_739 = arith.addi %xor3A_724, %add3A_738 : vector<16xi32>
        %select_n3A_740 = arith.select %lt3A_736, %add3A_739, %xor3A_724 : vector<16xi1>, vector<16xi32>
        %broadcast_in_dim3A_741 = vector.shape_cast %select_n3A_740 : vector<16xi32> to vector<16x1xi32>
        %gather3A_742 = vector.shape_cast %broadcast_in_dim3A_741 : vector<16x1xi32> to vector<16xi32>
        %gather3A_743 = tpu.dynamic_gather %add3A_720[%gather3A_742] in [0] : vector<16xf32>, vector<16xi32> -> vector<16xf32>
        %add3A_744 = arith.addf %add3A_720, %gather3A_743 : vector<16xf32>
        %lt3A_745 = arith.constant 0 : i32
        %lt3A_746 = vector.broadcast %lt3A_745 : i32 to vector<16xi32>
        %lt3A_747 = arith.cmpi slt, %xor3A_724, %lt3A_746 : vector<16xi32>
        %add3A_748 = arith.constant 16 : i32
        %add3A_749 = vector.broadcast %add3A_748 : i32 to vector<16xi32>
        %add3A_750 = arith.addi %xor3A_724, %add3A_749 : vector<16xi32>
        %select_n3A_751 = arith.select %lt3A_747, %add3A_750, %xor3A_724 : vector<16xi1>, vector<16xi32>
        %broadcast_in_dim3A_752 = vector.shape_cast %select_n3A_751 : vector<16xi32> to vector<16x1xi32>
        %gather3A_753 = vector.shape_cast %broadcast_in_dim3A_752 : vector<16x1xi32> to vector<16xi32>
        %gather3A_754 = tpu.dynamic_gather %add3A_722[%gather3A_753] in [0] : vector<16xf32>, vector<16xi32> -> vector<16xf32>
        %add3A_755 = arith.addf %add3A_722, %gather3A_754 : vector<16xf32>
        %xor3A_756 = arith.constant 4 : i32
        %xor3A_757 = vector.broadcast %xor3A_756 : i32 to vector<16xi32>
        %xor3A_758 = arith.xori %iota3A, %xor3A_757 : vector<16xi32>
        %lt3A_759 = arith.constant 0 : i32
        %lt3A_760 = vector.broadcast %lt3A_759 : i32 to vector<16xi32>
        %lt3A_761 = arith.cmpi slt, %xor3A_758, %lt3A_760 : vector<16xi32>
        %add3A_762 = arith.constant 16 : i32
        %add3A_763 = vector.broadcast %add3A_762 : i32 to vector<16xi32>
        %add3A_764 = arith.addi %xor3A_758, %add3A_763 : vector<16xi32>
        %select_n3A_765 = arith.select %lt3A_761, %add3A_764, %xor3A_758 : vector<16xi1>, vector<16xi32>
        %broadcast_in_dim3A_766 = vector.shape_cast %select_n3A_765 : vector<16xi32> to vector<16x1xi32>
        %gather3A_767 = vector.shape_cast %broadcast_in_dim3A_766 : vector<16x1xi32> to vector<16xi32>
        %gather3A_768 = tpu.dynamic_gather %add3A_733[%gather3A_767] in [0] : vector<16xf32>, vector<16xi32> -> vector<16xf32>
        %add3A_769 = arith.addf %add3A_733, %gather3A_768 : vector<16xf32>
        %lt3A_770 = arith.constant 0 : i32
        %lt3A_771 = vector.broadcast %lt3A_770 : i32 to vector<16xi32>
        %lt3A_772 = arith.cmpi slt, %xor3A_758, %lt3A_771 : vector<16xi32>
        %add3A_773 = arith.constant 16 : i32
        %add3A_774 = vector.broadcast %add3A_773 : i32 to vector<16xi32>
        %add3A_775 = arith.addi %xor3A_758, %add3A_774 : vector<16xi32>
        %select_n3A_776 = arith.select %lt3A_772, %add3A_775, %xor3A_758 : vector<16xi1>, vector<16xi32>
        %broadcast_in_dim3A_777 = vector.shape_cast %select_n3A_776 : vector<16xi32> to vector<16x1xi32>
        %gather3A_778 = vector.shape_cast %broadcast_in_dim3A_777 : vector<16x1xi32> to vector<16xi32>
        %gather3A_779 = tpu.dynamic_gather %add3A_744[%gather3A_778] in [0] : vector<16xf32>, vector<16xi32> -> vector<16xf32>
        %add3A_780 = arith.addf %add3A_744, %gather3A_779 : vector<16xf32>
        %lt3A_781 = arith.constant 0 : i32
        %lt3A_782 = vector.broadcast %lt3A_781 : i32 to vector<16xi32>
        %lt3A_783 = arith.cmpi slt, %xor3A_758, %lt3A_782 : vector<16xi32>
        %add3A_784 = arith.constant 16 : i32
        %add3A_785 = vector.broadcast %add3A_784 : i32 to vector<16xi32>
        %add3A_786 = arith.addi %xor3A_758, %add3A_785 : vector<16xi32>
        %select_n3A_787 = arith.select %lt3A_783, %add3A_786, %xor3A_758 : vector<16xi1>, vector<16xi32>
        %broadcast_in_dim3A_788 = vector.shape_cast %select_n3A_787 : vector<16xi32> to vector<16x1xi32>
        %gather3A_789 = vector.shape_cast %broadcast_in_dim3A_788 : vector<16x1xi32> to vector<16xi32>
        %gather3A_790 = tpu.dynamic_gather %add3A_755[%gather3A_789] in [0] : vector<16xf32>, vector<16xi32> -> vector<16xf32>
        %add3A_791 = arith.addf %add3A_755, %gather3A_790 : vector<16xf32>
        %xor3A_792 = arith.constant 2 : i32
        %xor3A_793 = vector.broadcast %xor3A_792 : i32 to vector<16xi32>
        %xor3A_794 = arith.xori %iota3A, %xor3A_793 : vector<16xi32>
        %lt3A_795 = arith.constant 0 : i32
        %lt3A_796 = vector.broadcast %lt3A_795 : i32 to vector<16xi32>
        %lt3A_797 = arith.cmpi slt, %xor3A_794, %lt3A_796 : vector<16xi32>
        %add3A_798 = arith.constant 16 : i32
        %add3A_799 = vector.broadcast %add3A_798 : i32 to vector<16xi32>
        %add3A_800 = arith.addi %xor3A_794, %add3A_799 : vector<16xi32>
        %select_n3A_801 = arith.select %lt3A_797, %add3A_800, %xor3A_794 : vector<16xi1>, vector<16xi32>
        %broadcast_in_dim3A_802 = vector.shape_cast %select_n3A_801 : vector<16xi32> to vector<16x1xi32>
        %gather3A_803 = vector.shape_cast %broadcast_in_dim3A_802 : vector<16x1xi32> to vector<16xi32>
        %gather3A_804 = tpu.dynamic_gather %add3A_769[%gather3A_803] in [0] : vector<16xf32>, vector<16xi32> -> vector<16xf32>
        %add3A_805 = arith.addf %add3A_769, %gather3A_804 : vector<16xf32>
        %lt3A_806 = arith.constant 0 : i32
        %lt3A_807 = vector.broadcast %lt3A_806 : i32 to vector<16xi32>
        %lt3A_808 = arith.cmpi slt, %xor3A_794, %lt3A_807 : vector<16xi32>
        %add3A_809 = arith.constant 16 : i32
        %add3A_810 = vector.broadcast %add3A_809 : i32 to vector<16xi32>
        %add3A_811 = arith.addi %xor3A_794, %add3A_810 : vector<16xi32>
        %select_n3A_812 = arith.select %lt3A_808, %add3A_811, %xor3A_794 : vector<16xi1>, vector<16xi32>
        %broadcast_in_dim3A_813 = vector.shape_cast %select_n3A_812 : vector<16xi32> to vector<16x1xi32>
        %gather3A_814 = vector.shape_cast %broadcast_in_dim3A_813 : vector<16x1xi32> to vector<16xi32>
        %gather3A_815 = tpu.dynamic_gather %add3A_780[%gather3A_814] in [0] : vector<16xf32>, vector<16xi32> -> vector<16xf32>
        %add3A_816 = arith.addf %add3A_780, %gather3A_815 : vector<16xf32>
        %lt3A_817 = arith.constant 0 : i32
        %lt3A_818 = vector.broadcast %lt3A_817 : i32 to vector<16xi32>
        %lt3A_819 = arith.cmpi slt, %xor3A_794, %lt3A_818 : vector<16xi32>
        %add3A_820 = arith.constant 16 : i32
        %add3A_821 = vector.broadcast %add3A_820 : i32 to vector<16xi32>
        %add3A_822 = arith.addi %xor3A_794, %add3A_821 : vector<16xi32>
        %select_n3A_823 = arith.select %lt3A_819, %add3A_822, %xor3A_794 : vector<16xi1>, vector<16xi32>
        %broadcast_in_dim3A_824 = vector.shape_cast %select_n3A_823 : vector<16xi32> to vector<16x1xi32>
        %gather3A_825 = vector.shape_cast %broadcast_in_dim3A_824 : vector<16x1xi32> to vector<16xi32>
        %gather3A_826 = tpu.dynamic_gather %add3A_791[%gather3A_825] in [0] : vector<16xf32>, vector<16xi32> -> vector<16xf32>
        %add3A_827 = arith.addf %add3A_791, %gather3A_826 : vector<16xf32>
        %xor3A_828 = arith.constant 1 : i32
        %xor3A_829 = vector.broadcast %xor3A_828 : i32 to vector<16xi32>
        %xor3A_830 = arith.xori %iota3A, %xor3A_829 : vector<16xi32>
        %lt3A_831 = arith.constant 0 : i32
        %lt3A_832 = vector.broadcast %lt3A_831 : i32 to vector<16xi32>
        %lt3A_833 = arith.cmpi slt, %xor3A_830, %lt3A_832 : vector<16xi32>
        %add3A_834 = arith.constant 16 : i32
        %add3A_835 = vector.broadcast %add3A_834 : i32 to vector<16xi32>
        %add3A_836 = arith.addi %xor3A_830, %add3A_835 : vector<16xi32>
        %select_n3A_837 = arith.select %lt3A_833, %add3A_836, %xor3A_830 : vector<16xi1>, vector<16xi32>
        %broadcast_in_dim3A_838 = vector.shape_cast %select_n3A_837 : vector<16xi32> to vector<16x1xi32>
        %gather3A_839 = vector.shape_cast %broadcast_in_dim3A_838 : vector<16x1xi32> to vector<16xi32>
        %gather3A_840 = tpu.dynamic_gather %add3A_805[%gather3A_839] in [0] : vector<16xf32>, vector<16xi32> -> vector<16xf32>
        %add3A_841 = arith.addf %add3A_805, %gather3A_840 : vector<16xf32>
        %lt3A_842 = arith.constant 0 : i32
        %lt3A_843 = vector.broadcast %lt3A_842 : i32 to vector<16xi32>
        %lt3A_844 = arith.cmpi slt, %xor3A_830, %lt3A_843 : vector<16xi32>
        %add3A_845 = arith.constant 16 : i32
        %add3A_846 = vector.broadcast %add3A_845 : i32 to vector<16xi32>
        %add3A_847 = arith.addi %xor3A_830, %add3A_846 : vector<16xi32>
        %select_n3A_848 = arith.select %lt3A_844, %add3A_847, %xor3A_830 : vector<16xi1>, vector<16xi32>
        %broadcast_in_dim3A_849 = vector.shape_cast %select_n3A_848 : vector<16xi32> to vector<16x1xi32>
        %gather3A_850 = vector.shape_cast %broadcast_in_dim3A_849 : vector<16x1xi32> to vector<16xi32>
        %gather3A_851 = tpu.dynamic_gather %add3A_816[%gather3A_850] in [0] : vector<16xf32>, vector<16xi32> -> vector<16xf32>
        %add3A_852 = arith.addf %add3A_816, %gather3A_851 : vector<16xf32>
        %lt3A_853 = arith.constant 0 : i32
        %lt3A_854 = vector.broadcast %lt3A_853 : i32 to vector<16xi32>
        %lt3A_855 = arith.cmpi slt, %xor3A_830, %lt3A_854 : vector<16xi32>
        %add3A_856 = arith.constant 16 : i32
        %add3A_857 = vector.broadcast %add3A_856 : i32 to vector<16xi32>
        %add3A_858 = arith.addi %xor3A_830, %add3A_857 : vector<16xi32>
        %select_n3A_859 = arith.select %lt3A_855, %add3A_858, %xor3A_830 : vector<16xi1>, vector<16xi32>
        %broadcast_in_dim3A_860 = vector.shape_cast %select_n3A_859 : vector<16xi32> to vector<16x1xi32>
        %gather3A_861 = vector.shape_cast %broadcast_in_dim3A_860 : vector<16x1xi32> to vector<16xi32>
        %gather3A_862 = tpu.dynamic_gather %add3A_827[%gather3A_861] in [0] : vector<16xf32>, vector<16xi32> -> vector<16xf32>
        %add3A_863 = arith.addf %add3A_827, %gather3A_862 : vector<16xf32>
        %eq3A = vector.broadcast %add3A_76 : i32 to vector<16xi32>
        %eq3A_864 = arith.cmpi eq, %iota3A, %eq3A : vector<16xi32>
        %select_n3A_865 = arith.select %eq3A_864, %add3A_841, %scan3A_70 : vector<16xi1>, vector<16xf32>
        %select_n3A_866 = arith.select %eq3A_864, %add3A_852, %scan3A_71 : vector<16xi1>, vector<16xf32>
        %select_n3A_867 = arith.select %eq3A_864, %add3A_863, %scan3A_72 : vector<16xi1>, vector<16xf32>
        %mul3A_868 = arith.constant 2 : i32
        %mul3A_869 = arith.muli %scan3A_69, %mul3A_868 : i32
        %add3A_870 = arith.constant 1 : i32
        %add3A_871 = arith.addi %mul3A_869, %add3A_870 : i32
        %mul3A_872 = arith.constant 16 : i32
        %mul3A_873 = arith.muli %add3A_32, %mul3A_872 : i32
        %add3A_874 = arith.addi %mul3A_873, %add3A_871 : i32
        %add3A_875 = arith.constant 1 : i32
        %add3A_876 = arith.addi %add3A_874, %add3A_875 : i32
        %lt3A_877 = arith.constant 128 : i32
        %lt3A_878 = arith.cmpi slt, %add3A_876, %lt3A_877 : i32
        %convert_element_type3A_879 = arith.extui %lt3A_878 : i1 to i32
        %cond3A_880 = arith.constant 0 : i32
        %cond3A_881 = arith.cmpi ne, %convert_element_type3A_879, %cond3A_880 : i32
        scf.if %cond3A_881 {
          %min3A = arith.constant 127 : i32
          %min3A_1676 = arith.minsi %add3A_876, %min3A : i32
          %dma_start3A_1677 = arith.constant 0 : i32
          %dma_start3A_1678 = arith.constant 0 : i32
          %dma_start3A_1679 = tpu.memref_slice %arg12[%dma_start3A_1677, %dma_start3A_1678] : memref<100x128xf32, #tpu.memory_space<vmem>> -> memref<50x128xf32, #tpu.memory_space<vmem>>
          %dma_start3A_1680 = arith.constant 0 : i32
          %dma_start3A_1681 = tpu.memref_slice %arg8[%min3A_1676, %dma_start3A_1680] : memref<128x50xi32, #tpu.memory_space<vmem>> -> memref<1x50xi32, #tpu.memory_space<vmem>>
          %dma_start3A_1682 = tpu.memref_squeeze %dma_start3A_1681 : memref<1x50xi32, #tpu.memory_space<vmem>> -> memref<50xi32, #tpu.memory_space<vmem>>
          %dma_start3A_1683 = arith.constant 0 : i32
          %dma_start3A_1684 = arith.constant 0 : i32
          %dma_start3A_1685 = tpu.memref_slice %arg5[%dma_start3A_1683, %dma_start3A_1684] : memref<100000x128xf32, #tpu.memory_space<hbm>> -> memref<100000x128xf32, #tpu.memory_space<hbm>>
          tpu.enqueue_indirect_dma source(%dma_start3A_1685 : memref<100000x128xf32, #tpu.memory_space<hbm>>) target(%dma_start3A_1679 : memref<50x128xf32, #tpu.memory_space<vmem>>) offsets(%dma_start3A_1682 : memref<50xi32, #tpu.memory_space<vmem>>) semaphore(%arg15 : memref<!tpu.dma_semaphore, #tpu.memory_space<semaphore_mem>>)
          %dma_start3A_1686 = arith.constant 50 : i32
          %dma_start3A_1687 = arith.constant 0 : i32
          %dma_start3A_1688 = tpu.memref_slice %arg12[%dma_start3A_1686, %dma_start3A_1687] : memref<100x128xf32, #tpu.memory_space<vmem>> -> memref<50x128xf32, #tpu.memory_space<vmem>>
          %dma_start3A_1689 = arith.constant 0 : i32
          %dma_start3A_1690 = tpu.memref_slice %arg9[%min3A_1676, %dma_start3A_1689] : memref<128x50xi32, #tpu.memory_space<vmem>> -> memref<1x50xi32, #tpu.memory_space<vmem>>
          %dma_start3A_1691 = tpu.memref_squeeze %dma_start3A_1690 : memref<1x50xi32, #tpu.memory_space<vmem>> -> memref<50xi32, #tpu.memory_space<vmem>>
          %dma_start3A_1692 = arith.constant 0 : i32
          %dma_start3A_1693 = arith.constant 0 : i32
          %dma_start3A_1694 = tpu.memref_slice %arg5[%dma_start3A_1692, %dma_start3A_1693] : memref<100000x128xf32, #tpu.memory_space<hbm>> -> memref<100000x128xf32, #tpu.memory_space<hbm>>
          tpu.enqueue_indirect_dma source(%dma_start3A_1694 : memref<100000x128xf32, #tpu.memory_space<hbm>>) target(%dma_start3A_1688 : memref<50x128xf32, #tpu.memory_space<vmem>>) offsets(%dma_start3A_1691 : memref<50xi32, #tpu.memory_space<vmem>>) semaphore(%arg17 : memref<!tpu.dma_semaphore, #tpu.memory_space<semaphore_mem>>)
        } else {
        }
        %broadcast_in_dim3A_882 = arith.constant 0.000000e+00 : f32
        %broadcast_in_dim3A_883 = vector.broadcast %broadcast_in_dim3A_882 : f32 to vector<16xf32>
        %broadcast_in_dim3A_884 = arith.constant 0.000000e+00 : f32
        %broadcast_in_dim3A_885 = vector.broadcast %broadcast_in_dim3A_884 : f32 to vector<16xf32>
        %broadcast_in_dim3A_886 = arith.constant 0.000000e+00 : f32
        %broadcast_in_dim3A_887 = vector.broadcast %broadcast_in_dim3A_886 : f32 to vector<16xf32>
        %broadcast_in_dim3A_888 = arith.constant 0.000000e+00 : f32
        %broadcast_in_dim3A_889 = vector.broadcast %broadcast_in_dim3A_888 : f32 to vector<16xf32>
        %broadcast_in_dim3A_890 = arith.constant 0.000000e+00 : f32
        %broadcast_in_dim3A_891 = vector.broadcast %broadcast_in_dim3A_890 : f32 to vector<16xf32>
        %broadcast_in_dim3A_892 = arith.constant 0.000000e+00 : f32
        %broadcast_in_dim3A_893 = vector.broadcast %broadcast_in_dim3A_892 : f32 to vector<16xf32>
        %broadcast_in_dim3A_894 = arith.constant 0.000000e+00 : f32
        %broadcast_in_dim3A_895 = vector.broadcast %broadcast_in_dim3A_894 : f32 to vector<16xf32>
        %broadcast_in_dim3A_896 = arith.constant 0.000000e+00 : f32
        %broadcast_in_dim3A_897 = vector.broadcast %broadcast_in_dim3A_896 : f32 to vector<16xf32>
        %mul3A_898 = arith.constant 8 : i32
        %mul3A_899 = arith.muli %add3A_874, %mul3A_898 : i32
        %get3A_900 = arith.index_cast %mul3A_899 : i32 to index
        %get3A_901 = tpu.vector_load %arg10[%get3A_900] {strides = array<i32>} : memref<1040xi32, #tpu.memory_space<vmem>>, vector<16xi32>,
        %get3A_902 = vector.shape_cast %get3A_901 : vector<16xi32> to vector<16xi32>
        %slice3A_903 = vector.extract_strided_slice %get3A_902 {offsets = [0], sizes = [1], strides = [1]} : vector<16xi32> to vector<1xi32>
        %squeeze3A_904 = vector.extract %slice3A_903[0] : i32 from vector<1xi32>
        %get3A_905 = arith.index_cast %squeeze3A_904 : i32 to index
        %get3A_906 = arith.constant 0 : index
        %get3A_907 = tpu.vector_load %arg11[%get3A_905, %get3A_906] {strides = array<i32>} : memref<1000x64xi32, #tpu.memory_space<vmem>>, vector<1x16xi32>,
        %get3A_908 = vector.shape_cast %get3A_907 : vector<1x16xi32> to vector<16xi32>
        %shift_left3A_909 = arith.constant 16 : i32
        %shift_left3A_910 = vector.broadcast %shift_left3A_909 : i32 to vector<16xi32>
        %shift_left3A_911 = arith.shli %get3A_908, %shift_left3A_910 : vector<16xi32>
        %bitcast_convert_type3A_912 = tpu.bitcast %shift_left3A_911 : vector<16xi32> -> vector<16xf32>
        %add3A_913 = arith.addf %broadcast_in_dim3A_883, %bitcast_convert_type3A_912 : vector<16xf32>
        %and3A_914 = arith.constant -65536 : i32
        %and3A_915 = vector.broadcast %and3A_914 : i32 to vector<16xi32>
        %and3A_916 = arith.andi %get3A_908, %and3A_915 : vector<16xi32>
        %bitcast_convert_type3A_917 = tpu.bitcast %and3A_916 : vector<16xi32> -> vector<16xf32>
        %add3A_918 = arith.addf %broadcast_in_dim3A_891, %bitcast_convert_type3A_917 : vector<16xf32>
        %get3A_919 = arith.index_cast %squeeze3A_904 : i32 to index
        %get3A_920 = arith.constant 16 : index
        %get3A_921 = tpu.vector_load %arg11[%get3A_919, %get3A_920] {strides = array<i32>} : memref<1000x64xi32, #tpu.memory_space<vmem>>, vector<1x16xi32>,
        %get3A_922 = vector.shape_cast %get3A_921 : vector<1x16xi32> to vector<16xi32>
        %shift_left3A_923 = arith.constant 16 : i32
        %shift_left3A_924 = vector.broadcast %shift_left3A_923 : i32 to vector<16xi32>
        %shift_left3A_925 = arith.shli %get3A_922, %shift_left3A_924 : vector<16xi32>
        %bitcast_convert_type3A_926 = tpu.bitcast %shift_left3A_925 : vector<16xi32> -> vector<16xf32>
        %add3A_927 = arith.addf %broadcast_in_dim3A_885, %bitcast_convert_type3A_926 : vector<16xf32>
        %and3A_928 = arith.constant -65536 : i32
        %and3A_929 = vector.broadcast %and3A_928 : i32 to vector<16xi32>
        %and3A_930 = arith.andi %get3A_922, %and3A_929 : vector<16xi32>
        %bitcast_convert_type3A_931 = tpu.bitcast %and3A_930 : vector<16xi32> -> vector<16xf32>
        %add3A_932 = arith.addf %broadcast_in_dim3A_893, %bitcast_convert_type3A_931 : vector<16xf32>
        %get3A_933 = arith.index_cast %squeeze3A_904 : i32 to index
        %get3A_934 = arith.constant 32 : index
        %get3A_935 = tpu.vector_load %arg11[%get3A_933, %get3A_934] {strides = array<i32>} : memref<1000x64xi32, #tpu.memory_space<vmem>>, vector<1x16xi32>,
        %get3A_936 = vector.shape_cast %get3A_935 : vector<1x16xi32> to vector<16xi32>
        %shift_left3A_937 = arith.constant 16 : i32
        %shift_left3A_938 = vector.broadcast %shift_left3A_937 : i32 to vector<16xi32>
        %shift_left3A_939 = arith.shli %get3A_936, %shift_left3A_938 : vector<16xi32>
        %bitcast_convert_type3A_940 = tpu.bitcast %shift_left3A_939 : vector<16xi32> -> vector<16xf32>
        %add3A_941 = arith.addf %broadcast_in_dim3A_887, %bitcast_convert_type3A_940 : vector<16xf32>
        %and3A_942 = arith.constant -65536 : i32
        %and3A_943 = vector.broadcast %and3A_942 : i32 to vector<16xi32>
        %and3A_944 = arith.andi %get3A_936, %and3A_943 : vector<16xi32>
        %bitcast_convert_type3A_945 = tpu.bitcast %and3A_944 : vector<16xi32> -> vector<16xf32>
        %add3A_946 = arith.addf %broadcast_in_dim3A_895, %bitcast_convert_type3A_945 : vector<16xf32>
        %get3A_947 = arith.index_cast %squeeze3A_904 : i32 to index
        %get3A_948 = arith.constant 48 : index
        %get3A_949 = tpu.vector_load %arg11[%get3A_947, %get3A_948] {strides = array<i32>} : memref<1000x64xi32, #tpu.memory_space<vmem>>, vector<1x16xi32>,
        %get3A_950 = vector.shape_cast %get3A_949 : vector<1x16xi32> to vector<16xi32>
        %shift_left3A_951 = arith.constant 16 : i32
        %shift_left3A_952 = vector.broadcast %shift_left3A_951 : i32 to vector<16xi32>
        %shift_left3A_953 = arith.shli %get3A_950, %shift_left3A_952 : vector<16xi32>
        %bitcast_convert_type3A_954 = tpu.bitcast %shift_left3A_953 : vector<16xi32> -> vector<16xf32>
        %add3A_955 = arith.addf %broadcast_in_dim3A_889, %bitcast_convert_type3A_954 : vector<16xf32>
        %and3A_956 = arith.constant -65536 : i32
        %and3A_957 = vector.broadcast %and3A_956 : i32 to vector<16xi32>
        %and3A_958 = arith.andi %get3A_950, %and3A_957 : vector<16xi32>
        %bitcast_convert_type3A_959 = tpu.bitcast %and3A_958 : vector<16xi32> -> vector<16xf32>
        %add3A_960 = arith.addf %broadcast_in_dim3A_897, %bitcast_convert_type3A_959 : vector<16xf32>
        %slice3A_961 = vector.extract_strided_slice %get3A_902 {offsets = [1], sizes = [1], strides = [1]} : vector<16xi32> to vector<1xi32>
        %squeeze3A_962 = vector.extract %slice3A_961[0] : i32 from vector<1xi32>
        %get3A_963 = arith.index_cast %squeeze3A_962 : i32 to index
        %get3A_964 = arith.constant 0 : index
        %get3A_965 = tpu.vector_load %arg11[%get3A_963, %get3A_964] {strides = array<i32>} : memref<1000x64xi32, #tpu.memory_space<vmem>>, vector<1x16xi32>,
        %get3A_966 = vector.shape_cast %get3A_965 : vector<1x16xi32> to vector<16xi32>
        %shift_left3A_967 = arith.constant 16 : i32
        %shift_left3A_968 = vector.broadcast %shift_left3A_967 : i32 to vector<16xi32>
        %shift_left3A_969 = arith.shli %get3A_966, %shift_left3A_968 : vector<16xi32>
        %bitcast_convert_type3A_970 = tpu.bitcast %shift_left3A_969 : vector<16xi32> -> vector<16xf32>
        %add3A_971 = arith.addf %add3A_913, %bitcast_convert_type3A_970 : vector<16xf32>
        %and3A_972 = arith.constant -65536 : i32
        %and3A_973 = vector.broadcast %and3A_972 : i32 to vector<16xi32>
        %and3A_974 = arith.andi %get3A_966, %and3A_973 : vector<16xi32>
        %bitcast_convert_type3A_975 = tpu.bitcast %and3A_974 : vector<16xi32> -> vector<16xf32>
        %add3A_976 = arith.addf %add3A_918, %bitcast_convert_type3A_975 : vector<16xf32>
        %get3A_977 = arith.index_cast %squeeze3A_962 : i32 to index
        %get3A_978 = arith.constant 16 : index
        %get3A_979 = tpu.vector_load %arg11[%get3A_977, %get3A_978] {strides = array<i32>} : memref<1000x64xi32, #tpu.memory_space<vmem>>, vector<1x16xi32>,
        %get3A_980 = vector.shape_cast %get3A_979 : vector<1x16xi32> to vector<16xi32>
        %shift_left3A_981 = arith.constant 16 : i32
        %shift_left3A_982 = vector.broadcast %shift_left3A_981 : i32 to vector<16xi32>
        %shift_left3A_983 = arith.shli %get3A_980, %shift_left3A_982 : vector<16xi32>
        %bitcast_convert_type3A_984 = tpu.bitcast %shift_left3A_983 : vector<16xi32> -> vector<16xf32>
        %add3A_985 = arith.addf %add3A_927, %bitcast_convert_type3A_984 : vector<16xf32>
        %and3A_986 = arith.constant -65536 : i32
        %and3A_987 = vector.broadcast %and3A_986 : i32 to vector<16xi32>
        %and3A_988 = arith.andi %get3A_980, %and3A_987 : vector<16xi32>
        %bitcast_convert_type3A_989 = tpu.bitcast %and3A_988 : vector<16xi32> -> vector<16xf32>
        %add3A_990 = arith.addf %add3A_932, %bitcast_convert_type3A_989 : vector<16xf32>
        %get3A_991 = arith.index_cast %squeeze3A_962 : i32 to index
        %get3A_992 = arith.constant 32 : index
        %get3A_993 = tpu.vector_load %arg11[%get3A_991, %get3A_992] {strides = array<i32>} : memref<1000x64xi32, #tpu.memory_space<vmem>>, vector<1x16xi32>,
        %get3A_994 = vector.shape_cast %get3A_993 : vector<1x16xi32> to vector<16xi32>
        %shift_left3A_995 = arith.constant 16 : i32
        %shift_left3A_996 = vector.broadcast %shift_left3A_995 : i32 to vector<16xi32>
        %shift_left3A_997 = arith.shli %get3A_994, %shift_left3A_996 : vector<16xi32>
        %bitcast_convert_type3A_998 = tpu.bitcast %shift_left3A_997 : vector<16xi32> -> vector<16xf32>
        %add3A_999 = arith.addf %add3A_941, %bitcast_convert_type3A_998 : vector<16xf32>
        %and3A_1000 = arith.constant -65536 : i32
        %and3A_1001 = vector.broadcast %and3A_1000 : i32 to vector<16xi32>
        %and3A_1002 = arith.andi %get3A_994, %and3A_1001 : vector<16xi32>
        %bitcast_convert_type3A_1003 = tpu.bitcast %and3A_1002 : vector<16xi32> -> vector<16xf32>
        %add3A_1004 = arith.addf %add3A_946, %bitcast_convert_type3A_1003 : vector<16xf32>
        %get3A_1005 = arith.index_cast %squeeze3A_962 : i32 to index
        %get3A_1006 = arith.constant 48 : index
        %get3A_1007 = tpu.vector_load %arg11[%get3A_1005, %get3A_1006] {strides = array<i32>} : memref<1000x64xi32, #tpu.memory_space<vmem>>, vector<1x16xi32>,
        %get3A_1008 = vector.shape_cast %get3A_1007 : vector<1x16xi32> to vector<16xi32>
        %shift_left3A_1009 = arith.constant 16 : i32
        %shift_left3A_1010 = vector.broadcast %shift_left3A_1009 : i32 to vector<16xi32>
        %shift_left3A_1011 = arith.shli %get3A_1008, %shift_left3A_1010 : vector<16xi32>
        %bitcast_convert_type3A_1012 = tpu.bitcast %shift_left3A_1011 : vector<16xi32> -> vector<16xf32>
        %add3A_1013 = arith.addf %add3A_955, %bitcast_convert_type3A_1012 : vector<16xf32>
        %and3A_1014 = arith.constant -65536 : i32
        %and3A_1015 = vector.broadcast %and3A_1014 : i32 to vector<16xi32>
        %and3A_1016 = arith.andi %get3A_1008, %and3A_1015 : vector<16xi32>
        %bitcast_convert_type3A_1017 = tpu.bitcast %and3A_1016 : vector<16xi32> -> vector<16xf32>
        %add3A_1018 = arith.addf %add3A_960, %bitcast_convert_type3A_1017 : vector<16xf32>
        %slice3A_1019 = vector.extract_strided_slice %get3A_902 {offsets = [2], sizes = [1], strides = [1]} : vector<16xi32> to vector<1xi32>
        %squeeze3A_1020 = vector.extract %slice3A_1019[0] : i32 from vector<1xi32>
        %get3A_1021 = arith.index_cast %squeeze3A_1020 : i32 to index
        %get3A_1022 = arith.constant 0 : index
        %get3A_1023 = tpu.vector_load %arg11[%get3A_1021, %get3A_1022] {strides = array<i32>} : memref<1000x64xi32, #tpu.memory_space<vmem>>, vector<1x16xi32>,
        %get3A_1024 = vector.shape_cast %get3A_1023 : vector<1x16xi32> to vector<16xi32>
        %shift_left3A_1025 = arith.constant 16 : i32
        %shift_left3A_1026 = vector.broadcast %shift_left3A_1025 : i32 to vector<16xi32>
        %shift_left3A_1027 = arith.shli %get3A_1024, %shift_left3A_1026 : vector<16xi32>
        %bitcast_convert_type3A_1028 = tpu.bitcast %shift_left3A_1027 : vector<16xi32> -> vector<16xf32>
        %add3A_1029 = arith.addf %add3A_971, %bitcast_convert_type3A_1028 : vector<16xf32>
        %and3A_1030 = arith.constant -65536 : i32
        %and3A_1031 = vector.broadcast %and3A_1030 : i32 to vector<16xi32>
        %and3A_1032 = arith.andi %get3A_1024, %and3A_1031 : vector<16xi32>
        %bitcast_convert_type3A_1033 = tpu.bitcast %and3A_1032 : vector<16xi32> -> vector<16xf32>
        %add3A_1034 = arith.addf %add3A_976, %bitcast_convert_type3A_1033 : vector<16xf32>
        %get3A_1035 = arith.index_cast %squeeze3A_1020 : i32 to index
        %get3A_1036 = arith.constant 16 : index
        %get3A_1037 = tpu.vector_load %arg11[%get3A_1035, %get3A_1036] {strides = array<i32>} : memref<1000x64xi32, #tpu.memory_space<vmem>>, vector<1x16xi32>,
        %get3A_1038 = vector.shape_cast %get3A_1037 : vector<1x16xi32> to vector<16xi32>
        %shift_left3A_1039 = arith.constant 16 : i32
        %shift_left3A_1040 = vector.broadcast %shift_left3A_1039 : i32 to vector<16xi32>
        %shift_left3A_1041 = arith.shli %get3A_1038, %shift_left3A_1040 : vector<16xi32>
        %bitcast_convert_type3A_1042 = tpu.bitcast %shift_left3A_1041 : vector<16xi32> -> vector<16xf32>
        %add3A_1043 = arith.addf %add3A_985, %bitcast_convert_type3A_1042 : vector<16xf32>
        %and3A_1044 = arith.constant -65536 : i32
        %and3A_1045 = vector.broadcast %and3A_1044 : i32 to vector<16xi32>
        %and3A_1046 = arith.andi %get3A_1038, %and3A_1045 : vector<16xi32>
        %bitcast_convert_type3A_1047 = tpu.bitcast %and3A_1046 : vector<16xi32> -> vector<16xf32>
        %add3A_1048 = arith.addf %add3A_990, %bitcast_convert_type3A_1047 : vector<16xf32>
        %get3A_1049 = arith.index_cast %squeeze3A_1020 : i32 to index
        %get3A_1050 = arith.constant 32 : index
        %get3A_1051 = tpu.vector_load %arg11[%get3A_1049, %get3A_1050] {strides = array<i32>} : memref<1000x64xi32, #tpu.memory_space<vmem>>, vector<1x16xi32>,
        %get3A_1052 = vector.shape_cast %get3A_1051 : vector<1x16xi32> to vector<16xi32>
        %shift_left3A_1053 = arith.constant 16 : i32
        %shift_left3A_1054 = vector.broadcast %shift_left3A_1053 : i32 to vector<16xi32>
        %shift_left3A_1055 = arith.shli %get3A_1052, %shift_left3A_1054 : vector<16xi32>
        %bitcast_convert_type3A_1056 = tpu.bitcast %shift_left3A_1055 : vector<16xi32> -> vector<16xf32>
        %add3A_1057 = arith.addf %add3A_999, %bitcast_convert_type3A_1056 : vector<16xf32>
        %and3A_1058 = arith.constant -65536 : i32
        %and3A_1059 = vector.broadcast %and3A_1058 : i32 to vector<16xi32>
        %and3A_1060 = arith.andi %get3A_1052, %and3A_1059 : vector<16xi32>
        %bitcast_convert_type3A_1061 = tpu.bitcast %and3A_1060 : vector<16xi32> -> vector<16xf32>
        %add3A_1062 = arith.addf %add3A_1004, %bitcast_convert_type3A_1061 : vector<16xf32>
        %get3A_1063 = arith.index_cast %squeeze3A_1020 : i32 to index
        %get3A_1064 = arith.constant 48 : index
        %get3A_1065 = tpu.vector_load %arg11[%get3A_1063, %get3A_1064] {strides = array<i32>} : memref<1000x64xi32, #tpu.memory_space<vmem>>, vector<1x16xi32>,
        %get3A_1066 = vector.shape_cast %get3A_1065 : vector<1x16xi32> to vector<16xi32>
        %shift_left3A_1067 = arith.constant 16 : i32
        %shift_left3A_1068 = vector.broadcast %shift_left3A_1067 : i32 to vector<16xi32>
        %shift_left3A_1069 = arith.shli %get3A_1066, %shift_left3A_1068 : vector<16xi32>
        %bitcast_convert_type3A_1070 = tpu.bitcast %shift_left3A_1069 : vector<16xi32> -> vector<16xf32>
        %add3A_1071 = arith.addf %add3A_1013, %bitcast_convert_type3A_1070 : vector<16xf32>
        %and3A_1072 = arith.constant -65536 : i32
        %and3A_1073 = vector.broadcast %and3A_1072 : i32 to vector<16xi32>
        %and3A_1074 = arith.andi %get3A_1066, %and3A_1073 : vector<16xi32>
        %bitcast_convert_type3A_1075 = tpu.bitcast %and3A_1074 : vector<16xi32> -> vector<16xf32>
        %add3A_1076 = arith.addf %add3A_1018, %bitcast_convert_type3A_1075 : vector<16xf32>
        %slice3A_1077 = vector.extract_strided_slice %get3A_902 {offsets = [3], sizes = [1], strides = [1]} : vector<16xi32> to vector<1xi32>
        %squeeze3A_1078 = vector.extract %slice3A_1077[0] : i32 from vector<1xi32>
        %get3A_1079 = arith.index_cast %squeeze3A_1078 : i32 to index
        %get3A_1080 = arith.constant 0 : index
        %get3A_1081 = tpu.vector_load %arg11[%get3A_1079, %get3A_1080] {strides = array<i32>} : memref<1000x64xi32, #tpu.memory_space<vmem>>, vector<1x16xi32>,
        %get3A_1082 = vector.shape_cast %get3A_1081 : vector<1x16xi32> to vector<16xi32>
        %shift_left3A_1083 = arith.constant 16 : i32
        %shift_left3A_1084 = vector.broadcast %shift_left3A_1083 : i32 to vector<16xi32>
        %shift_left3A_1085 = arith.shli %get3A_1082, %shift_left3A_1084 : vector<16xi32>
        %bitcast_convert_type3A_1086 = tpu.bitcast %shift_left3A_1085 : vector<16xi32> -> vector<16xf32>
        %add3A_1087 = arith.addf %add3A_1029, %bitcast_convert_type3A_1086 : vector<16xf32>
        %and3A_1088 = arith.constant -65536 : i32
        %and3A_1089 = vector.broadcast %and3A_1088 : i32 to vector<16xi32>
        %and3A_1090 = arith.andi %get3A_1082, %and3A_1089 : vector<16xi32>
        %bitcast_convert_type3A_1091 = tpu.bitcast %and3A_1090 : vector<16xi32> -> vector<16xf32>
        %add3A_1092 = arith.addf %add3A_1034, %bitcast_convert_type3A_1091 : vector<16xf32>
        %get3A_1093 = arith.index_cast %squeeze3A_1078 : i32 to index
        %get3A_1094 = arith.constant 16 : index
        %get3A_1095 = tpu.vector_load %arg11[%get3A_1093, %get3A_1094] {strides = array<i32>} : memref<1000x64xi32, #tpu.memory_space<vmem>>, vector<1x16xi32>,
        %get3A_1096 = vector.shape_cast %get3A_1095 : vector<1x16xi32> to vector<16xi32>
        %shift_left3A_1097 = arith.constant 16 : i32
        %shift_left3A_1098 = vector.broadcast %shift_left3A_1097 : i32 to vector<16xi32>
        %shift_left3A_1099 = arith.shli %get3A_1096, %shift_left3A_1098 : vector<16xi32>
        %bitcast_convert_type3A_1100 = tpu.bitcast %shift_left3A_1099 : vector<16xi32> -> vector<16xf32>
        %add3A_1101 = arith.addf %add3A_1043, %bitcast_convert_type3A_1100 : vector<16xf32>
        %and3A_1102 = arith.constant -65536 : i32
        %and3A_1103 = vector.broadcast %and3A_1102 : i32 to vector<16xi32>
        %and3A_1104 = arith.andi %get3A_1096, %and3A_1103 : vector<16xi32>
        %bitcast_convert_type3A_1105 = tpu.bitcast %and3A_1104 : vector<16xi32> -> vector<16xf32>
        %add3A_1106 = arith.addf %add3A_1048, %bitcast_convert_type3A_1105 : vector<16xf32>
        %get3A_1107 = arith.index_cast %squeeze3A_1078 : i32 to index
        %get3A_1108 = arith.constant 32 : index
        %get3A_1109 = tpu.vector_load %arg11[%get3A_1107, %get3A_1108] {strides = array<i32>} : memref<1000x64xi32, #tpu.memory_space<vmem>>, vector<1x16xi32>,
        %get3A_1110 = vector.shape_cast %get3A_1109 : vector<1x16xi32> to vector<16xi32>
        %shift_left3A_1111 = arith.constant 16 : i32
        %shift_left3A_1112 = vector.broadcast %shift_left3A_1111 : i32 to vector<16xi32>
        %shift_left3A_1113 = arith.shli %get3A_1110, %shift_left3A_1112 : vector<16xi32>
        %bitcast_convert_type3A_1114 = tpu.bitcast %shift_left3A_1113 : vector<16xi32> -> vector<16xf32>
        %add3A_1115 = arith.addf %add3A_1057, %bitcast_convert_type3A_1114 : vector<16xf32>
        %and3A_1116 = arith.constant -65536 : i32
        %and3A_1117 = vector.broadcast %and3A_1116 : i32 to vector<16xi32>
        %and3A_1118 = arith.andi %get3A_1110, %and3A_1117 : vector<16xi32>
        %bitcast_convert_type3A_1119 = tpu.bitcast %and3A_1118 : vector<16xi32> -> vector<16xf32>
        %add3A_1120 = arith.addf %add3A_1062, %bitcast_convert_type3A_1119 : vector<16xf32>
        %get3A_1121 = arith.index_cast %squeeze3A_1078 : i32 to index
        %get3A_1122 = arith.constant 48 : index
        %get3A_1123 = tpu.vector_load %arg11[%get3A_1121, %get3A_1122] {strides = array<i32>} : memref<1000x64xi32, #tpu.memory_space<vmem>>, vector<1x16xi32>,
        %get3A_1124 = vector.shape_cast %get3A_1123 : vector<1x16xi32> to vector<16xi32>
        %shift_left3A_1125 = arith.constant 16 : i32
        %shift_left3A_1126 = vector.broadcast %shift_left3A_1125 : i32 to vector<16xi32>
        %shift_left3A_1127 = arith.shli %get3A_1124, %shift_left3A_1126 : vector<16xi32>
        %bitcast_convert_type3A_1128 = tpu.bitcast %shift_left3A_1127 : vector<16xi32> -> vector<16xf32>
        %add3A_1129 = arith.addf %add3A_1071, %bitcast_convert_type3A_1128 : vector<16xf32>
        %and3A_1130 = arith.constant -65536 : i32
        %and3A_1131 = vector.broadcast %and3A_1130 : i32 to vector<16xi32>
        %and3A_1132 = arith.andi %get3A_1124, %and3A_1131 : vector<16xi32>
        %bitcast_convert_type3A_1133 = tpu.bitcast %and3A_1132 : vector<16xi32> -> vector<16xf32>
        %add3A_1134 = arith.addf %add3A_1076, %bitcast_convert_type3A_1133 : vector<16xf32>
        %slice3A_1135 = vector.extract_strided_slice %get3A_902 {offsets = [4], sizes = [1], strides = [1]} : vector<16xi32> to vector<1xi32>
        %squeeze3A_1136 = vector.extract %slice3A_1135[0] : i32 from vector<1xi32>
        %get3A_1137 = arith.index_cast %squeeze3A_1136 : i32 to index
        %get3A_1138 = arith.constant 0 : index
        %get3A_1139 = tpu.vector_load %arg11[%get3A_1137, %get3A_1138] {strides = array<i32>} : memref<1000x64xi32, #tpu.memory_space<vmem>>, vector<1x16xi32>,
        %get3A_1140 = vector.shape_cast %get3A_1139 : vector<1x16xi32> to vector<16xi32>
        %shift_left3A_1141 = arith.constant 16 : i32
        %shift_left3A_1142 = vector.broadcast %shift_left3A_1141 : i32 to vector<16xi32>
        %shift_left3A_1143 = arith.shli %get3A_1140, %shift_left3A_1142 : vector<16xi32>
        %bitcast_convert_type3A_1144 = tpu.bitcast %shift_left3A_1143 : vector<16xi32> -> vector<16xf32>
        %add3A_1145 = arith.addf %add3A_1087, %bitcast_convert_type3A_1144 : vector<16xf32>
        %and3A_1146 = arith.constant -65536 : i32
        %and3A_1147 = vector.broadcast %and3A_1146 : i32 to vector<16xi32>
        %and3A_1148 = arith.andi %get3A_1140, %and3A_1147 : vector<16xi32>
        %bitcast_convert_type3A_1149 = tpu.bitcast %and3A_1148 : vector<16xi32> -> vector<16xf32>
        %add3A_1150 = arith.addf %add3A_1092, %bitcast_convert_type3A_1149 : vector<16xf32>
        %get3A_1151 = arith.index_cast %squeeze3A_1136 : i32 to index
        %get3A_1152 = arith.constant 16 : index
        %get3A_1153 = tpu.vector_load %arg11[%get3A_1151, %get3A_1152] {strides = array<i32>} : memref<1000x64xi32, #tpu.memory_space<vmem>>, vector<1x16xi32>,
        %get3A_1154 = vector.shape_cast %get3A_1153 : vector<1x16xi32> to vector<16xi32>
        %shift_left3A_1155 = arith.constant 16 : i32
        %shift_left3A_1156 = vector.broadcast %shift_left3A_1155 : i32 to vector<16xi32>
        %shift_left3A_1157 = arith.shli %get3A_1154, %shift_left3A_1156 : vector<16xi32>
        %bitcast_convert_type3A_1158 = tpu.bitcast %shift_left3A_1157 : vector<16xi32> -> vector<16xf32>
        %add3A_1159 = arith.addf %add3A_1101, %bitcast_convert_type3A_1158 : vector<16xf32>
        %and3A_1160 = arith.constant -65536 : i32
        %and3A_1161 = vector.broadcast %and3A_1160 : i32 to vector<16xi32>
        %and3A_1162 = arith.andi %get3A_1154, %and3A_1161 : vector<16xi32>
        %bitcast_convert_type3A_1163 = tpu.bitcast %and3A_1162 : vector<16xi32> -> vector<16xf32>
        %add3A_1164 = arith.addf %add3A_1106, %bitcast_convert_type3A_1163 : vector<16xf32>
        %get3A_1165 = arith.index_cast %squeeze3A_1136 : i32 to index
        %get3A_1166 = arith.constant 32 : index
        %get3A_1167 = tpu.vector_load %arg11[%get3A_1165, %get3A_1166] {strides = array<i32>} : memref<1000x64xi32, #tpu.memory_space<vmem>>, vector<1x16xi32>,
        %get3A_1168 = vector.shape_cast %get3A_1167 : vector<1x16xi32> to vector<16xi32>
        %shift_left3A_1169 = arith.constant 16 : i32
        %shift_left3A_1170 = vector.broadcast %shift_left3A_1169 : i32 to vector<16xi32>
        %shift_left3A_1171 = arith.shli %get3A_1168, %shift_left3A_1170 : vector<16xi32>
        %bitcast_convert_type3A_1172 = tpu.bitcast %shift_left3A_1171 : vector<16xi32> -> vector<16xf32>
        %add3A_1173 = arith.addf %add3A_1115, %bitcast_convert_type3A_1172 : vector<16xf32>
        %and3A_1174 = arith.constant -65536 : i32
        %and3A_1175 = vector.broadcast %and3A_1174 : i32 to vector<16xi32>
        %and3A_1176 = arith.andi %get3A_1168, %and3A_1175 : vector<16xi32>
        %bitcast_convert_type3A_1177 = tpu.bitcast %and3A_1176 : vector<16xi32> -> vector<16xf32>
        %add3A_1178 = arith.addf %add3A_1120, %bitcast_convert_type3A_1177 : vector<16xf32>
        %get3A_1179 = arith.index_cast %squeeze3A_1136 : i32 to index
        %get3A_1180 = arith.constant 48 : index
        %get3A_1181 = tpu.vector_load %arg11[%get3A_1179, %get3A_1180] {strides = array<i32>} : memref<1000x64xi32, #tpu.memory_space<vmem>>, vector<1x16xi32>,
        %get3A_1182 = vector.shape_cast %get3A_1181 : vector<1x16xi32> to vector<16xi32>
        %shift_left3A_1183 = arith.constant 16 : i32
        %shift_left3A_1184 = vector.broadcast %shift_left3A_1183 : i32 to vector<16xi32>
        %shift_left3A_1185 = arith.shli %get3A_1182, %shift_left3A_1184 : vector<16xi32>
        %bitcast_convert_type3A_1186 = tpu.bitcast %shift_left3A_1185 : vector<16xi32> -> vector<16xf32>
        %add3A_1187 = arith.addf %add3A_1129, %bitcast_convert_type3A_1186 : vector<16xf32>
        %and3A_1188 = arith.constant -65536 : i32
        %and3A_1189 = vector.broadcast %and3A_1188 : i32 to vector<16xi32>
        %and3A_1190 = arith.andi %get3A_1182, %and3A_1189 : vector<16xi32>
        %bitcast_convert_type3A_1191 = tpu.bitcast %and3A_1190 : vector<16xi32> -> vector<16xf32>
        %add3A_1192 = arith.addf %add3A_1134, %bitcast_convert_type3A_1191 : vector<16xf32>
        %slice3A_1193 = vector.extract_strided_slice %get3A_902 {offsets = [5], sizes = [1], strides = [1]} : vector<16xi32> to vector<1xi32>
        %squeeze3A_1194 = vector.extract %slice3A_1193[0] : i32 from vector<1xi32>
        %get3A_1195 = arith.index_cast %squeeze3A_1194 : i32 to index
        %get3A_1196 = arith.constant 0 : index
        %get3A_1197 = tpu.vector_load %arg11[%get3A_1195, %get3A_1196] {strides = array<i32>} : memref<1000x64xi32, #tpu.memory_space<vmem>>, vector<1x16xi32>,
        %get3A_1198 = vector.shape_cast %get3A_1197 : vector<1x16xi32> to vector<16xi32>
        %shift_left3A_1199 = arith.constant 16 : i32
        %shift_left3A_1200 = vector.broadcast %shift_left3A_1199 : i32 to vector<16xi32>
        %shift_left3A_1201 = arith.shli %get3A_1198, %shift_left3A_1200 : vector<16xi32>
        %bitcast_convert_type3A_1202 = tpu.bitcast %shift_left3A_1201 : vector<16xi32> -> vector<16xf32>
        %add3A_1203 = arith.addf %add3A_1145, %bitcast_convert_type3A_1202 : vector<16xf32>
        %and3A_1204 = arith.constant -65536 : i32
        %and3A_1205 = vector.broadcast %and3A_1204 : i32 to vector<16xi32>
        %and3A_1206 = arith.andi %get3A_1198, %and3A_1205 : vector<16xi32>
        %bitcast_convert_type3A_1207 = tpu.bitcast %and3A_1206 : vector<16xi32> -> vector<16xf32>
        %add3A_1208 = arith.addf %add3A_1150, %bitcast_convert_type3A_1207 : vector<16xf32>
        %get3A_1209 = arith.index_cast %squeeze3A_1194 : i32 to index
        %get3A_1210 = arith.constant 16 : index
        %get3A_1211 = tpu.vector_load %arg11[%get3A_1209, %get3A_1210] {strides = array<i32>} : memref<1000x64xi32, #tpu.memory_space<vmem>>, vector<1x16xi32>,
        %get3A_1212 = vector.shape_cast %get3A_1211 : vector<1x16xi32> to vector<16xi32>
        %shift_left3A_1213 = arith.constant 16 : i32
        %shift_left3A_1214 = vector.broadcast %shift_left3A_1213 : i32 to vector<16xi32>
        %shift_left3A_1215 = arith.shli %get3A_1212, %shift_left3A_1214 : vector<16xi32>
        %bitcast_convert_type3A_1216 = tpu.bitcast %shift_left3A_1215 : vector<16xi32> -> vector<16xf32>
        %add3A_1217 = arith.addf %add3A_1159, %bitcast_convert_type3A_1216 : vector<16xf32>
        %and3A_1218 = arith.constant -65536 : i32
        %and3A_1219 = vector.broadcast %and3A_1218 : i32 to vector<16xi32>
        %and3A_1220 = arith.andi %get3A_1212, %and3A_1219 : vector<16xi32>
        %bitcast_convert_type3A_1221 = tpu.bitcast %and3A_1220 : vector<16xi32> -> vector<16xf32>
        %add3A_1222 = arith.addf %add3A_1164, %bitcast_convert_type3A_1221 : vector<16xf32>
        %get3A_1223 = arith.index_cast %squeeze3A_1194 : i32 to index
        %get3A_1224 = arith.constant 32 : index
        %get3A_1225 = tpu.vector_load %arg11[%get3A_1223, %get3A_1224] {strides = array<i32>} : memref<1000x64xi32, #tpu.memory_space<vmem>>, vector<1x16xi32>,
        %get3A_1226 = vector.shape_cast %get3A_1225 : vector<1x16xi32> to vector<16xi32>
        %shift_left3A_1227 = arith.constant 16 : i32
        %shift_left3A_1228 = vector.broadcast %shift_left3A_1227 : i32 to vector<16xi32>
        %shift_left3A_1229 = arith.shli %get3A_1226, %shift_left3A_1228 : vector<16xi32>
        %bitcast_convert_type3A_1230 = tpu.bitcast %shift_left3A_1229 : vector<16xi32> -> vector<16xf32>
        %add3A_1231 = arith.addf %add3A_1173, %bitcast_convert_type3A_1230 : vector<16xf32>
        %and3A_1232 = arith.constant -65536 : i32
        %and3A_1233 = vector.broadcast %and3A_1232 : i32 to vector<16xi32>
        %and3A_1234 = arith.andi %get3A_1226, %and3A_1233 : vector<16xi32>
        %bitcast_convert_type3A_1235 = tpu.bitcast %and3A_1234 : vector<16xi32> -> vector<16xf32>
        %add3A_1236 = arith.addf %add3A_1178, %bitcast_convert_type3A_1235 : vector<16xf32>
        %get3A_1237 = arith.index_cast %squeeze3A_1194 : i32 to index
        %get3A_1238 = arith.constant 48 : index
        %get3A_1239 = tpu.vector_load %arg11[%get3A_1237, %get3A_1238] {strides = array<i32>} : memref<1000x64xi32, #tpu.memory_space<vmem>>, vector<1x16xi32>,
        %get3A_1240 = vector.shape_cast %get3A_1239 : vector<1x16xi32> to vector<16xi32>
        %shift_left3A_1241 = arith.constant 16 : i32
        %shift_left3A_1242 = vector.broadcast %shift_left3A_1241 : i32 to vector<16xi32>
        %shift_left3A_1243 = arith.shli %get3A_1240, %shift_left3A_1242 : vector<16xi32>
        %bitcast_convert_type3A_1244 = tpu.bitcast %shift_left3A_1243 : vector<16xi32> -> vector<16xf32>
        %add3A_1245 = arith.addf %add3A_1187, %bitcast_convert_type3A_1244 : vector<16xf32>
        %and3A_1246 = arith.constant -65536 : i32
        %and3A_1247 = vector.broadcast %and3A_1246 : i32 to vector<16xi32>
        %and3A_1248 = arith.andi %get3A_1240, %and3A_1247 : vector<16xi32>
        %bitcast_convert_type3A_1249 = tpu.bitcast %and3A_1248 : vector<16xi32> -> vector<16xf32>
        %add3A_1250 = arith.addf %add3A_1192, %bitcast_convert_type3A_1249 : vector<16xf32>
        %slice3A_1251 = vector.extract_strided_slice %get3A_902 {offsets = [6], sizes = [1], strides = [1]} : vector<16xi32> to vector<1xi32>
        %squeeze3A_1252 = vector.extract %slice3A_1251[0] : i32 from vector<1xi32>
        %get3A_1253 = arith.index_cast %squeeze3A_1252 : i32 to index
        %get3A_1254 = arith.constant 0 : index
        %get3A_1255 = tpu.vector_load %arg11[%get3A_1253, %get3A_1254] {strides = array<i32>} : memref<1000x64xi32, #tpu.memory_space<vmem>>, vector<1x16xi32>,
        %get3A_1256 = vector.shape_cast %get3A_1255 : vector<1x16xi32> to vector<16xi32>
        %shift_left3A_1257 = arith.constant 16 : i32
        %shift_left3A_1258 = vector.broadcast %shift_left3A_1257 : i32 to vector<16xi32>
        %shift_left3A_1259 = arith.shli %get3A_1256, %shift_left3A_1258 : vector<16xi32>
        %bitcast_convert_type3A_1260 = tpu.bitcast %shift_left3A_1259 : vector<16xi32> -> vector<16xf32>
        %add3A_1261 = arith.addf %add3A_1203, %bitcast_convert_type3A_1260 : vector<16xf32>
        %and3A_1262 = arith.constant -65536 : i32
        %and3A_1263 = vector.broadcast %and3A_1262 : i32 to vector<16xi32>
        %and3A_1264 = arith.andi %get3A_1256, %and3A_1263 : vector<16xi32>
        %bitcast_convert_type3A_1265 = tpu.bitcast %and3A_1264 : vector<16xi32> -> vector<16xf32>
        %add3A_1266 = arith.addf %add3A_1208, %bitcast_convert_type3A_1265 : vector<16xf32>
        %get3A_1267 = arith.index_cast %squeeze3A_1252 : i32 to index
        %get3A_1268 = arith.constant 16 : index
        %get3A_1269 = tpu.vector_load %arg11[%get3A_1267, %get3A_1268] {strides = array<i32>} : memref<1000x64xi32, #tpu.memory_space<vmem>>, vector<1x16xi32>,
        %get3A_1270 = vector.shape_cast %get3A_1269 : vector<1x16xi32> to vector<16xi32>
        %shift_left3A_1271 = arith.constant 16 : i32
        %shift_left3A_1272 = vector.broadcast %shift_left3A_1271 : i32 to vector<16xi32>
        %shift_left3A_1273 = arith.shli %get3A_1270, %shift_left3A_1272 : vector<16xi32>
        %bitcast_convert_type3A_1274 = tpu.bitcast %shift_left3A_1273 : vector<16xi32> -> vector<16xf32>
        %add3A_1275 = arith.addf %add3A_1217, %bitcast_convert_type3A_1274 : vector<16xf32>
        %and3A_1276 = arith.constant -65536 : i32
        %and3A_1277 = vector.broadcast %and3A_1276 : i32 to vector<16xi32>
        %and3A_1278 = arith.andi %get3A_1270, %and3A_1277 : vector<16xi32>
        %bitcast_convert_type3A_1279 = tpu.bitcast %and3A_1278 : vector<16xi32> -> vector<16xf32>
        %add3A_1280 = arith.addf %add3A_1222, %bitcast_convert_type3A_1279 : vector<16xf32>
        %get3A_1281 = arith.index_cast %squeeze3A_1252 : i32 to index
        %get3A_1282 = arith.constant 32 : index
        %get3A_1283 = tpu.vector_load %arg11[%get3A_1281, %get3A_1282] {strides = array<i32>} : memref<1000x64xi32, #tpu.memory_space<vmem>>, vector<1x16xi32>,
        %get3A_1284 = vector.shape_cast %get3A_1283 : vector<1x16xi32> to vector<16xi32>
        %shift_left3A_1285 = arith.constant 16 : i32
        %shift_left3A_1286 = vector.broadcast %shift_left3A_1285 : i32 to vector<16xi32>
        %shift_left3A_1287 = arith.shli %get3A_1284, %shift_left3A_1286 : vector<16xi32>
        %bitcast_convert_type3A_1288 = tpu.bitcast %shift_left3A_1287 : vector<16xi32> -> vector<16xf32>
        %add3A_1289 = arith.addf %add3A_1231, %bitcast_convert_type3A_1288 : vector<16xf32>
        %and3A_1290 = arith.constant -65536 : i32
        %and3A_1291 = vector.broadcast %and3A_1290 : i32 to vector<16xi32>
        %and3A_1292 = arith.andi %get3A_1284, %and3A_1291 : vector<16xi32>
        %bitcast_convert_type3A_1293 = tpu.bitcast %and3A_1292 : vector<16xi32> -> vector<16xf32>
        %add3A_1294 = arith.addf %add3A_1236, %bitcast_convert_type3A_1293 : vector<16xf32>
        %get3A_1295 = arith.index_cast %squeeze3A_1252 : i32 to index
        %get3A_1296 = arith.constant 48 : index
        %get3A_1297 = tpu.vector_load %arg11[%get3A_1295, %get3A_1296] {strides = array<i32>} : memref<1000x64xi32, #tpu.memory_space<vmem>>, vector<1x16xi32>,
        %get3A_1298 = vector.shape_cast %get3A_1297 : vector<1x16xi32> to vector<16xi32>
        %shift_left3A_1299 = arith.constant 16 : i32
        %shift_left3A_1300 = vector.broadcast %shift_left3A_1299 : i32 to vector<16xi32>
        %shift_left3A_1301 = arith.shli %get3A_1298, %shift_left3A_1300 : vector<16xi32>
        %bitcast_convert_type3A_1302 = tpu.bitcast %shift_left3A_1301 : vector<16xi32> -> vector<16xf32>
        %add3A_1303 = arith.addf %add3A_1245, %bitcast_convert_type3A_1302 : vector<16xf32>
        %and3A_1304 = arith.constant -65536 : i32
        %and3A_1305 = vector.broadcast %and3A_1304 : i32 to vector<16xi32>
        %and3A_1306 = arith.andi %get3A_1298, %and3A_1305 : vector<16xi32>
        %bitcast_convert_type3A_1307 = tpu.bitcast %and3A_1306 : vector<16xi32> -> vector<16xf32>
        %add3A_1308 = arith.addf %add3A_1250, %bitcast_convert_type3A_1307 : vector<16xf32>
        %slice3A_1309 = vector.extract_strided_slice %get3A_902 {offsets = [7], sizes = [1], strides = [1]} : vector<16xi32> to vector<1xi32>
        %squeeze3A_1310 = vector.extract %slice3A_1309[0] : i32 from vector<1xi32>
        %get3A_1311 = arith.index_cast %squeeze3A_1310 : i32 to index
        %get3A_1312 = arith.constant 0 : index
        %get3A_1313 = tpu.vector_load %arg11[%get3A_1311, %get3A_1312] {strides = array<i32>} : memref<1000x64xi32, #tpu.memory_space<vmem>>, vector<1x16xi32>,
        %get3A_1314 = vector.shape_cast %get3A_1313 : vector<1x16xi32> to vector<16xi32>
        %shift_left3A_1315 = arith.constant 16 : i32
        %shift_left3A_1316 = vector.broadcast %shift_left3A_1315 : i32 to vector<16xi32>
        %shift_left3A_1317 = arith.shli %get3A_1314, %shift_left3A_1316 : vector<16xi32>
        %bitcast_convert_type3A_1318 = tpu.bitcast %shift_left3A_1317 : vector<16xi32> -> vector<16xf32>
        %add3A_1319 = arith.addf %add3A_1261, %bitcast_convert_type3A_1318 : vector<16xf32>
        %and3A_1320 = arith.constant -65536 : i32
        %and3A_1321 = vector.broadcast %and3A_1320 : i32 to vector<16xi32>
        %and3A_1322 = arith.andi %get3A_1314, %and3A_1321 : vector<16xi32>
        %bitcast_convert_type3A_1323 = tpu.bitcast %and3A_1322 : vector<16xi32> -> vector<16xf32>
        %add3A_1324 = arith.addf %add3A_1266, %bitcast_convert_type3A_1323 : vector<16xf32>
        %get3A_1325 = arith.index_cast %squeeze3A_1310 : i32 to index
        %get3A_1326 = arith.constant 16 : index
        %get3A_1327 = tpu.vector_load %arg11[%get3A_1325, %get3A_1326] {strides = array<i32>} : memref<1000x64xi32, #tpu.memory_space<vmem>>, vector<1x16xi32>,
        %get3A_1328 = vector.shape_cast %get3A_1327 : vector<1x16xi32> to vector<16xi32>
        %shift_left3A_1329 = arith.constant 16 : i32
        %shift_left3A_1330 = vector.broadcast %shift_left3A_1329 : i32 to vector<16xi32>
        %shift_left3A_1331 = arith.shli %get3A_1328, %shift_left3A_1330 : vector<16xi32>
        %bitcast_convert_type3A_1332 = tpu.bitcast %shift_left3A_1331 : vector<16xi32> -> vector<16xf32>
        %add3A_1333 = arith.addf %add3A_1275, %bitcast_convert_type3A_1332 : vector<16xf32>
        %and3A_1334 = arith.constant -65536 : i32
        %and3A_1335 = vector.broadcast %and3A_1334 : i32 to vector<16xi32>
        %and3A_1336 = arith.andi %get3A_1328, %and3A_1335 : vector<16xi32>
        %bitcast_convert_type3A_1337 = tpu.bitcast %and3A_1336 : vector<16xi32> -> vector<16xf32>
        %add3A_1338 = arith.addf %add3A_1280, %bitcast_convert_type3A_1337 : vector<16xf32>
        %get3A_1339 = arith.index_cast %squeeze3A_1310 : i32 to index
        %get3A_1340 = arith.constant 32 : index
        %get3A_1341 = tpu.vector_load %arg11[%get3A_1339, %get3A_1340] {strides = array<i32>} : memref<1000x64xi32, #tpu.memory_space<vmem>>, vector<1x16xi32>,
        %get3A_1342 = vector.shape_cast %get3A_1341 : vector<1x16xi32> to vector<16xi32>
        %shift_left3A_1343 = arith.constant 16 : i32
        %shift_left3A_1344 = vector.broadcast %shift_left3A_1343 : i32 to vector<16xi32>
        %shift_left3A_1345 = arith.shli %get3A_1342, %shift_left3A_1344 : vector<16xi32>
        %bitcast_convert_type3A_1346 = tpu.bitcast %shift_left3A_1345 : vector<16xi32> -> vector<16xf32>
        %add3A_1347 = arith.addf %add3A_1289, %bitcast_convert_type3A_1346 : vector<16xf32>
        %and3A_1348 = arith.constant -65536 : i32
        %and3A_1349 = vector.broadcast %and3A_1348 : i32 to vector<16xi32>
        %and3A_1350 = arith.andi %get3A_1342, %and3A_1349 : vector<16xi32>
        %bitcast_convert_type3A_1351 = tpu.bitcast %and3A_1350 : vector<16xi32> -> vector<16xf32>
        %add3A_1352 = arith.addf %add3A_1294, %bitcast_convert_type3A_1351 : vector<16xf32>
        %get3A_1353 = arith.index_cast %squeeze3A_1310 : i32 to index
        %get3A_1354 = arith.constant 48 : index
        %get3A_1355 = tpu.vector_load %arg11[%get3A_1353, %get3A_1354] {strides = array<i32>} : memref<1000x64xi32, #tpu.memory_space<vmem>>, vector<1x16xi32>,
        %get3A_1356 = vector.shape_cast %get3A_1355 : vector<1x16xi32> to vector<16xi32>
        %shift_left3A_1357 = arith.constant 16 : i32
        %shift_left3A_1358 = vector.broadcast %shift_left3A_1357 : i32 to vector<16xi32>
        %shift_left3A_1359 = arith.shli %get3A_1356, %shift_left3A_1358 : vector<16xi32>
        %bitcast_convert_type3A_1360 = tpu.bitcast %shift_left3A_1359 : vector<16xi32> -> vector<16xf32>
        %add3A_1361 = arith.addf %add3A_1303, %bitcast_convert_type3A_1360 : vector<16xf32>
        %and3A_1362 = arith.constant -65536 : i32
        %and3A_1363 = vector.broadcast %and3A_1362 : i32 to vector<16xi32>
        %and3A_1364 = arith.andi %get3A_1356, %and3A_1363 : vector<16xi32>
        %bitcast_convert_type3A_1365 = tpu.bitcast %and3A_1364 : vector<16xi32> -> vector<16xf32>
        %add3A_1366 = arith.addf %add3A_1308, %bitcast_convert_type3A_1365 : vector<16xf32>
        %dma_wait3A_1367 = arith.constant 0 : i32
        %dma_wait3A_1368 = arith.constant 0 : i32
        %dma_wait3A_1369 = tpu.memref_slice %arg13[%dma_wait3A_1367, %dma_wait3A_1368] : memref<100x128xf32, #tpu.memory_space<vmem>> -> memref<50x128xf32, #tpu.memory_space<vmem>>
        %dma_wait3A_1370 = arith.constant 0 : i32
        %dma_wait3A_1371 = tpu.memref_slice %arg8[%add3A_874, %dma_wait3A_1370] : memref<128x50xi32, #tpu.memory_space<vmem>> -> memref<1x50xi32, #tpu.memory_space<vmem>>
        %dma_wait3A_1372 = tpu.memref_squeeze %dma_wait3A_1371 : memref<1x50xi32, #tpu.memory_space<vmem>> -> memref<50xi32, #tpu.memory_space<vmem>>
        %dma_wait3A_1373 = arith.constant 0 : i32
        %dma_wait3A_1374 = arith.constant 0 : i32
        %dma_wait3A_1375 = tpu.memref_slice %arg5[%dma_wait3A_1373, %dma_wait3A_1374] : memref<100000x128xf32, #tpu.memory_space<hbm>> -> memref<100000x128xf32, #tpu.memory_space<hbm>>
        tpu.wait_indirect_dma semaphore(%arg16 : memref<!tpu.dma_semaphore, #tpu.memory_space<semaphore_mem>>) src(%dma_wait3A_1375 : memref<100000x128xf32, #tpu.memory_space<hbm>>) dst(%dma_wait3A_1369 : memref<50x128xf32, #tpu.memory_space<vmem>>)
        %dma_wait3A_1376 = arith.constant 50 : i32
        %dma_wait3A_1377 = arith.constant 0 : i32
        %dma_wait3A_1378 = tpu.memref_slice %arg13[%dma_wait3A_1376, %dma_wait3A_1377] : memref<100x128xf32, #tpu.memory_space<vmem>> -> memref<50x128xf32, #tpu.memory_space<vmem>>
        %dma_wait3A_1379 = arith.constant 0 : i32
        %dma_wait3A_1380 = tpu.memref_slice %arg9[%add3A_874, %dma_wait3A_1379] : memref<128x50xi32, #tpu.memory_space<vmem>> -> memref<1x50xi32, #tpu.memory_space<vmem>>
        %dma_wait3A_1381 = tpu.memref_squeeze %dma_wait3A_1380 : memref<1x50xi32, #tpu.memory_space<vmem>> -> memref<50xi32, #tpu.memory_space<vmem>>
        %dma_wait3A_1382 = arith.constant 0 : i32
        %dma_wait3A_1383 = arith.constant 0 : i32
        %dma_wait3A_1384 = tpu.memref_slice %arg5[%dma_wait3A_1382, %dma_wait3A_1383] : memref<100000x128xf32, #tpu.memory_space<hbm>> -> memref<100000x128xf32, #tpu.memory_space<hbm>>
        tpu.wait_indirect_dma semaphore(%arg18 : memref<!tpu.dma_semaphore, #tpu.memory_space<semaphore_mem>>) src(%dma_wait3A_1384 : memref<100000x128xf32, #tpu.memory_space<hbm>>) dst(%dma_wait3A_1378 : memref<50x128xf32, #tpu.memory_space<vmem>>)
        %broadcast_in_dim3A_1385 = arith.constant 0.000000e+00 : f32
        %broadcast_in_dim3A_1386 = vector.broadcast %broadcast_in_dim3A_1385 : f32 to vector<16xf32>
        %scan3A_1387 = arith.constant 0 : i32
        %scan3A_1388 = arith.constant 50 : i32
        %scan3A_1389 = arith.addi %scan3A_1387, %scan3A_1388 : i32
        %scan3A_1390 = arith.constant 2 : i32
        %scan3A_1391:16 = scf.for %scan3A_1676 = %scan3A_1387 to %scan3A_1389 step %scan3A_1390 iter_args(%scan3A_1677 = %broadcast_in_dim3A_1386, %scan3A_1678 = %broadcast_in_dim3A_1386, %scan3A_1679 = %broadcast_in_dim3A_1386, %scan3A_1680 = %broadcast_in_dim3A_1386, %scan3A_1681 = %broadcast_in_dim3A_1386, %scan3A_1682 = %broadcast_in_dim3A_1386, %scan3A_1683 = %broadcast_in_dim3A_1386, %scan3A_1684 = %broadcast_in_dim3A_1386, %scan3A_1685 = %broadcast_in_dim3A_1386, %scan3A_1686 = %broadcast_in_dim3A_1386, %scan3A_1687 = %broadcast_in_dim3A_1386, %scan3A_1688 = %broadcast_in_dim3A_1386, %scan3A_1689 = %broadcast_in_dim3A_1386, %scan3A_1690 = %broadcast_in_dim3A_1386, %scan3A_1691 = %broadcast_in_dim3A_1386, %scan3A_1692 = %broadcast_in_dim3A_1386) -> (vector<16xf32>, vector<16xf32>, vector<16xf32>, vector<16xf32>, vector<16xf32>, vector<16xf32>, vector<16xf32>, vector<16xf32>, vector<16xf32>, vector<16xf32>, vector<16xf32>, vector<16xf32>, vector<16xf32>, vector<16xf32>, vector<16xf32>, vector<16xf32>)  : i32 {
          %get3A_1693 = arith.index_cast %scan3A_1676 : i32 to index
          %get3A_1694 = arith.constant 0 : index
          %get3A_1695 = tpu.vector_load %arg13[%get3A_1693, %get3A_1694] {strides = array<i32>} : memref<100x128xf32, #tpu.memory_space<vmem>>, vector<1x16xf32>,
          %get3A_1696 = vector.shape_cast %get3A_1695 : vector<1x16xf32> to vector<16xf32>
          %add3A_1697 = arith.addf %scan3A_1677, %get3A_1696 : vector<16xf32>
          %get3A_1698 = arith.index_cast %scan3A_1676 : i32 to index
          %get3A_1699 = arith.constant 16 : index
          %get3A_1700 = tpu.vector_load %arg13[%get3A_1698, %get3A_1699] {strides = array<i32>} : memref<100x128xf32, #tpu.memory_space<vmem>>, vector<1x16xf32>,
          %get3A_1701 = vector.shape_cast %get3A_1700 : vector<1x16xf32> to vector<16xf32>
          %add3A_1702 = arith.addf %scan3A_1678, %get3A_1701 : vector<16xf32>
          %get3A_1703 = arith.index_cast %scan3A_1676 : i32 to index
          %get3A_1704 = arith.constant 32 : index
          %get3A_1705 = tpu.vector_load %arg13[%get3A_1703, %get3A_1704] {strides = array<i32>} : memref<100x128xf32, #tpu.memory_space<vmem>>, vector<1x16xf32>,
          %get3A_1706 = vector.shape_cast %get3A_1705 : vector<1x16xf32> to vector<16xf32>
          %add3A_1707 = arith.addf %scan3A_1679, %get3A_1706 : vector<16xf32>
          %get3A_1708 = arith.index_cast %scan3A_1676 : i32 to index
          %get3A_1709 = arith.constant 48 : index
          %get3A_1710 = tpu.vector_load %arg13[%get3A_1708, %get3A_1709] {strides = array<i32>} : memref<100x128xf32, #tpu.memory_space<vmem>>, vector<1x16xf32>,
          %get3A_1711 = vector.shape_cast %get3A_1710 : vector<1x16xf32> to vector<16xf32>
          %add3A_1712 = arith.addf %scan3A_1680, %get3A_1711 : vector<16xf32>
          %get3A_1713 = arith.index_cast %scan3A_1676 : i32 to index
          %get3A_1714 = arith.constant 64 : index
          %get3A_1715 = tpu.vector_load %arg13[%get3A_1713, %get3A_1714] {strides = array<i32>} : memref<100x128xf32, #tpu.memory_space<vmem>>, vector<1x16xf32>,
          %get3A_1716 = vector.shape_cast %get3A_1715 : vector<1x16xf32> to vector<16xf32>
          %add3A_1717 = arith.addf %scan3A_1681, %get3A_1716 : vector<16xf32>
          %get3A_1718 = arith.index_cast %scan3A_1676 : i32 to index
          %get3A_1719 = arith.constant 80 : index
          %get3A_1720 = tpu.vector_load %arg13[%get3A_1718, %get3A_1719] {strides = array<i32>} : memref<100x128xf32, #tpu.memory_space<vmem>>, vector<1x16xf32>,
          %get3A_1721 = vector.shape_cast %get3A_1720 : vector<1x16xf32> to vector<16xf32>
          %add3A_1722 = arith.addf %scan3A_1682, %get3A_1721 : vector<16xf32>
          %get3A_1723 = arith.index_cast %scan3A_1676 : i32 to index
          %get3A_1724 = arith.constant 96 : index
          %get3A_1725 = tpu.vector_load %arg13[%get3A_1723, %get3A_1724] {strides = array<i32>} : memref<100x128xf32, #tpu.memory_space<vmem>>, vector<1x16xf32>,
          %get3A_1726 = vector.shape_cast %get3A_1725 : vector<1x16xf32> to vector<16xf32>
          %add3A_1727 = arith.addf %scan3A_1683, %get3A_1726 : vector<16xf32>
          %get3A_1728 = arith.index_cast %scan3A_1676 : i32 to index
          %get3A_1729 = arith.constant 112 : index
          %get3A_1730 = tpu.vector_load %arg13[%get3A_1728, %get3A_1729] {strides = array<i32>} : memref<100x128xf32, #tpu.memory_space<vmem>>, vector<1x16xf32>,
          %get3A_1731 = vector.shape_cast %get3A_1730 : vector<1x16xf32> to vector<16xf32>
          %add3A_1732 = arith.addf %scan3A_1684, %get3A_1731 : vector<16xf32>
          %add3A_1733 = arith.constant 50 : i32
          %add3A_1734 = arith.addi %scan3A_1676, %add3A_1733 : i32
          %get3A_1735 = arith.index_cast %add3A_1734 : i32 to index
          %get3A_1736 = arith.constant 0 : index
          %get3A_1737 = tpu.vector_load %arg13[%get3A_1735, %get3A_1736] {strides = array<i32>} : memref<100x128xf32, #tpu.memory_space<vmem>>, vector<1x16xf32>,
          %get3A_1738 = vector.shape_cast %get3A_1737 : vector<1x16xf32> to vector<16xf32>
          %add3A_1739 = arith.addf %scan3A_1685, %get3A_1738 : vector<16xf32>
          %add3A_1740 = arith.constant 50 : i32
          %add3A_1741 = arith.addi %scan3A_1676, %add3A_1740 : i32
          %get3A_1742 = arith.index_cast %add3A_1741 : i32 to index
          %get3A_1743 = arith.constant 16 : index
          %get3A_1744 = tpu.vector_load %arg13[%get3A_1742, %get3A_1743] {strides = array<i32>} : memref<100x128xf32, #tpu.memory_space<vmem>>, vector<1x16xf32>,
          %get3A_1745 = vector.shape_cast %get3A_1744 : vector<1x16xf32> to vector<16xf32>
          %add3A_1746 = arith.addf %scan3A_1686, %get3A_1745 : vector<16xf32>
          %add3A_1747 = arith.constant 50 : i32
          %add3A_1748 = arith.addi %scan3A_1676, %add3A_1747 : i32
          %get3A_1749 = arith.index_cast %add3A_1748 : i32 to index
          %get3A_1750 = arith.constant 32 : index
          %get3A_1751 = tpu.vector_load %arg13[%get3A_1749, %get3A_1750] {strides = array<i32>} : memref<100x128xf32, #tpu.memory_space<vmem>>, vector<1x16xf32>,
          %get3A_1752 = vector.shape_cast %get3A_1751 : vector<1x16xf32> to vector<16xf32>
          %add3A_1753 = arith.addf %scan3A_1687, %get3A_1752 : vector<16xf32>
          %add3A_1754 = arith.constant 50 : i32
          %add3A_1755 = arith.addi %scan3A_1676, %add3A_1754 : i32
          %get3A_1756 = arith.index_cast %add3A_1755 : i32 to index
          %get3A_1757 = arith.constant 48 : index
          %get3A_1758 = tpu.vector_load %arg13[%get3A_1756, %get3A_1757] {strides = array<i32>} : memref<100x128xf32, #tpu.memory_space<vmem>>, vector<1x16xf32>,
          %get3A_1759 = vector.shape_cast %get3A_1758 : vector<1x16xf32> to vector<16xf32>
          %add3A_1760 = arith.addf %scan3A_1688, %get3A_1759 : vector<16xf32>
          %add3A_1761 = arith.constant 50 : i32
          %add3A_1762 = arith.addi %scan3A_1676, %add3A_1761 : i32
          %get3A_1763 = arith.index_cast %add3A_1762 : i32 to index
          %get3A_1764 = arith.constant 64 : index
          %get3A_1765 = tpu.vector_load %arg13[%get3A_1763, %get3A_1764] {strides = array<i32>} : memref<100x128xf32, #tpu.memory_space<vmem>>, vector<1x16xf32>,
          %get3A_1766 = vector.shape_cast %get3A_1765 : vector<1x16xf32> to vector<16xf32>
          %add3A_1767 = arith.addf %scan3A_1689, %get3A_1766 : vector<16xf32>
          %add3A_1768 = arith.constant 50 : i32
          %add3A_1769 = arith.addi %scan3A_1676, %add3A_1768 : i32
          %get3A_1770 = arith.index_cast %add3A_1769 : i32 to index
          %get3A_1771 = arith.constant 80 : index
          %get3A_1772 = tpu.vector_load %arg13[%get3A_1770, %get3A_1771] {strides = array<i32>} : memref<100x128xf32, #tpu.memory_space<vmem>>, vector<1x16xf32>,
          %get3A_1773 = vector.shape_cast %get3A_1772 : vector<1x16xf32> to vector<16xf32>
          %add3A_1774 = arith.addf %scan3A_1690, %get3A_1773 : vector<16xf32>
          %add3A_1775 = arith.constant 50 : i32
          %add3A_1776 = arith.addi %scan3A_1676, %add3A_1775 : i32
          %get3A_1777 = arith.index_cast %add3A_1776 : i32 to index
          %get3A_1778 = arith.constant 96 : index
          %get3A_1779 = tpu.vector_load %arg13[%get3A_1777, %get3A_1778] {strides = array<i32>} : memref<100x128xf32, #tpu.memory_space<vmem>>, vector<1x16xf32>,
          %get3A_1780 = vector.shape_cast %get3A_1779 : vector<1x16xf32> to vector<16xf32>
          %add3A_1781 = arith.addf %scan3A_1691, %get3A_1780 : vector<16xf32>
          %add3A_1782 = arith.constant 50 : i32
          %add3A_1783 = arith.addi %scan3A_1676, %add3A_1782 : i32
          %get3A_1784 = arith.index_cast %add3A_1783 : i32 to index
          %get3A_1785 = arith.constant 112 : index
          %get3A_1786 = tpu.vector_load %arg13[%get3A_1784, %get3A_1785] {strides = array<i32>} : memref<100x128xf32, #tpu.memory_space<vmem>>, vector<1x16xf32>,
          %get3A_1787 = vector.shape_cast %get3A_1786 : vector<1x16xf32> to vector<16xf32>
          %add3A_1788 = arith.addf %scan3A_1692, %get3A_1787 : vector<16xf32>
          %scan3A_1789 = arith.constant 1 : i32
          %scan3A_1790 = arith.addi %scan3A_1676, %scan3A_1789 : i32
          %get3A_1791 = arith.index_cast %scan3A_1790 : i32 to index
          %get3A_1792 = arith.constant 0 : index
          %get3A_1793 = tpu.vector_load %arg13[%get3A_1791, %get3A_1792] {strides = array<i32>} : memref<100x128xf32, #tpu.memory_space<vmem>>, vector<1x16xf32>,
          %get3A_1794 = vector.shape_cast %get3A_1793 : vector<1x16xf32> to vector<16xf32>
          %add3A_1795 = arith.addf %add3A_1697, %get3A_1794 : vector<16xf32>
          %get3A_1796 = arith.index_cast %scan3A_1790 : i32 to index
          %get3A_1797 = arith.constant 16 : index
          %get3A_1798 = tpu.vector_load %arg13[%get3A_1796, %get3A_1797] {strides = array<i32>} : memref<100x128xf32, #tpu.memory_space<vmem>>, vector<1x16xf32>,
          %get3A_1799 = vector.shape_cast %get3A_1798 : vector<1x16xf32> to vector<16xf32>
          %add3A_1800 = arith.addf %add3A_1702, %get3A_1799 : vector<16xf32>
          %get3A_1801 = arith.index_cast %scan3A_1790 : i32 to index
          %get3A_1802 = arith.constant 32 : index
          %get3A_1803 = tpu.vector_load %arg13[%get3A_1801, %get3A_1802] {strides = array<i32>} : memref<100x128xf32, #tpu.memory_space<vmem>>, vector<1x16xf32>,
          %get3A_1804 = vector.shape_cast %get3A_1803 : vector<1x16xf32> to vector<16xf32>
          %add3A_1805 = arith.addf %add3A_1707, %get3A_1804 : vector<16xf32>
          %get3A_1806 = arith.index_cast %scan3A_1790 : i32 to index
          %get3A_1807 = arith.constant 48 : index
          %get3A_1808 = tpu.vector_load %arg13[%get3A_1806, %get3A_1807] {strides = array<i32>} : memref<100x128xf32, #tpu.memory_space<vmem>>, vector<1x16xf32>,
          %get3A_1809 = vector.shape_cast %get3A_1808 : vector<1x16xf32> to vector<16xf32>
          %add3A_1810 = arith.addf %add3A_1712, %get3A_1809 : vector<16xf32>
          %get3A_1811 = arith.index_cast %scan3A_1790 : i32 to index
          %get3A_1812 = arith.constant 64 : index
          %get3A_1813 = tpu.vector_load %arg13[%get3A_1811, %get3A_1812] {strides = array<i32>} : memref<100x128xf32, #tpu.memory_space<vmem>>, vector<1x16xf32>,
          %get3A_1814 = vector.shape_cast %get3A_1813 : vector<1x16xf32> to vector<16xf32>
          %add3A_1815 = arith.addf %add3A_1717, %get3A_1814 : vector<16xf32>
          %get3A_1816 = arith.index_cast %scan3A_1790 : i32 to index
          %get3A_1817 = arith.constant 80 : index
          %get3A_1818 = tpu.vector_load %arg13[%get3A_1816, %get3A_1817] {strides = array<i32>} : memref<100x128xf32, #tpu.memory_space<vmem>>, vector<1x16xf32>,
          %get3A_1819 = vector.shape_cast %get3A_1818 : vector<1x16xf32> to vector<16xf32>
          %add3A_1820 = arith.addf %add3A_1722, %get3A_1819 : vector<16xf32>
          %get3A_1821 = arith.index_cast %scan3A_1790 : i32 to index
          %get3A_1822 = arith.constant 96 : index
          %get3A_1823 = tpu.vector_load %arg13[%get3A_1821, %get3A_1822] {strides = array<i32>} : memref<100x128xf32, #tpu.memory_space<vmem>>, vector<1x16xf32>,
          %get3A_1824 = vector.shape_cast %get3A_1823 : vector<1x16xf32> to vector<16xf32>
          %add3A_1825 = arith.addf %add3A_1727, %get3A_1824 : vector<16xf32>
          %get3A_1826 = arith.index_cast %scan3A_1790 : i32 to index
          %get3A_1827 = arith.constant 112 : index
          %get3A_1828 = tpu.vector_load %arg13[%get3A_1826, %get3A_1827] {strides = array<i32>} : memref<100x128xf32, #tpu.memory_space<vmem>>, vector<1x16xf32>,
          %get3A_1829 = vector.shape_cast %get3A_1828 : vector<1x16xf32> to vector<16xf32>
          %add3A_1830 = arith.addf %add3A_1732, %get3A_1829 : vector<16xf32>
          %add3A_1831 = arith.constant 50 : i32
          %add3A_1832 = arith.addi %scan3A_1790, %add3A_1831 : i32
          %get3A_1833 = arith.index_cast %add3A_1832 : i32 to index
          %get3A_1834 = arith.constant 0 : index
          %get3A_1835 = tpu.vector_load %arg13[%get3A_1833, %get3A_1834] {strides = array<i32>} : memref<100x128xf32, #tpu.memory_space<vmem>>, vector<1x16xf32>,
          %get3A_1836 = vector.shape_cast %get3A_1835 : vector<1x16xf32> to vector<16xf32>
          %add3A_1837 = arith.addf %add3A_1739, %get3A_1836 : vector<16xf32>
          %add3A_1838 = arith.constant 50 : i32
          %add3A_1839 = arith.addi %scan3A_1790, %add3A_1838 : i32
          %get3A_1840 = arith.index_cast %add3A_1839 : i32 to index
          %get3A_1841 = arith.constant 16 : index
          %get3A_1842 = tpu.vector_load %arg13[%get3A_1840, %get3A_1841] {strides = array<i32>} : memref<100x128xf32, #tpu.memory_space<vmem>>, vector<1x16xf32>,
          %get3A_1843 = vector.shape_cast %get3A_1842 : vector<1x16xf32> to vector<16xf32>
          %add3A_1844 = arith.addf %add3A_1746, %get3A_1843 : vector<16xf32>
          %add3A_1845 = arith.constant 50 : i32
          %add3A_1846 = arith.addi %scan3A_1790, %add3A_1845 : i32
          %get3A_1847 = arith.index_cast %add3A_1846 : i32 to index
          %get3A_1848 = arith.constant 32 : index
          %get3A_1849 = tpu.vector_load %arg13[%get3A_1847, %get3A_1848] {strides = array<i32>} : memref<100x128xf32, #tpu.memory_space<vmem>>, vector<1x16xf32>,
          %get3A_1850 = vector.shape_cast %get3A_1849 : vector<1x16xf32> to vector<16xf32>
          %add3A_1851 = arith.addf %add3A_1753, %get3A_1850 : vector<16xf32>
          %add3A_1852 = arith.constant 50 : i32
          %add3A_1853 = arith.addi %scan3A_1790, %add3A_1852 : i32
          %get3A_1854 = arith.index_cast %add3A_1853 : i32 to index
          %get3A_1855 = arith.constant 48 : index
          %get3A_1856 = tpu.vector_load %arg13[%get3A_1854, %get3A_1855] {strides = array<i32>} : memref<100x128xf32, #tpu.memory_space<vmem>>, vector<1x16xf32>,
          %get3A_1857 = vector.shape_cast %get3A_1856 : vector<1x16xf32> to vector<16xf32>
          %add3A_1858 = arith.addf %add3A_1760, %get3A_1857 : vector<16xf32>
          %add3A_1859 = arith.constant 50 : i32
          %add3A_1860 = arith.addi %scan3A_1790, %add3A_1859 : i32
          %get3A_1861 = arith.index_cast %add3A_1860 : i32 to index
          %get3A_1862 = arith.constant 64 : index
          %get3A_1863 = tpu.vector_load %arg13[%get3A_1861, %get3A_1862] {strides = array<i32>} : memref<100x128xf32, #tpu.memory_space<vmem>>, vector<1x16xf32>,
          %get3A_1864 = vector.shape_cast %get3A_1863 : vector<1x16xf32> to vector<16xf32>
          %add3A_1865 = arith.addf %add3A_1767, %get3A_1864 : vector<16xf32>
          %add3A_1866 = arith.constant 50 : i32
          %add3A_1867 = arith.addi %scan3A_1790, %add3A_1866 : i32
          %get3A_1868 = arith.index_cast %add3A_1867 : i32 to index
          %get3A_1869 = arith.constant 80 : index
          %get3A_1870 = tpu.vector_load %arg13[%get3A_1868, %get3A_1869] {strides = array<i32>} : memref<100x128xf32, #tpu.memory_space<vmem>>, vector<1x16xf32>,
          %get3A_1871 = vector.shape_cast %get3A_1870 : vector<1x16xf32> to vector<16xf32>
          %add3A_1872 = arith.addf %add3A_1774, %get3A_1871 : vector<16xf32>
          %add3A_1873 = arith.constant 50 : i32
          %add3A_1874 = arith.addi %scan3A_1790, %add3A_1873 : i32
          %get3A_1875 = arith.index_cast %add3A_1874 : i32 to index
          %get3A_1876 = arith.constant 96 : index
          %get3A_1877 = tpu.vector_load %arg13[%get3A_1875, %get3A_1876] {strides = array<i32>} : memref<100x128xf32, #tpu.memory_space<vmem>>, vector<1x16xf32>,
          %get3A_1878 = vector.shape_cast %get3A_1877 : vector<1x16xf32> to vector<16xf32>
          %add3A_1879 = arith.addf %add3A_1781, %get3A_1878 : vector<16xf32>
          %add3A_1880 = arith.constant 50 : i32
          %add3A_1881 = arith.addi %scan3A_1790, %add3A_1880 : i32
          %get3A_1882 = arith.index_cast %add3A_1881 : i32 to index
          %get3A_1883 = arith.constant 112 : index
          %get3A_1884 = tpu.vector_load %arg13[%get3A_1882, %get3A_1883] {strides = array<i32>} : memref<100x128xf32, #tpu.memory_space<vmem>>, vector<1x16xf32>,
          %get3A_1885 = vector.shape_cast %get3A_1884 : vector<1x16xf32> to vector<16xf32>
          %add3A_1886 = arith.addf %add3A_1788, %get3A_1885 : vector<16xf32>
          scf.yield %add3A_1795, %add3A_1800, %add3A_1805, %add3A_1810, %add3A_1815, %add3A_1820, %add3A_1825, %add3A_1830, %add3A_1837, %add3A_1844, %add3A_1851, %add3A_1858, %add3A_1865, %add3A_1872, %add3A_1879, %add3A_1886 : vector<16xf32>, vector<16xf32>, vector<16xf32>, vector<16xf32>, vector<16xf32>, vector<16xf32>, vector<16xf32>, vector<16xf32>, vector<16xf32>, vector<16xf32>, vector<16xf32>, vector<16xf32>, vector<16xf32>, vector<16xf32>, vector<16xf32>, vector<16xf32>
        }
        %scan3A_1392 = arith.constant 50 : i32
        %broadcast_in_dim3A_1393 = arith.constant 0.000000e+00 : f32
        %broadcast_in_dim3A_1394 = vector.broadcast %broadcast_in_dim3A_1393 : f32 to vector<16xf32>
        %broadcast_in_dim3A_1395 = arith.constant 0.000000e+00 : f32
        %broadcast_in_dim3A_1396 = vector.broadcast %broadcast_in_dim3A_1395 : f32 to vector<16xf32>
        %broadcast_in_dim3A_1397 = arith.constant 0.000000e+00 : f32
        %broadcast_in_dim3A_1398 = vector.broadcast %broadcast_in_dim3A_1397 : f32 to vector<16xf32>
        %mul3A_1399 = arith.constant 2.000000e-02 : f32
        %mul3A_1400 = vector.broadcast %mul3A_1399 : f32 to vector<16xf32>
        %mul3A_1401 = arith.mulf %scan3A_1391#0, %mul3A_1400 : vector<16xf32>
        %mul3A_1402 = arith.constant 2.000000e-02 : f32
        %mul3A_1403 = vector.broadcast %mul3A_1402 : f32 to vector<16xf32>
        %mul3A_1404 = arith.mulf %scan3A_1391#8, %mul3A_1403 : vector<16xf32>
        %mul3A_1405 = arith.constant 1.250000e-01 : f32
        %mul3A_1406 = vector.broadcast %mul3A_1405 : f32 to vector<16xf32>
        %mul3A_1407 = arith.mulf %add3A_1319, %mul3A_1406 : vector<16xf32>
        %add3A_1408 = arith.addf %mul3A_1404, %mul3A_1407 : vector<16xf32>
        %mul3A_1409 = arith.mulf %mul3A_1401, %add3A_1408 : vector<16xf32>
        %add3A_1410 = arith.addf %broadcast_in_dim3A_1394, %mul3A_1409 : vector<16xf32>
        %mul3A_1411 = arith.mulf %mul3A_1401, %mul3A_1401 : vector<16xf32>
        %add3A_1412 = arith.addf %broadcast_in_dim3A_1396, %mul3A_1411 : vector<16xf32>
        %mul3A_1413 = arith.mulf %add3A_1408, %add3A_1408 : vector<16xf32>
        %add3A_1414 = arith.addf %broadcast_in_dim3A_1398, %mul3A_1413 : vector<16xf32>
        %mul3A_1415 = arith.constant 2.000000e-02 : f32
        %mul3A_1416 = vector.broadcast %mul3A_1415 : f32 to vector<16xf32>
        %mul3A_1417 = arith.mulf %scan3A_1391#1, %mul3A_1416 : vector<16xf32>
        %mul3A_1418 = arith.constant 2.000000e-02 : f32
        %mul3A_1419 = vector.broadcast %mul3A_1418 : f32 to vector<16xf32>
        %mul3A_1420 = arith.mulf %scan3A_1391#9, %mul3A_1419 : vector<16xf32>
        %mul3A_1421 = arith.constant 1.250000e-01 : f32
        %mul3A_1422 = vector.broadcast %mul3A_1421 : f32 to vector<16xf32>
        %mul3A_1423 = arith.mulf %add3A_1333, %mul3A_1422 : vector<16xf32>
        %add3A_1424 = arith.addf %mul3A_1420, %mul3A_1423 : vector<16xf32>
        %mul3A_1425 = arith.mulf %mul3A_1417, %add3A_1424 : vector<16xf32>
        %add3A_1426 = arith.addf %add3A_1410, %mul3A_1425 : vector<16xf32>
        %mul3A_1427 = arith.mulf %mul3A_1417, %mul3A_1417 : vector<16xf32>
        %add3A_1428 = arith.addf %add3A_1412, %mul3A_1427 : vector<16xf32>
        %mul3A_1429 = arith.mulf %add3A_1424, %add3A_1424 : vector<16xf32>
        %add3A_1430 = arith.addf %add3A_1414, %mul3A_1429 : vector<16xf32>
        %mul3A_1431 = arith.constant 2.000000e-02 : f32
        %mul3A_1432 = vector.broadcast %mul3A_1431 : f32 to vector<16xf32>
        %mul3A_1433 = arith.mulf %scan3A_1391#2, %mul3A_1432 : vector<16xf32>
        %mul3A_1434 = arith.constant 2.000000e-02 : f32
        %mul3A_1435 = vector.broadcast %mul3A_1434 : f32 to vector<16xf32>
        %mul3A_1436 = arith.mulf %scan3A_1391#10, %mul3A_1435 : vector<16xf32>
        %mul3A_1437 = arith.constant 1.250000e-01 : f32
        %mul3A_1438 = vector.broadcast %mul3A_1437 : f32 to vector<16xf32>
        %mul3A_1439 = arith.mulf %add3A_1347, %mul3A_1438 : vector<16xf32>
        %add3A_1440 = arith.addf %mul3A_1436, %mul3A_1439 : vector<16xf32>
        %mul3A_1441 = arith.mulf %mul3A_1433, %add3A_1440 : vector<16xf32>
        %add3A_1442 = arith.addf %add3A_1426, %mul3A_1441 : vector<16xf32>
        %mul3A_1443 = arith.mulf %mul3A_1433, %mul3A_1433 : vector<16xf32>
        %add3A_1444 = arith.addf %add3A_1428, %mul3A_1443 : vector<16xf32>
        %mul3A_1445 = arith.mulf %add3A_1440, %add3A_1440 : vector<16xf32>
        %add3A_1446 = arith.addf %add3A_1430, %mul3A_1445 : vector<16xf32>
        %mul3A_1447 = arith.constant 2.000000e-02 : f32
        %mul3A_1448 = vector.broadcast %mul3A_1447 : f32 to vector<16xf32>
        %mul3A_1449 = arith.mulf %scan3A_1391#3, %mul3A_1448 : vector<16xf32>
        %mul3A_1450 = arith.constant 2.000000e-02 : f32
        %mul3A_1451 = vector.broadcast %mul3A_1450 : f32 to vector<16xf32>
        %mul3A_1452 = arith.mulf %scan3A_1391#11, %mul3A_1451 : vector<16xf32>
        %mul3A_1453 = arith.constant 1.250000e-01 : f32
        %mul3A_1454 = vector.broadcast %mul3A_1453 : f32 to vector<16xf32>
        %mul3A_1455 = arith.mulf %add3A_1361, %mul3A_1454 : vector<16xf32>
        %add3A_1456 = arith.addf %mul3A_1452, %mul3A_1455 : vector<16xf32>
        %mul3A_1457 = arith.mulf %mul3A_1449, %add3A_1456 : vector<16xf32>
        %add3A_1458 = arith.addf %add3A_1442, %mul3A_1457 : vector<16xf32>
        %mul3A_1459 = arith.mulf %mul3A_1449, %mul3A_1449 : vector<16xf32>
        %add3A_1460 = arith.addf %add3A_1444, %mul3A_1459 : vector<16xf32>
        %mul3A_1461 = arith.mulf %add3A_1456, %add3A_1456 : vector<16xf32>
        %add3A_1462 = arith.addf %add3A_1446, %mul3A_1461 : vector<16xf32>
        %mul3A_1463 = arith.constant 2.000000e-02 : f32
        %mul3A_1464 = vector.broadcast %mul3A_1463 : f32 to vector<16xf32>
        %mul3A_1465 = arith.mulf %scan3A_1391#4, %mul3A_1464 : vector<16xf32>
        %mul3A_1466 = arith.constant 2.000000e-02 : f32
        %mul3A_1467 = vector.broadcast %mul3A_1466 : f32 to vector<16xf32>
        %mul3A_1468 = arith.mulf %scan3A_1391#12, %mul3A_1467 : vector<16xf32>
        %mul3A_1469 = arith.constant 1.250000e-01 : f32
        %mul3A_1470 = vector.broadcast %mul3A_1469 : f32 to vector<16xf32>
        %mul3A_1471 = arith.mulf %add3A_1324, %mul3A_1470 : vector<16xf32>
        %add3A_1472 = arith.addf %mul3A_1468, %mul3A_1471 : vector<16xf32>
        %mul3A_1473 = arith.mulf %mul3A_1465, %add3A_1472 : vector<16xf32>
        %add3A_1474 = arith.addf %add3A_1458, %mul3A_1473 : vector<16xf32>
        %mul3A_1475 = arith.mulf %mul3A_1465, %mul3A_1465 : vector<16xf32>
        %add3A_1476 = arith.addf %add3A_1460, %mul3A_1475 : vector<16xf32>
        %mul3A_1477 = arith.mulf %add3A_1472, %add3A_1472 : vector<16xf32>
        %add3A_1478 = arith.addf %add3A_1462, %mul3A_1477 : vector<16xf32>
        %mul3A_1479 = arith.constant 2.000000e-02 : f32
        %mul3A_1480 = vector.broadcast %mul3A_1479 : f32 to vector<16xf32>
        %mul3A_1481 = arith.mulf %scan3A_1391#5, %mul3A_1480 : vector<16xf32>
        %mul3A_1482 = arith.constant 2.000000e-02 : f32
        %mul3A_1483 = vector.broadcast %mul3A_1482 : f32 to vector<16xf32>
        %mul3A_1484 = arith.mulf %scan3A_1391#13, %mul3A_1483 : vector<16xf32>
        %mul3A_1485 = arith.constant 1.250000e-01 : f32
        %mul3A_1486 = vector.broadcast %mul3A_1485 : f32 to vector<16xf32>
        %mul3A_1487 = arith.mulf %add3A_1338, %mul3A_1486 : vector<16xf32>
        %add3A_1488 = arith.addf %mul3A_1484, %mul3A_1487 : vector<16xf32>
        %mul3A_1489 = arith.mulf %mul3A_1481, %add3A_1488 : vector<16xf32>
        %add3A_1490 = arith.addf %add3A_1474, %mul3A_1489 : vector<16xf32>
        %mul3A_1491 = arith.mulf %mul3A_1481, %mul3A_1481 : vector<16xf32>
        %add3A_1492 = arith.addf %add3A_1476, %mul3A_1491 : vector<16xf32>
        %mul3A_1493 = arith.mulf %add3A_1488, %add3A_1488 : vector<16xf32>
        %add3A_1494 = arith.addf %add3A_1478, %mul3A_1493 : vector<16xf32>
        %mul3A_1495 = arith.constant 2.000000e-02 : f32
        %mul3A_1496 = vector.broadcast %mul3A_1495 : f32 to vector<16xf32>
        %mul3A_1497 = arith.mulf %scan3A_1391#6, %mul3A_1496 : vector<16xf32>
        %mul3A_1498 = arith.constant 2.000000e-02 : f32
        %mul3A_1499 = vector.broadcast %mul3A_1498 : f32 to vector<16xf32>
        %mul3A_1500 = arith.mulf %scan3A_1391#14, %mul3A_1499 : vector<16xf32>
        %mul3A_1501 = arith.constant 1.250000e-01 : f32
        %mul3A_1502 = vector.broadcast %mul3A_1501 : f32 to vector<16xf32>
        %mul3A_1503 = arith.mulf %add3A_1352, %mul3A_1502 : vector<16xf32>
        %add3A_1504 = arith.addf %mul3A_1500, %mul3A_1503 : vector<16xf32>
        %mul3A_1505 = arith.mulf %mul3A_1497, %add3A_1504 : vector<16xf32>
        %add3A_1506 = arith.addf %add3A_1490, %mul3A_1505 : vector<16xf32>
        %mul3A_1507 = arith.mulf %mul3A_1497, %mul3A_1497 : vector<16xf32>
        %add3A_1508 = arith.addf %add3A_1492, %mul3A_1507 : vector<16xf32>
        %mul3A_1509 = arith.mulf %add3A_1504, %add3A_1504 : vector<16xf32>
        %add3A_1510 = arith.addf %add3A_1494, %mul3A_1509 : vector<16xf32>
        %mul3A_1511 = arith.constant 2.000000e-02 : f32
        %mul3A_1512 = vector.broadcast %mul3A_1511 : f32 to vector<16xf32>
        %mul3A_1513 = arith.mulf %scan3A_1391#7, %mul3A_1512 : vector<16xf32>
        %mul3A_1514 = arith.constant 2.000000e-02 : f32
        %mul3A_1515 = vector.broadcast %mul3A_1514 : f32 to vector<16xf32>
        %mul3A_1516 = arith.mulf %scan3A_1391#15, %mul3A_1515 : vector<16xf32>
        %mul3A_1517 = arith.constant 1.250000e-01 : f32
        %mul3A_1518 = vector.broadcast %mul3A_1517 : f32 to vector<16xf32>
        %mul3A_1519 = arith.mulf %add3A_1366, %mul3A_1518 : vector<16xf32>
        %add3A_1520 = arith.addf %mul3A_1516, %mul3A_1519 : vector<16xf32>
        %mul3A_1521 = arith.mulf %mul3A_1513, %add3A_1520 : vector<16xf32>
        %add3A_1522 = arith.addf %add3A_1506, %mul3A_1521 : vector<16xf32>
        %mul3A_1523 = arith.mulf %mul3A_1513, %mul3A_1513 : vector<16xf32>
        %add3A_1524 = arith.addf %add3A_1508, %mul3A_1523 : vector<16xf32>
        %mul3A_1525 = arith.mulf %add3A_1520, %add3A_1520 : vector<16xf32>
        %add3A_1526 = arith.addf %add3A_1510, %mul3A_1525 : vector<16xf32>
        %xor3A_1527 = arith.constant 8 : i32
        %xor3A_1528 = vector.broadcast %xor3A_1527 : i32 to vector<16xi32>
        %xor3A_1529 = arith.xori %iota3A, %xor3A_1528 : vector<16xi32>
        %lt3A_1530 = arith.constant 0 : i32
        %lt3A_1531 = vector.broadcast %lt3A_1530 : i32 to vector<16xi32>
        %lt3A_1532 = arith.cmpi slt, %xor3A_1529, %lt3A_1531 : vector<16xi32>
        %add3A_1533 = arith.constant 16 : i32
        %add3A_1534 = vector.broadcast %add3A_1533 : i32 to vector<16xi32>
        %add3A_1535 = arith.addi %xor3A_1529, %add3A_1534 : vector<16xi32>
        %select_n3A_1536 = arith.select %lt3A_1532, %add3A_1535, %xor3A_1529 : vector<16xi1>, vector<16xi32>
        %broadcast_in_dim3A_1537 = vector.shape_cast %select_n3A_1536 : vector<16xi32> to vector<16x1xi32>
        %gather3A_1538 = vector.shape_cast %broadcast_in_dim3A_1537 : vector<16x1xi32> to vector<16xi32>
        %gather3A_1539 = tpu.dynamic_gather %add3A_1522[%gather3A_1538] in [0] : vector<16xf32>, vector<16xi32> -> vector<16xf32>
        %add3A_1540 = arith.addf %add3A_1522, %gather3A_1539 : vector<16xf32>
        %lt3A_1541 = arith.constant 0 : i32
        %lt3A_1542 = vector.broadcast %lt3A_1541 : i32 to vector<16xi32>
        %lt3A_1543 = arith.cmpi slt, %xor3A_1529, %lt3A_1542 : vector<16xi32>
        %add3A_1544 = arith.constant 16 : i32
        %add3A_1545 = vector.broadcast %add3A_1544 : i32 to vector<16xi32>
        %add3A_1546 = arith.addi %xor3A_1529, %add3A_1545 : vector<16xi32>
        %select_n3A_1547 = arith.select %lt3A_1543, %add3A_1546, %xor3A_1529 : vector<16xi1>, vector<16xi32>
        %broadcast_in_dim3A_1548 = vector.shape_cast %select_n3A_1547 : vector<16xi32> to vector<16x1xi32>
        %gather3A_1549 = vector.shape_cast %broadcast_in_dim3A_1548 : vector<16x1xi32> to vector<16xi32>
        %gather3A_1550 = tpu.dynamic_gather %add3A_1524[%gather3A_1549] in [0] : vector<16xf32>, vector<16xi32> -> vector<16xf32>
        %add3A_1551 = arith.addf %add3A_1524, %gather3A_1550 : vector<16xf32>
        %lt3A_1552 = arith.constant 0 : i32
        %lt3A_1553 = vector.broadcast %lt3A_1552 : i32 to vector<16xi32>
        %lt3A_1554 = arith.cmpi slt, %xor3A_1529, %lt3A_1553 : vector<16xi32>
        %add3A_1555 = arith.constant 16 : i32
        %add3A_1556 = vector.broadcast %add3A_1555 : i32 to vector<16xi32>
        %add3A_1557 = arith.addi %xor3A_1529, %add3A_1556 : vector<16xi32>
        %select_n3A_1558 = arith.select %lt3A_1554, %add3A_1557, %xor3A_1529 : vector<16xi1>, vector<16xi32>
        %broadcast_in_dim3A_1559 = vector.shape_cast %select_n3A_1558 : vector<16xi32> to vector<16x1xi32>
        %gather3A_1560 = vector.shape_cast %broadcast_in_dim3A_1559 : vector<16x1xi32> to vector<16xi32>
        %gather3A_1561 = tpu.dynamic_gather %add3A_1526[%gather3A_1560] in [0] : vector<16xf32>, vector<16xi32> -> vector<16xf32>
        %add3A_1562 = arith.addf %add3A_1526, %gather3A_1561 : vector<16xf32>
        %xor3A_1563 = arith.constant 4 : i32
        %xor3A_1564 = vector.broadcast %xor3A_1563 : i32 to vector<16xi32>
        %xor3A_1565 = arith.xori %iota3A, %xor3A_1564 : vector<16xi32>
        %lt3A_1566 = arith.constant 0 : i32
        %lt3A_1567 = vector.broadcast %lt3A_1566 : i32 to vector<16xi32>
        %lt3A_1568 = arith.cmpi slt, %xor3A_1565, %lt3A_1567 : vector<16xi32>
        %add3A_1569 = arith.constant 16 : i32
        %add3A_1570 = vector.broadcast %add3A_1569 : i32 to vector<16xi32>
        %add3A_1571 = arith.addi %xor3A_1565, %add3A_1570 : vector<16xi32>
        %select_n3A_1572 = arith.select %lt3A_1568, %add3A_1571, %xor3A_1565 : vector<16xi1>, vector<16xi32>
        %broadcast_in_dim3A_1573 = vector.shape_cast %select_n3A_1572 : vector<16xi32> to vector<16x1xi32>
        %gather3A_1574 = vector.shape_cast %broadcast_in_dim3A_1573 : vector<16x1xi32> to vector<16xi32>
        %gather3A_1575 = tpu.dynamic_gather %add3A_1540[%gather3A_1574] in [0] : vector<16xf32>, vector<16xi32> -> vector<16xf32>
        %add3A_1576 = arith.addf %add3A_1540, %gather3A_1575 : vector<16xf32>
        %lt3A_1577 = arith.constant 0 : i32
        %lt3A_1578 = vector.broadcast %lt3A_1577 : i32 to vector<16xi32>
        %lt3A_1579 = arith.cmpi slt, %xor3A_1565, %lt3A_1578 : vector<16xi32>
        %add3A_1580 = arith.constant 16 : i32
        %add3A_1581 = vector.broadcast %add3A_1580 : i32 to vector<16xi32>
        %add3A_1582 = arith.addi %xor3A_1565, %add3A_1581 : vector<16xi32>
        %select_n3A_1583 = arith.select %lt3A_1579, %add3A_1582, %xor3A_1565 : vector<16xi1>, vector<16xi32>
        %broadcast_in_dim3A_1584 = vector.shape_cast %select_n3A_1583 : vector<16xi32> to vector<16x1xi32>
        %gather3A_1585 = vector.shape_cast %broadcast_in_dim3A_1584 : vector<16x1xi32> to vector<16xi32>
        %gather3A_1586 = tpu.dynamic_gather %add3A_1551[%gather3A_1585] in [0] : vector<16xf32>, vector<16xi32> -> vector<16xf32>
        %add3A_1587 = arith.addf %add3A_1551, %gather3A_1586 : vector<16xf32>
        %lt3A_1588 = arith.constant 0 : i32
        %lt3A_1589 = vector.broadcast %lt3A_1588 : i32 to vector<16xi32>
        %lt3A_1590 = arith.cmpi slt, %xor3A_1565, %lt3A_1589 : vector<16xi32>
        %add3A_1591 = arith.constant 16 : i32
        %add3A_1592 = vector.broadcast %add3A_1591 : i32 to vector<16xi32>
        %add3A_1593 = arith.addi %xor3A_1565, %add3A_1592 : vector<16xi32>
        %select_n3A_1594 = arith.select %lt3A_1590, %add3A_1593, %xor3A_1565 : vector<16xi1>, vector<16xi32>
        %broadcast_in_dim3A_1595 = vector.shape_cast %select_n3A_1594 : vector<16xi32> to vector<16x1xi32>
        %gather3A_1596 = vector.shape_cast %broadcast_in_dim3A_1595 : vector<16x1xi32> to vector<16xi32>
        %gather3A_1597 = tpu.dynamic_gather %add3A_1562[%gather3A_1596] in [0] : vector<16xf32>, vector<16xi32> -> vector<16xf32>
        %add3A_1598 = arith.addf %add3A_1562, %gather3A_1597 : vector<16xf32>
        %xor3A_1599 = arith.constant 2 : i32
        %xor3A_1600 = vector.broadcast %xor3A_1599 : i32 to vector<16xi32>
        %xor3A_1601 = arith.xori %iota3A, %xor3A_1600 : vector<16xi32>
        %lt3A_1602 = arith.constant 0 : i32
        %lt3A_1603 = vector.broadcast %lt3A_1602 : i32 to vector<16xi32>
        %lt3A_1604 = arith.cmpi slt, %xor3A_1601, %lt3A_1603 : vector<16xi32>
        %add3A_1605 = arith.constant 16 : i32
        %add3A_1606 = vector.broadcast %add3A_1605 : i32 to vector<16xi32>
        %add3A_1607 = arith.addi %xor3A_1601, %add3A_1606 : vector<16xi32>
        %select_n3A_1608 = arith.select %lt3A_1604, %add3A_1607, %xor3A_1601 : vector<16xi1>, vector<16xi32>
        %broadcast_in_dim3A_1609 = vector.shape_cast %select_n3A_1608 : vector<16xi32> to vector<16x1xi32>
        %gather3A_1610 = vector.shape_cast %broadcast_in_dim3A_1609 : vector<16x1xi32> to vector<16xi32>
        %gather3A_1611 = tpu.dynamic_gather %add3A_1576[%gather3A_1610] in [0] : vector<16xf32>, vector<16xi32> -> vector<16xf32>
        %add3A_1612 = arith.addf %add3A_1576, %gather3A_1611 : vector<16xf32>
        %lt3A_1613 = arith.constant 0 : i32
        %lt3A_1614 = vector.broadcast %lt3A_1613 : i32 to vector<16xi32>
        %lt3A_1615 = arith.cmpi slt, %xor3A_1601, %lt3A_1614 : vector<16xi32>
        %add3A_1616 = arith.constant 16 : i32
        %add3A_1617 = vector.broadcast %add3A_1616 : i32 to vector<16xi32>
        %add3A_1618 = arith.addi %xor3A_1601, %add3A_1617 : vector<16xi32>
        %select_n3A_1619 = arith.select %lt3A_1615, %add3A_1618, %xor3A_1601 : vector<16xi1>, vector<16xi32>
        %broadcast_in_dim3A_1620 = vector.shape_cast %select_n3A_1619 : vector<16xi32> to vector<16x1xi32>
        %gather3A_1621 = vector.shape_cast %broadcast_in_dim3A_1620 : vector<16x1xi32> to vector<16xi32>
        %gather3A_1622 = tpu.dynamic_gather %add3A_1587[%gather3A_1621] in [0] : vector<16xf32>, vector<16xi32> -> vector<16xf32>
        %add3A_1623 = arith.addf %add3A_1587, %gather3A_1622 : vector<16xf32>
        %lt3A_1624 = arith.constant 0 : i32
        %lt3A_1625 = vector.broadcast %lt3A_1624 : i32 to vector<16xi32>
        %lt3A_1626 = arith.cmpi slt, %xor3A_1601, %lt3A_1625 : vector<16xi32>
        %add3A_1627 = arith.constant 16 : i32
        %add3A_1628 = vector.broadcast %add3A_1627 : i32 to vector<16xi32>
        %add3A_1629 = arith.addi %xor3A_1601, %add3A_1628 : vector<16xi32>
        %select_n3A_1630 = arith.select %lt3A_1626, %add3A_1629, %xor3A_1601 : vector<16xi1>, vector<16xi32>
        %broadcast_in_dim3A_1631 = vector.shape_cast %select_n3A_1630 : vector<16xi32> to vector<16x1xi32>
        %gather3A_1632 = vector.shape_cast %broadcast_in_dim3A_1631 : vector<16x1xi32> to vector<16xi32>
        %gather3A_1633 = tpu.dynamic_gather %add3A_1598[%gather3A_1632] in [0] : vector<16xf32>, vector<16xi32> -> vector<16xf32>
        %add3A_1634 = arith.addf %add3A_1598, %gather3A_1633 : vector<16xf32>
        %xor3A_1635 = arith.constant 1 : i32
        %xor3A_1636 = vector.broadcast %xor3A_1635 : i32 to vector<16xi32>
        %xor3A_1637 = arith.xori %iota3A, %xor3A_1636 : vector<16xi32>
        %lt3A_1638 = arith.constant 0 : i32
        %lt3A_1639 = vector.broadcast %lt3A_1638 : i32 to vector<16xi32>
        %lt3A_1640 = arith.cmpi slt, %xor3A_1637, %lt3A_1639 : vector<16xi32>
        %add3A_1641 = arith.constant 16 : i32
        %add3A_1642 = vector.broadcast %add3A_1641 : i32 to vector<16xi32>
        %add3A_1643 = arith.addi %xor3A_1637, %add3A_1642 : vector<16xi32>
        %select_n3A_1644 = arith.select %lt3A_1640, %add3A_1643, %xor3A_1637 : vector<16xi1>, vector<16xi32>
        %broadcast_in_dim3A_1645 = vector.shape_cast %select_n3A_1644 : vector<16xi32> to vector<16x1xi32>
        %gather3A_1646 = vector.shape_cast %broadcast_in_dim3A_1645 : vector<16x1xi32> to vector<16xi32>
        %gather3A_1647 = tpu.dynamic_gather %add3A_1612[%gather3A_1646] in [0] : vector<16xf32>, vector<16xi32> -> vector<16xf32>
        %add3A_1648 = arith.addf %add3A_1612, %gather3A_1647 : vector<16xf32>
        %lt3A_1649 = arith.constant 0 : i32
        %lt3A_1650 = vector.broadcast %lt3A_1649 : i32 to vector<16xi32>
        %lt3A_1651 = arith.cmpi slt, %xor3A_1637, %lt3A_1650 : vector<16xi32>
        %add3A_1652 = arith.constant 16 : i32
        %add3A_1653 = vector.broadcast %add3A_1652 : i32 to vector<16xi32>
        %add3A_1654 = arith.addi %xor3A_1637, %add3A_1653 : vector<16xi32>
        %select_n3A_1655 = arith.select %lt3A_1651, %add3A_1654, %xor3A_1637 : vector<16xi1>, vector<16xi32>
        %broadcast_in_dim3A_1656 = vector.shape_cast %select_n3A_1655 : vector<16xi32> to vector<16x1xi32>
        %gather3A_1657 = vector.shape_cast %broadcast_in_dim3A_1656 : vector<16x1xi32> to vector<16xi32>
        %gather3A_1658 = tpu.dynamic_gather %add3A_1623[%gather3A_1657] in [0] : vector<16xf32>, vector<16xi32> -> vector<16xf32>
        %add3A_1659 = arith.addf %add3A_1623, %gather3A_1658 : vector<16xf32>
        %lt3A_1660 = arith.constant 0 : i32
        %lt3A_1661 = vector.broadcast %lt3A_1660 : i32 to vector<16xi32>
        %lt3A_1662 = arith.cmpi slt, %xor3A_1637, %lt3A_1661 : vector<16xi32>
        %add3A_1663 = arith.constant 16 : i32
        %add3A_1664 = vector.broadcast %add3A_1663 : i32 to vector<16xi32>
        %add3A_1665 = arith.addi %xor3A_1637, %add3A_1664 : vector<16xi32>
        %select_n3A_1666 = arith.select %lt3A_1662, %add3A_1665, %xor3A_1637 : vector<16xi1>, vector<16xi32>
        %broadcast_in_dim3A_1667 = vector.shape_cast %select_n3A_1666 : vector<16xi32> to vector<16x1xi32>
        %gather3A_1668 = vector.shape_cast %broadcast_in_dim3A_1667 : vector<16x1xi32> to vector<16xi32>
        %gather3A_1669 = tpu.dynamic_gather %add3A_1634[%gather3A_1668] in [0] : vector<16xf32>, vector<16xi32> -> vector<16xf32>
        %add3A_1670 = arith.addf %add3A_1634, %gather3A_1669 : vector<16xf32>
        %eq3A_1671 = vector.broadcast %add3A_871 : i32 to vector<16xi32>
        %eq3A_1672 = arith.cmpi eq, %iota3A, %eq3A_1671 : vector<16xi32>
        %select_n3A_1673 = arith.select %eq3A_1672, %add3A_1648, %select_n3A_865 : vector<16xi1>, vector<16xf32>
        %select_n3A_1674 = arith.select %eq3A_1672, %add3A_1659, %select_n3A_866 : vector<16xi1>, vector<16xf32>
        %select_n3A_1675 = arith.select %eq3A_1672, %add3A_1670, %select_n3A_867 : vector<16xi1>, vector<16xf32>
        scf.yield %select_n3A_1673, %select_n3A_1674, %select_n3A_1675 : vector<16xf32>, vector<16xf32>, vector<16xf32>
      }
      %scan3A_39 = arith.constant 8 : i32
      %mul3A_40 = arith.mulf %scan3A_38#1, %scan3A_38#2 : vector<16xf32>
      %bitcast_convert_type3A = tpu.bitcast %mul3A_40 : vector<16xf32> -> vector<16xi32>
      %shift_right_arithmetic3A = arith.constant 1 : i32
      %shift_right_arithmetic3A_41 = vector.broadcast %shift_right_arithmetic3A : i32 to vector<16xi32>
      %shift_right_arithmetic3A_42 = arith.shrsi %bitcast_convert_type3A, %shift_right_arithmetic3A_41 : vector<16xi32>
      %add3A_43 = arith.constant 532487669 : i32
      %add3A_44 = vector.broadcast %add3A_43 : i32 to vector<16xi32>
      %add3A_45 = arith.addi %shift_right_arithmetic3A_42, %add3A_44 : vector<16xi32>
      %bitcast_convert_type3A_46 = tpu.bitcast %add3A_45 : vector<16xi32> -> vector<16xf32>
      %div3A = arith.divf %mul3A_40, %bitcast_convert_type3A_46 : vector<16xf32>
      %add3A_47 = arith.addf %bitcast_convert_type3A_46, %div3A : vector<16xf32>
      %mul3A_48 = arith.constant 5.000000e-01 : f32
      %mul3A_49 = vector.broadcast %mul3A_48 : f32 to vector<16xf32>
      %mul3A_50 = arith.mulf %mul3A_49, %add3A_47 : vector<16xf32>
      %div3A_51 = arith.divf %mul3A_40, %mul3A_50 : vector<16xf32>
      %add3A_52 = arith.addf %mul3A_50, %div3A_51 : vector<16xf32>
      %mul3A_53 = arith.constant 5.000000e-01 : f32
      %mul3A_54 = vector.broadcast %mul3A_53 : f32 to vector<16xf32>
      %mul3A_55 = arith.mulf %mul3A_54, %add3A_52 : vector<16xf32>
      %div3A_56 = arith.divf %mul3A_40, %mul3A_55 : vector<16xf32>
      %add3A_57 = arith.addf %mul3A_55, %div3A_56 : vector<16xf32>
      %mul3A_58 = arith.constant 5.000000e-01 : f32
      %mul3A_59 = vector.broadcast %mul3A_58 : f32 to vector<16xf32>
      %mul3A_60 = arith.mulf %mul3A_59, %add3A_57 : vector<16xf32>
      %max3A = arith.constant 9.99999993E-9 : f32
      %max3A_61 = vector.broadcast %max3A : f32 to vector<16xf32>
      %max3A_62 = arith.maximumf %mul3A_60, %max3A_61 : vector<16xf32>
      %div3A_63 = arith.divf %scan3A_38#0, %max3A_62 : vector<16xf32>
      %mul3A_64 = arith.constant 16 : i32
      %mul3A_65 = arith.muli %add3A_32, %mul3A_64 : i32
      %swap3A = arith.index_cast %mul3A_65 : i32 to index
      %swap3A_66 = tpu.vector_load %arg14[%swap3A] {strides = array<i32>} : memref<128xf32, #tpu.memory_space<vmem>>, vector<16xf32>,
      %swap3A_67 = vector.shape_cast %swap3A_66 : vector<16xf32> to vector<16xf32>
      %swap3A_68 = vector.shape_cast %div3A_63 : vector<16xf32> to vector<16xf32>
      tpu.vector_store %arg14[%swap3A], %swap3A_68 {strides = array<i32>} : memref<128xf32, #tpu.memory_space<vmem>>, vector<16xf32>,
    }
    %scan3A_27 = arith.constant 8 : i32
    "tpu.region"() ({
      %run_scoped3A = tpu.sem_alloc : memref<!tpu.dma_semaphore, #tpu.memory_space<semaphore_mem>>
      %dma_start3A_28 = tpu.memref_slice %arg7[%mul3A_2] : memref<4096xf32, #tpu.memory_space<hbm>> -> memref<128xf32, #tpu.memory_space<hbm>>
      %dma_start3A_29 = tpu.memref_slice %arg7[%mul3A_2] : memref<4096xf32, #tpu.memory_space<hbm>> -> memref<128xf32, #tpu.memory_space<hbm>>
      tpu.enqueue_dma source(%arg14 : memref<128xf32, #tpu.memory_space<vmem>>) target(%dma_start3A_29 : memref<128xf32, #tpu.memory_space<hbm>>) target_semaphore(%run_scoped3A : memref<!tpu.dma_semaphore, #tpu.memory_space<semaphore_mem>>)
      %dma_wait3A = tpu.memref_slice %arg7[%mul3A_2] : memref<4096xf32, #tpu.memory_space<hbm>> -> memref<128xf32, #tpu.memory_space<hbm>>
      %dma_wait3A_30 = tpu.memref_slice %arg7[%mul3A_2] : memref<4096xf32, #tpu.memory_space<hbm>> -> memref<128xf32, #tpu.memory_space<hbm>>
      tpu.wait_dma2 semaphore(%run_scoped3A : memref<!tpu.dma_semaphore, #tpu.memory_space<semaphore_mem>>) src(%arg14 : memref<128xf32, #tpu.memory_space<vmem>>) dst(%dma_wait3A_30 : memref<128xf32, #tpu.memory_space<hbm>>)
      tpu.yield
    }) : () -> ()
    return
  }
}

</mosaic_0001>

<sc_bundles>
// kernel: kernel.3.cloned.1.call-start
scs
__scs_entry_jumppad:
0x0: {  	(pc) =	sbr.rel $0x88, $3  }
0x1: {  	(tag) =	ssettag $0x0;
	lr =	simm.s32 $0x1  }
0x2: {  	[smem:$0x3F9C] =	sst lr;
	_ =	strace $0xD0000000  }
0x3: {  	_ = 	snop  }
0x4: {  	_ = 	snop  }
0x5: {  	_ = 	snop  }
0x6: {  	_ = 	snop  }
0x7: {  	_ = 	snop  }
__scs_overlays_trampoline_lowered:
0x8: {  	[smem:$0x3FAB] =	sst s0  }
0x9: {  	[smem:$0x3FAC] =	sst s1  }
0xa: {  	[smem:$0x3FAD] =	sst s2  }
0xb: {  	[smem:$0x3FAE] =	sst s3  }
0xc: {  	[smem:$0x3FAF] =	sst s4  }
0xd: {  	[smem:$0x3FB0] =	sst s5  }
0xe: {  	[smem:$0x3FB1] =	sst s6  }
0xf: {  	[smem:$0x3FB2] =	sst s7  }
0x10: {  	[smem:$0x3FB3] =	sst s8  }
0x11: {  	[smem:$0x3FB4] =	sst s9;
	s0 =	simm.s32 @!p0 $0x0  }
0x12: {  	s1 =	sld [smem:$0x3F9A];
	s0 =	simm.s32 @p0 $0x1  }
0x13: {  	[smem:$0x3FB5] =	sst s0;
	s0 =	simm.s32 @!p1 $0x0  }
0x14: {  	s2 =	sld [smem:$0x3F99];
	s0 =	simm.s32 @p1 $0x1  }
0x15: {  	[smem:$0x3FB6] =	sst s0;
	s0 =	simm.s32 @!p2 $0x0  }
0x16: {  	s3 =	sld [smem:$0x3FDB];
	s0 =	simm.s32 @p2 $0x1  }
0x17: {  	s4 =	simm.s32 $0x1BF5;
	[smem:$0x3FB8] =	sst s0  }
0x18: {  	s0 =	sld [smem:$0x3F9B];
	_ =	swait.ge [sflag:s4], $0x0  }
0x19: {  	s7 =	sld [smem:$0x3F9C]  }
0x1a: {  	s8 =	sadd.s32 $0xFFFFE003, lr  }
0x1b: {  	s9 =	sadd.s32 $0xFFFFFEF7, lr;
	s5 =	simm.s32 $0xFFFFFFFF;
	p2 =	slt.u32 s8, $0xFFFFF086  }
0x1c: {  	p1 =	slt.u32 s9, $0xF7A;
	s5 =	simm.s32 @!p2 $0x0  }
0x1d: {  	s5 =	simm.s32 @p1 $0x1;
	p0 =	seq.s32 s7, s2  }
0x1e: {  	s7 =	smul.u32 @!p0 $0xF7A, s2;
	p2 =	seq.s32 @!p0 s5, $0x0  }
0x1f: {  	s9 =	smul.u32 $0xF7A, s1;
	s8 =	simm.s32 @!p0 $0x1BF5;
	p2 =	por !p2, p0  }
0x20: {  	[sflag:s8] =	ssyncset.s32 @!p0 $0xFFFFF086;
	s6 =	sadd.s32 @!p0 s3, s7;
	s7 =	simm.s32 @!p0 $0x108  }
0x21: {  	s3 =	sadd.s32 s3, s9;
	s6 =	sadd.s32 @!p0 $0x88, s6;
	s7 =	simm.s32 @p2 $0x1082  }
0x22: {  	[simem:s7], [sflag:s8] =	dma.local @!p0 [hbm:s6], $0xF7A  }
0x23: {  	s9 =	sor.u32 $0xD0000000, s2;
	s6 =	simm.s32 $0x108;
	_ =	swait.ge @!p0 [sflag:s8], $0x0  }
0x24: {  	s3 =	sadd.s32 $0x88, s3;
	s6 =	simm.s32 @!p1 $0x1082;
	[sflag:s4] =	ssyncset.s32 $0xFFFFF086  }
0x25: {  	[simem:s6], [sflag:s4] =	dma.local [hbm:s3], $0xF7A  }
0x26: {  	[smem:$0x3F9C] =	sst s1;
	(tag) =	ssettag s2;
	_ =	strace s9  }
0x27: {  	s1 =	sld [smem:$0x3FAC]  }
0x28: {  	s2 =	sld [smem:$0x3FAD]  }
0x29: {  	s4 =	sld [smem:$0x3FAF]  }
0x2a: {  	p0 =	seq.s32 s5, $0x0;
	s5 =	sld [smem:$0x3FB0]  }
0x2b: {  	s6 =	sld [smem:$0x3FB1]  }
0x2c: {  	s7 =	sld [smem:$0x3FB2]  }
0x2d: {  	s3 =	simm.s32 $0x108;
	s8 =	sld [smem:$0x3FB3]  }
0x2e: {  	s3 =	simm.s32 @!p0 $0x1082;
	s9 =	sld [smem:$0x3FB4]  }
0x2f: {  	lr =	sadd.s32 s0, s3;
	s0 =	sld [smem:$0x3FAB]  }
0x30: {  	s3 =	sld [smem:$0x3FAE]  }
0x31: {  	[smem:$0x3FB7] =	sst s10  }
0x32: {  	s10 =	sld [smem:$0x3FB5];
	_ =	sdelay $0x3  }
0x33: {  	p0 =	seq.s32 s10, $0x1;
	s10 =	sld [smem:$0x3FB7];
	_ =	sdelay $0x3  }
0x34: {  	[smem:$0x3FB7] =	sst s10  }
0x35: {  	s10 =	sld [smem:$0x3FB6];
	_ =	sdelay $0x3  }
0x36: {  	p1 =	seq.s32 s10, $0x1;
	s10 =	sld [smem:$0x3FB7];
	_ =	sdelay $0x3  }
0x37: {  	[smem:$0x3FB7] =	sst s10  }
0x38: {  	s10 =	sld [smem:$0x3FB8]  }
0x39: {  	_ = 	snop;
	(pc) =	sbr.ind lr, $3  }
0x3a: {  	_ = 	snop  }
0x3b: {  	_ = 	snop  }
0x3c: {  	p2 =	seq.s32 s10, $0x1;
	s10 =	sld [smem:$0x3FB7]  }
0x3d: {  	_ =	shalt  }
0x3e: {  	_ =	shalt  }
0x3f: {  	_ =	shalt  }
0x40: {  	_ =	shalt  }
0x41: {  	_ =	shalt  }
0x42: {  	_ =	shalt  }
0x43: {  	_ =	shalt  }
0x44: {  	_ =	shalt  }
0x45: {  	_ =	shalt  }
0x46: {  	_ =	shalt  }
0x47: {  	_ =	shalt  }
0x48: {  	_ =	shalt  }
0x49: {  	_ =	shalt  }
0x4a: {  	_ =	shalt  }
0x4b: {  	_ =	shalt  }
0x4c: {  	_ =	shalt  }
0x4d: {  	_ =	shalt  }
0x4e: {  	_ =	shalt  }
0x4f: {  	_ =	shalt  }
0x50: {  	_ =	shalt  }
0x51: {  	_ =	shalt  }
0x52: {  	_ =	shalt  }
0x53: {  	_ =	shalt  }
0x54: {  	_ =	shalt  }
0x55: {  	_ =	shalt  }
0x56: {  	_ =	shalt  }
0x57: {  	_ =	shalt  }
0x58: {  	_ =	shalt  }
0x59: {  	_ =	shalt  }
0x5a: {  	_ =	shalt  }
0x5b: {  	_ =	shalt  }
0x5c: {  	_ =	shalt  }
0x5d: {  	_ =	shalt  }
0x5e: {  	_ =	shalt  }
0x5f: {  	_ =	shalt  }
0x60: {  	_ =	shalt  }
0x61: {  	_ =	shalt  }
0x62: {  	_ =	shalt  }
0x63: {  	_ =	shalt  }
0x64: {  	_ =	shalt  }
0x65: {  	_ =	shalt  }
0x66: {  	_ =	shalt  }
0x67: {  	_ =	shalt  }
0x68: {  	_ =	shalt  }
0x69: {  	_ =	shalt  }
0x6a: {  	_ =	shalt  }
0x6b: {  	_ =	shalt  }
0x6c: {  	_ =	shalt  }
0x6d: {  	_ =	shalt  }
0x6e: {  	_ =	shalt  }
0x6f: {  	_ =	shalt  }
0x70: {  	_ =	shalt  }
0x71: {  	_ =	shalt  }
0x72: {  	_ =	shalt  }
0x73: {  	_ =	shalt  }
0x74: {  	_ =	shalt  }
0x75: {  	_ =	shalt  }
0x76: {  	_ =	shalt  }
0x77: {  	_ =	shalt  }
0x78: {  	_ =	shalt  }
0x79: {  	_ =	shalt  }
0x7a: {  	_ =	shalt  }
0x7b: {  	_ =	shalt  }
0x7c: {  	_ =	shalt  }
0x7d: {  	_ =	shalt  }
0x7e: {  	_ =	shalt  }
0x7f: {  	_ =	shalt  }
0x80: {  	_ =	shalt  }
0x81: {  	_ =	shalt  }
0x82: {  	_ =	shalt  }
0x83: {  	_ =	shalt  }
0x84: {  	_ =	shalt  }
0x85: {  	_ =	shalt  }
0x86: {  	_ =	shalt  }
0x87: {  	_ =	shalt  }
.Lfunc_end0:
.L_simem_size_0:
called_computation_lowered:
.L_overlay_start_0:
0x88: {  	s2 =	sld [smem:$0x3FD9]  }
0x89: {  	s3 =	sld [smem:$0x3FFE];
	_ =	sdelay $0x1  }
0x8a: {  	s1 =	srdreg.scid  }
0x8b: {  	s0 =	sand.u32 $0x1, s1  }
0x8c: {  	s17 =	sshll.u32 s0, $0xA;
	s2 =	sadd.s32 s3, s2  }
0x8d: {  	s2 =	sadd.s32 s2, s17  }
0x8e: {  	[smem:$0x3FC3] =	sst s2  }
0x8f: {  	_ = 	snop  }
0x90: {  	s2 =	sld [smem:$0x3FC6]  }
0x91: {  	s18 =	sld [smem:$0x3FD0];
	(tm) =	ssettm $0x1  }
0x92: {  	s4 =	sld [smem:$0x3FFB];
	_ =	sdelay $0x3  }
0x93: {  	_ =	strace s4  }
0x94: {  	s4 =	sld [smem:$0x3FFC];
	_ =	sdelay $0x3  }
0x95: {  	_ =	strace s4  }
0x96: {  	s4 =	sld [smem:$0x3FFD];
	_ =	sdelay $0x3  }
0x97: {  	_ =	strace s4  }
0x98: {  	_ =	strace $0x8FFFFFFF  }
0x99: {  	s19 =	sld [smem:$0x3FDB];
	_ =	sdelay $0x1  }
0x9a: {  	s5 =	simm.s32 $_scs_section_size  }
0x9b: {  	s6 =	simm.s32 $_size__tile_overlayer_lowered;
	s7 =	simm.s32 $_tile_overlayer_lowered  }
0x9c: {  	s22 =	simm.s32 $0x1BFF;
	s21 =	sshll.u32 s7, $0x1;
	s4 =	sadd.s32 s5, s19  }
0x9d: {  	s8 =	simm.s32 $0x0;
	s20 =	sshll.u32 s6, $0x1;
	s6 =	sadd.s32 s21, s4  }
0x9e: {  	[timem:s8], [sflag:s22] =	dma.local [hbm:s6], s20  }
0x9f: {  	_ =	swait.ge [sflag:s22], s20  }
0xa0: {  	s5 =	ssub.s32 $0x0, s20;
	[sflag:s22] =	ssyncset.done $0x0  }
0xa1: {  	[sflag:s22] =	ssyncadd.s32 s5;
	_ =	sdelay $0x1  }
0xa2: {  	s23 =	simm.s32 $0x1B8B  }
0xa3: {  	_ =	swait.ge [sflag:s23], $0x1  }
0xa4: {  	[sflag:s23] =	ssyncset.done $0x0  }
0xa5: {  	s25 =	simm.s32 $0x1B8E;
	s24 =	sld [smem:$0x3FFE];
	[sflag:s23] =	ssyncadd.s32 $0xFFFFFFFF  }
0xa6: {  	s26 =	simm.s32 $execute0_lowered;
	[smem:$0x3FD2] =	sst s25  }
0xa7: {  	s6 =	sshll.u32 s26, $0x1;
	_ =	strace $0x80000046;
	[dreg:$0x1] =	wrdreg $0xFFFFFFFF  }
0xa8: {  	s28 =	simm.s32 $_size_execute0_lowered;
	s4 =	sadd.s32 s4, s6;
	[dreg:$0x0] =	wrdreg $0x0  }
0xa9: {  	s6 =	sshll.u32 s28, $0x1;
	[dreg:$0x2] =	wrdreg s4  }
0xaa: {  	[dreg:$0x3] =	wrdreg s6  }
0xab: {  	[dreg:$0x4] =	wrdreg $0xC0  }
0xac: {  	_ =	task [dreg:s8], $0x5FFFF  }
0xad: {  	[dreg:$0x1] =	wrdreg $0xFFFFFFFF  }
0xae: {  	[dreg:$0x0] =	wrdreg $0x60  }
0xaf: {  	[dreg:$0x2] =	wrdreg s24  }
0xb0: {  	[dreg:$0x3] =	wrdreg s2  }
0xb1: {  	[dreg:$0x4] =	wrdreg s18  }
0xb2: {  	[dreg:$0x5] =	wrdreg $0x9  }
0xb3: {  	_ =	task.clear_ibuf [dreg:s8], $0x6FFFF;
	_ =	strace $0x90000046  }
0xb4: {  	s29 =	simm.s32 $0x9;
	_ =	strace $0x80000048  }
0xb5: {  	_ =	swait.ge [sflag:s29], $0x1  }
0xb6: {  	[sflag:s29] =	ssyncadd.s32 $0xFFFFFFFF  }
0xb7: {  	_ =	strace $0x90000048  }
0xb8: {  	_ =	sfence  }
0xb9: {  	s30 =	sld [smem:$0x0];
	_ =	sdelay $0x2  }
0xba: {  	s31 =	sshll.u32 s1, $0xD;
	s1 =	sshrl.u32 s1, $0x2  }
0xbb: {  	s3 =	sand.u32 $0x4000, s31;
	s1 =	sadd.s32 s1, s30  }
0xbc: {  	s0 =	sor.u32 s3, s0;
	s1 =	sshll.u32 s1, $0x11  }
0xbd: {  	s0 =	sor.u32 s1, s0  }
0xbe: {  	s0 =	sadd.s32 $0x8F2B, s0  }
0xbf: {  	[sflag:s0] =	ssyncadd.remote.s32 $0x1  }
0xc0: {  	_ =	sfence.sel $0xFFFF  }
0xc1: {  	[dreg:$0x0] =	wrdreg $0xFFFFFFFF;
	(pc) =	sbr.abs _section_cstart, $3  }
0xc2: {  	[dreg:$0x1] =	wrdreg $0xFFFFFFFF  }
0xc3: {  	_ =	task.clear_ibuf [dreg:s8], $0x2FFFF;
	_ =	strace $0x9FFFFFFF  }
0xc4: {  	(tm) =	ssettm $0x7FFFFFFF  }
0xc5: {  	_ =	shalt  }
tec
execute0_lowered:
.L_overlay_start_1:
0x0: {  	(tag) =	ssettag $0x1  }
0x1: {  	s2 =	rddreg [dreg:$0x0];
	v0 =	vimm.s32 $0xFEDCBA98;
	v1 =	vimm.s32 $0x76543210;
	v2 =	vimm.s32 $0xBA98FEDC  }
0x2: {  	s1 =	rddreg [dreg:$0x1];
	s3 =	srdreg.scid;
	v3 =	vimm.s32 $0x32107654;
	v4 =	vimm.s32 $0xDCFE98BA;
	v5 =	vimm.s32 $0x54761032  }
0x3: {  	s0 =	stileid.u32;
	s8 =	rddreg [dreg:$0x2];
	v6 =	vimm.s32 $0xEFCDAB89;
	v7 =	vimm.s32 $0x67452301;
	v0 =	vunpack.c.l.s4.s8 v0  }
0x4: {  	s14 =	simm.s32 $0x32;
	s16 =	simm.s32 $0x14F10;
	s17 =	simm.s32 $0x5;
	v1 =	vunpack.c.l.s4.s8 v1;
	v2 =	vunpack.c.l.s4.s8 v2;
	v3 =	vunpack.c.l.s4.s8 v3  }
0x5: {  	s18 =	simm.s32 $0x16810;
	s19 =	simm.s32 $0x18110;
	s20 =	simm.s32 $0x1;
	v4 =	vunpack.c.l.s4.s8 v4;
	v5 =	vunpack.c.l.s4.s8 v5;
	v6 =	vunpack.c.l.s4.s8 v6  }
0x6: {  	s21 =	simm.s32 $0x3;
	s22 =	simm.s32 $0x2;
	s23 =	simm.s32 $0x4;
	v7 =	vunpack.c.l.s4.s8 v7;
	v0 =	vunpack.c.0.s8.s32 v0;
	v2 =	vunpack.c.0.s8.s32 v2  }
0x7: {  	s24 =	simm.s32 $0x19A10;
	s4 =	sand.u32 $0x1, s3;
	s5 =	sshll.u32 s0, $0x1;
	v3 =	vunpack.c.0.s8.s32 v3;
	v4 =	vunpack.c.0.s8.s32 v4;
	v1 =	vunpack.c.0.s8.s32 v1  }
0x8: {  	s25 =	simm.s32 $0x0;
	s3 =	simm.s32 $0x0;
	s9 =	sor.u32 s4, s5;
	v5 =	vunpack.c.0.s8.s32 v5;
	v6 =	vunpack.c.0.s8.s32 v6;
	v0 =	vand.u32 $0xF, v0  }
0x9: {  	[smem:$0x7FF] =	sst s3;
	s10 =	ssub.s32 $0x2, s4;
	s4 =	sadd.s32 $0xFA00, s2;
	v7 =	vunpack.c.0.s8.s32 v7;
	v2 =	vcombine.low v3, v2;
	v0 =	vcombine.low v0, v1  }
0xa: {  	s5 =	smul.u32 $0x380, s9;
	_ =	strace $0x80000047;
	s11 =	sshrl.u32 s10, $0x1;
	v59 =	vcombine.low v5, v4  }
0xb: {  	s7 =	sshll.u32 s9, $0x7;
	s31 =	sshll.u32 s9, $0x4;
	s10 =	ssub.s32 s10, s11;
	v60 =	vcombine.low v7, v6;
	v61 =	vand.u32 $0xF, v2;
	[tilespmem:$0x1FFC0] =	vst v0  }
0xc: {  	s8 =	sadd.s32 s8, s31;
	s11 =	simm.s32 $0x1C00;
	s6 =	sadd.s32 s5, s2;
	v62 =	vand.u32 $0xF, v59;
	[tilespmem:$0x1FFD0] =	vst v61  }
0xd: {  	s2 =	sadd.s32 s7, s2;
	s9 =	smax.u32 s10, $0x1;
	s10 =	simm.s32 $0x6;
	v63 =	vand.u32 $0xF, v60;
	[tilespmem:$0x1FFE0] =	vst v62  }
0xe: {  	s5 =	sadd.s32 $0x7A00, s6;
	s6 =	sadd.s32 $0xA00, s6;
	s7 =	sadd.s32 $0xEA00, s2;
	[tilespmem:$0x1FFF0] =	vst v63  }
.LBB2_1:
0xf: {  	[tilespmem:s3], [sflag:$0x6] =	stream.linear.gather [hbm4b:s5+s3], $0x1C00, $0x38;
	[tilespmem:$0x19A90] =	vst v63  }
0x10: {  	_ =	swait.ge [sflag:s10], $0x1C00  }
0x11: {  	[sflag:s10] =	ssyncset.done $0x0  }
0x12: {  	[sflag:s10] =	ssyncadd.s32 $0xFFFFE400  }
0x13: {  	[tilespmem:s11], [sflag:$0x6] =	stream.linear.gather [hbm4b:s6+s3], $0x1C00, $0x38;
	[tilespmem:$0x19A90] =	vst v63  }
0x14: {  	_ =	swait.ge [sflag:s10], $0x1C00  }
0x15: {  	[sflag:s10] =	ssyncset.done $0x0  }
0x16: {  	s0 =	simm.s32 $0x3800;
	[sflag:s10] =	ssyncadd.s32 $0xFFFFE400  }
0x17: {  	[tilespmem:s0], [sflag:$0x6] =	stream.linear.gather [hbm4b:s7+s3], $0x400, $0x38;
	[tilespmem:$0x19A90] =	vst v63  }
0x18: {  	_ =	swait.ge [sflag:s10], $0x400  }
0x19: {  	[sflag:s10] =	ssyncset.done $0x0  }
0x1a: {  	s30 =	simm.s32 $0x3C10;
	[sflag:s10] =	ssyncadd.s32 $0xFFFFFC00  }
0x1b: {  	[tilespmem:s30], [sflag:$0x5] =	stream.linear.gather [hbm4b:s4+s3], $0xFA00, $0x38;
	[tilespmem:$0x19A90] =	vst v63  }
0x1c: {  	s31 =	simm.s32 $0x13610  }
0x1d: {  	[tilespmem:s31], [sflag:$0x1] =	stream.indirect.gather [hbm4b:s1+s14], $0x80, s3, s14, $0xb8;
	[tilespmem:$0x19A90] =	vst v63  }
0x1e: {  	_ = 	snop  }
0x1f: {  	[tilespmem:s16], [sflag:$0x3] =	stream.indirect.gather [hbm4b:s1+s14], $0x80, s11, s14, $0xb8;
	[tilespmem:$0x19A90] =	vst v63  }
0x20: {  	_ =	swait.ge [sflag:s17], $0xFA00  }
0x21: {  	[sflag:s17] =	ssyncset.done $0x0  }
0x22: {  	s26 =	simm.s32 $0x0;
	[sflag:s17] =	ssyncadd.s32 $0xFFFF0600  }
.LBB2_2:
0x23: {  	s28 =	sshll.u32 s26, $0x4;
	s29 =	simm.s32 $0x0;
	v0 =	vimm.f32 $0.0e+00;
	v1 =	vimm.f32 $0.0e+00;
	v3 =	vimm.f32 $0.0e+00  }
.LBB2_3:
0x24: {  	s31 =	sshll.u32 s29, $0x1  }
0x25: {  	s2 =	sor.u32 s28, s31  }
0x26: {  	s30 =	smul.u32 $0x38, s2;
	_ =	sdelay $0x1  }
0x27: {  	s12 =	sshll.u32 s2, $0x3;
	s0 =	sadd.s32 $0x38, s30  }
0x28: {  	[tilespmem:s18], [sflag:$0x2] =	stream.indirect.gather [hbm4b:s1+s14], $0x80, s0, s14, $0xb8;
	[tilespmem:$0x19A90] =	vst v63  }
0x29: {  	s15 =	sadd.s32 $0x1C38, s30;
	s0 =	sand.u32 $0x3FFFFFF8, s12  }
0x2a: {  	[tilespmem:s19], [sflag:$0x4] =	stream.indirect.gather [hbm4b:s1+s14], $0x80, s15, s14, $0xb8;
	[tilespmem:$0x19A90] =	vst v63  }
0x2b: {  	[tilespmem:$0x1FF20] =	vst v0;
	v0 =	vld [tilespmem:s0+$0x3800];
	_ =	sdelay $0x4  }
0x2c: {  	v0 =	vshll.u32 v0, $0x8  }
0x2d: {  	v0 =	vshra.s32 v0, $0x2  }
0x2e: {  	(v2sf) =	vpush v0, $0x0  }
0x2f: {  	(v2sf) =	vpush v0, $0x1  }
0x30: {  	(v2sf) =	vpush v0, $0x2;
	_ =	sdelay $0xa  }
0x31: {  	(v2sf) =	vpush v0, $0x3;
	_ =	sdelay $0x1  }
0x32: {  	s13 =	spop (v2sf);
	(v2sf) =	vpush v0, $0x4  }
0x33: {  	s15 =	spop (v2sf);
	(v2sf) =	vpush v0, $0x5  }
0x34: {  	s2 =	spop (v2sf);
	(v2sf) =	vpush v0, $0x6;
	_ =	sdelay $0x3  }
0x35: {  	v53 =	vld [tilespmem:s13+$0x3C10]  }
0x36: {  	v52 =	vld [tilespmem:s13+$0x3C20]  }
0x37: {  	v50 =	vld [tilespmem:s13+$0x3C30]  }
0x38: {  	v49 =	vld [tilespmem:s13+$0x3C40]  }
0x39: {  	v47 =	vld [tilespmem:s15+$0x3C10]  }
0x3a: {  	v46 =	vld [tilespmem:s15+$0x3C20]  }
0x3b: {  	v45 =	vld [tilespmem:s15+$0x3C30]  }
0x3c: {  	v43 =	vld [tilespmem:s15+$0x3C40];
	s12 =	spop (v2sf)  }
0x3d: {  	v38 =	vld [tilespmem:s12+$0x3C10]  }
0x3e: {  	v36 =	vld [tilespmem:s12+$0x3C20];
	s13 =	spop (v2sf)  }
0x3f: {  	v35 =	vld [tilespmem:s12+$0x3C30];
	s15 =	spop (v2sf)  }
0x40: {  	v34 =	vld [tilespmem:s12+$0x3C40];
	s12 =	spop (v2sf)  }
0x41: {  	(v2sf) =	vpush v0, $0x7;
	v0 =	vld [tilespmem:s12+$0x3C10];
	_ =	sdelay $0x4  }
0x42: {  	[tilespmem:$0x1FF40] =	vst v0;
	v0 =	vld [tilespmem:s12+$0x3C20];
	_ =	sdelay $0x4  }
0x43: {  	[tilespmem:$0x1FF50] =	vst v0;
	v0 =	vld [tilespmem:s12+$0x3C30];
	_ =	sdelay $0x4  }
0x44: {  	[tilespmem:$0x1FF60] =	vst v0;
	v0 =	vld [tilespmem:s12+$0x3C40]  }
0x45: {  	v33 =	vld [tilespmem:s13+$0x3C10]  }
0x46: {  	v28 =	vld [tilespmem:s13+$0x3C20]  }
0x47: {  	v27 =	vld [tilespmem:s13+$0x3C30]  }
0x48: {  	v24 =	vld [tilespmem:s13+$0x3C40];
	s13 =	spop (v2sf)  }
0x49: {  	[tilespmem:$0x1FF70] =	vst v0;
	v0 =	vld [tilespmem:s13+$0x3C10];
	_ =	sdelay $0x4  }
0x4a: {  	[tilespmem:$0x1FF80] =	vst v0;
	v0 =	vld [tilespmem:s13+$0x3C20];
	_ =	sdelay $0x4  }
0x4b: {  	[tilespmem:$0x1FF90] =	vst v0;
	v0 =	vld [tilespmem:s13+$0x3C30];
	_ =	sdelay $0x2  }
0x4c: {  	v42 =	vld [tilespmem:s2+$0x3C10]  }
0x4d: {  	v41 =	vld [tilespmem:s2+$0x3C20]  }
0x4e: {  	[tilespmem:$0x1FFA0] =	vst v0;
	v0 =	vld [tilespmem:s13+$0x3C40]  }
0x4f: {  	v40 =	vld [tilespmem:s2+$0x3C30]  }
0x50: {  	v39 =	vld [tilespmem:s2+$0x3C40]  }
0x51: {  	[tilespmem:$0x1FF10] =	vst v1;
	v23 =	vld [tilespmem:s15+$0x3C10]  }
0x52: {  	[tilespmem:$0x1FF30] =	vst v3;
	v15 =	vld [tilespmem:s15+$0x3C20]  }
0x53: {  	v14 =	vld [tilespmem:s15+$0x3C30];
	[tilespmem:$0x1FFB0] =	vst v0  }
0x54: {  	v11 =	vld [tilespmem:s15+$0x3C40];
	_ =	swait.ge [sflag:s20], $0x1900  }
0x55: {  	[sflag:s20] =	ssyncset.done $0x0  }
0x56: {  	[sflag:s20] =	ssyncadd.s32 $0xFFFFE700  }
0x57: {  	_ =	swait.ge [sflag:s21], $0x1900  }
0x58: {  	[sflag:s21] =	ssyncset.done $0x0  }
0x59: {  	s15 =	simm.s32 $0x15000;
	[sflag:s21] =	ssyncadd.s32 $0xFFFFE700  }
0x5a: {  	v0 =	vld [tilespmem:s15+$0xFFFFE690]  }
0x5b: {  	v1 =	vld [tilespmem:s15+$0xFFFFE6A0]  }
0x5c: {  	v2 =	vld [tilespmem:s15+$0xFFFFE6B0]  }
0x5d: {  	v4 =	vld [tilespmem:s15+$0xFFFFE6C0]  }
0x5e: {  	v9 =	vld [tilespmem:s15+$0xFFFFE6D0]  }
0x5f: {  	v12 =	vld [tilespmem:s15+$0xFFFFE6E0]  }
0x60: {  	v13 =	vld [tilespmem:s15+$0xFFFFE6F0]  }
0x61: {  	v30 =	vld [tilespmem:s15+$0xFFFFE700]  }
0x62: {  	v37 =	vld [tilespmem:s15+$0xFFFFFF90]  }
0x63: {  	v54 =	vld [tilespmem:s15+$0xFFFFFFA0]  }
0x64: {  	v48 =	vld [tilespmem:s15+$0xFFFFFFB0]  }
0x65: {  	v51 =	vld [tilespmem:s15+$0xFFFFFFC0]  }
0x66: {  	v44 =	vld [tilespmem:s15+$0xFFFFFFD0]  }
0x67: {  	v22 =	vld [tilespmem:s15+$0xFFFFE610]  }
0x68: {  	v26 =	vld [tilespmem:s15+$0xFFFFE620]  }
0x69: {  	v29 =	vld [tilespmem:s15+$0xFFFFE630]  }
0x6a: {  	v31 =	vld [tilespmem:s15+$0xFFFFE640]  }
0x6b: {  	v56 =	vld [tilespmem:s15+$0xFFFFE670]  }
0x6c: {  	v58 =	vld [tilespmem:s15+$0xFFFFE680]  }
0x6d: {  	v3 =	vimm.f32 $0.0e+00;
	v32 =	vld [tilespmem:s15+$0xFFFFE650]  }
0x6e: {  	v55 =	vld [tilespmem:s15+$0xFFFFE660];
	v22 =	vadd.f32 v22, v3  }
0x6f: {  	v59 =	vld [tilespmem:s15+$0xFFFFFF10];
	v26 =	vadd.f32 v26, v3;
	v29 =	vadd.f32 v29, v3  }
0x70: {  	v60 =	vld [tilespmem:s15+$0xFFFFFF20];
	v31 =	vadd.f32 v31, v3;
	v18 =	vadd.f32 v56, v3  }
0x71: {  	v57 =	vld [tilespmem:s15+$0xFFFFFFE0];
	v19 =	vadd.f32 v58, v3;
	v22 =	vadd.f32 v0, v22  }
0x72: {  	v26 =	vadd.f32 v1, v26;
	v1 =	vld [tilespmem:s15+$0xFFFFFF30];
	v0 =	vadd.f32 v32, v3  }
0x73: {  	v29 =	vadd.f32 v2, v29;
	v31 =	vadd.f32 v4, v31;
	v4 =	vld [tilespmem:s15+$0xFFFFFF40]  }
0x74: {  	v61 =	vld [tilespmem:s15+$0xFFFFFF50];
	v2 =	vadd.f32 v55, v3;
	v32 =	vadd.f32 v9, v0  }
0x75: {  	v62 =	vld [tilespmem:s15+$0xFFFFFF60];
	v9 =	vadd.f32 v30, v19;
	v30 =	vadd.f32 v59, v3  }
0x76: {  	v63 =	vld [tilespmem:s15+$0xFFFFFF70];
	v60 =	vadd.f32 v60, v3;
	v13 =	vadd.f32 v13, v18  }
0x77: {  	v58 =	vimm.f32 $0.0e+00;
	v12 =	vadd.f32 v12, v2;
	v0 =	vld [tilespmem:s15+$0xFFFFFF80];
	v37 =	vadd.f32 v37, v30  }
0x78: {  	v59 =	vimm.f32 $0.0e+00;
	v55 =	vadd.f32 v1, v3;
	v2 =	vadd.f32 v4, v3;
	v4 =	vld [tilespmem:s15+$0xFFFFFFF0]  }
0x79: {  	s30 =	simm.s32 $0x0;
	s2 =	simm.s32 $0x15100;
	v30 =	vadd.f32 v54, v60;
	v54 =	vimm.f32 $0.0e+00;
	v60 =	vimm.f32 $0.0e+00;
	v1 =	vld [tilespmem:s15+$0x0]  }
.LBB2_4:
0x7a: {  	v56 =	vld [tilespmem:s2+$0xFFFFE690];
	v55 =	vadd.f32 v48, v55;
	v2 =	vadd.f32 v51, v2  }
0x7b: {  	v48 =	vadd.f32 v61, v54;
	v51 =	vadd.f32 v62, v58;
	v3 =	vld [tilespmem:s2+$0xFFFFE6A0]  }
0x7c: {  	v59 =	vadd.f32 v63, v59;
	v61 =	vld [tilespmem:s2+$0xFFFFE6B0];
	v0 =	vadd.f32 v0, v60  }
0x7d: {  	v54 =	vadd.f32 v44, v48;
	v58 =	vadd.f32 v57, v51;
	v62 =	vld [tilespmem:s2+$0xFFFFE6C0]  }
0x7e: {  	v59 =	vadd.f32 v4, v59;
	v63 =	vld [tilespmem:s2+$0xFFFFE6D0];
	v60 =	vadd.f32 v1, v0  }
0x7f: {  	v0 =	vld [tilespmem:s2+$0xFFFFE6E0]  }
0x80: {  	v1 =	vld [tilespmem:s2+$0xFFFFE6F0]  }
0x81: {  	v4 =	vld [tilespmem:s2+$0xFFFFE700]  }
0x82: {  	v5 =	vld [tilespmem:s2+$0xFFFFFF90]  }
0x83: {  	v6 =	vld [tilespmem:s2+$0xFFFFFFA0]  }
0x84: {  	v48 =	vld [tilespmem:s2+$0xFFFFFFB0]  }
0x85: {  	v51 =	vld [tilespmem:s2+$0xFFFFFFC0]  }
0x86: {  	v44 =	vld [tilespmem:s2+$0xFFFFFFD0]  }
0x87: {  	v57 =	vld [tilespmem:s2+$0xFFFFFFE0]  }
0x88: {  	v7 =	vld [tilespmem:s2+$0xFFFFE610]  }
0x89: {  	v8 =	vld [tilespmem:s2+$0xFFFFE620]  }
0x8a: {  	v25 =	vld [tilespmem:s2+$0xFFFFE630]  }
0x8b: {  	v20 =	vld [tilespmem:s2+$0xFFFFE640]  }
0x8c: {  	v19 =	vld [tilespmem:s2+$0xFFFFE650]  }
0x8d: {  	v21 =	vld [tilespmem:s2+$0xFFFFE660]  }
0x8e: {  	v16 =	vld [tilespmem:s2+$0xFFFFE670]  }
0x8f: {  	v7 =	vadd.f32 v7, v22;
	v8 =	vadd.f32 v8, v26;
	v17 =	vld [tilespmem:s2+$0xFFFFE680]  }
0x90: {  	v25 =	vadd.f32 v25, v29;
	v20 =	vadd.f32 v20, v31;
	v18 =	vld [tilespmem:s2+$0xFFFFFF10]  }
0x91: {  	v22 =	vadd.f32 v56, v7;
	v26 =	vadd.f32 v3, v8;
	v10 =	vld [tilespmem:s2+$0xFFFFFF20]  }
0x92: {  	v29 =	vadd.f32 v61, v25;
	v3 =	vld [tilespmem:s2+$0xFFFFFF30];
	v31 =	vadd.f32 v62, v20  }
0x93: {  	s30 =	sadd.s32 $0x2, s30;
	v7 =	vadd.f32 v19, v32;
	v8 =	vadd.f32 v21, v12;
	v19 =	vld [tilespmem:s2+$0xFFFFFF40]  }
0x94: {  	p0 =	slt.u32 s30, $0x30;
	v13 =	vadd.f32 v16, v13;
	v9 =	vadd.f32 v17, v9;
	v61 =	vld [tilespmem:s2+$0xFFFFFF50]  }
.Ltmp0:
0x95: {  	v32 =	vadd.f32 v63, v7;
	v12 =	vadd.f32 v0, v8;
	v62 =	vld [tilespmem:s2+$0xFFFFFF60];
	(pc) =	sbr.rel @p0 .LBB2_4-.Ltmp0, $4  }
0x96: {  	v13 =	vadd.f32 v1, v13;
	v63 =	vld [tilespmem:s2+$0xFFFFFF70];
	v9 =	vadd.f32 v4, v9  }
0x97: {  	v1 =	vadd.f32 v18, v37;
	v7 =	vadd.f32 v10, v30;
	v0 =	vld [tilespmem:s2+$0xFFFFFF80]  }
0x98: {  	v55 =	vadd.f32 v3, v55;
	v2 =	vadd.f32 v19, v2;
	v4 =	vld [tilespmem:s2+$0xFFFFFFF0]  }
0x99: {  	v37 =	vadd.f32 v5, v1;
	v30 =	vadd.f32 v6, v7;
	v1 =	vld [tilespmem:s2+$0x0];
	s2 =	sadd.s32 $0x100, s2  }
0x9a: {  	v56 =	vadd.f32 v48, v55;
	v55 =	vadd.f32 v51, v2  }
0x9b: {  	v2 =	vadd.f32 v61, v54;
	v3 =	vadd.f32 v62, v58;
	v6 =	vshll.u32 v49, $0x10  }
0x9c: {  	v7 =	vand.u32 $0xFFFF0000, v49;
	v5 =	vadd.f32 v63, v59;
	v6 =	vadd.f32 $0.0e+00, v6  }
0x9d: {  	v7 =	vadd.f32 $0.0e+00, v7;
	v0 =	vadd.f32 v0, v60  }
0x9e: {  	v8 =	vshll.u32 v47, $0x10;
	v54 =	vadd.f32 v44, v2;
	v63 =	vadd.f32 v57, v3  }
0x9f: {  	s30 =	sor.u32 $0x1, s31;
	v2 =	vshll.u32 v52, $0x10;
	v3 =	vand.u32 $0xFFFF0000, v52;
	v48 =	vadd.f32 v4, v5  }
0xa0: {  	s0 =	sor.u32 s28, s30;
	v2 =	vadd.f32 $0.0e+00, v2;
	v4 =	vshll.u32 v50, $0x10;
	v3 =	vadd.f32 $0.0e+00, v3  }
0xa1: {  	p0 =	sgt.u32 s0, $0x7E;
	v5 =	vand.u32 $0xFFFF0000, v50;
	v44 =	vadd.f32 v1, v0;
	v0 =	vshll.u32 v53, $0x10  }
0xa2: {  	s2 =	smul.u32 @!p0 $0x38, s0;
	v1 =	vand.u32 $0xFFFF0000, v53;
	v4 =	vadd.f32 $0.0e+00, v4;
	v0 =	vadd.f32 $0.0e+00, v0  }
0xa3: {  	v10 =	vshll.u32 v46, $0x10;
	s13 =	simm.s32 @!p0 $0x32;
	v5 =	vadd.f32 $0.0e+00, v5;
	v1 =	vadd.f32 $0.0e+00, v1  }
0xa4: {  	s15 =	simm.s32 @!p0 $0x13610;
	s0 =	sshll.u32 s0, $0x3;
	s12 =	sadd.s32 @!p0 $0x38, s2;
	v2 =	vadd.f32 v10, v2;
	v0 =	vadd.f32 v8, v0;
	v8 =	vand.u32 $0xFFFF0000, v47  }
0xa5: {  	v10 =	vand.u32 $0xFFFF0000, v45;
	[tilespmem:s15], [sflag:$0x1] =	stream.indirect.gather @!p0 [hbm4b:s1+s13], $0x80, s12, s13, $0xb8;
	v1 =	vadd.f32 v8, v1;
	v8 =	vand.u32 $0xFFFF0000, v46;
	[tilespmem:$0x19A90] =	vst v63  }
0xa6: {  	s0 =	sand.u32 $0x3FFFFFF8, s0;
	s2 =	sadd.s32 @!p0 $0x1C38, s2;
	s12 =	simm.s32 @!p0 $0x14F10;
	v5 =	vadd.f32 v10, v5;
	v3 =	vadd.f32 v8, v3;
	v8 =	vshll.u32 v45, $0x10  }
0xa7: {  	v10 =	vshll.u32 v42, $0x10;
	[tilespmem:s12], [sflag:$0x3] =	stream.indirect.gather @!p0 [hbm4b:s1+s13], $0x80, s2, s13, $0xb8;
	v4 =	vadd.f32 v8, v4;
	v8 =	vshll.u32 v43, $0x10;
	[tilespmem:$0x19A90] =	vst v63  }
0xa8: {  	v0 =	vadd.f32 v10, v0;
	v10 =	vld [tilespmem:s0+$0x3800];
	v6 =	vadd.f32 v8, v6;
	v8 =	vand.u32 $0xFFFF0000, v43  }
0xa9: {  	v7 =	vadd.f32 v8, v7;
	v8 =	vand.u32 $0xFFFF0000, v42  }
0xaa: {  	v1 =	vadd.f32 v8, v1;
	v8 =	vshll.u32 v41, $0x10  }
0xab: {  	v2 =	vadd.f32 v8, v2;
	v8 =	vshll.u32 v40, $0x10  }
0xac: {  	v4 =	vadd.f32 v8, v4;
	v8 =	vand.u32 $0xFFFF0000, v40  }
0xad: {  	v10 =	vshll.u32 v10, $0x8;
	v5 =	vadd.f32 v8, v5;
	v8 =	vand.u32 $0xFFFF0000, v39  }
0xae: {  	v7 =	vadd.f32 v8, v7;
	v8 =	vshra.s32 v10, $0x2  }
0xaf: {  	v16 =	vand.u32 $0xFFFF0000, v41;
	(v2sf) =	vpush v8, $0x0  }
0xb0: {  	v3 =	vadd.f32 v16, v3;
	v16 =	vshll.u32 v39, $0x10  }
0xb1: {  	v6 =	vadd.f32 v16, v6;
	v16 =	vshll.u32 v38, $0x10  }
0xb2: {  	v0 =	vadd.f32 v16, v0;
	v10 =	vand.u32 $0xFFFF0000, v38  }
0xb3: {  	v16 =	vshll.u32 v36, $0x10;
	v1 =	vadd.f32 v10, v1;
	v10 =	vand.u32 $0xFFFF0000, v36  }
0xb4: {  	v2 =	vadd.f32 v16, v2;
	v3 =	vadd.f32 v10, v3;
	v10 =	vshll.u32 v35, $0x10  }
0xb5: {  	v16 =	vand.u32 $0xFFFF0000, v35;
	v4 =	vadd.f32 v10, v4;
	v10 =	vshll.u32 v34, $0x10  }
0xb6: {  	v5 =	vadd.f32 v16, v5;
	v6 =	vadd.f32 v10, v6;
	v10 =	vshll.u32 v33, $0x10  }
0xb7: {  	v16 =	vand.u32 $0xFFFF0000, v34;
	v0 =	vadd.f32 v10, v0;
	v10 =	vand.u32 $0xFFFF0000, v33  }
0xb8: {  	v7 =	vadd.f32 v16, v7;
	v1 =	vadd.f32 v10, v1;
	v10 =	vand.u32 $0xFFFF0000, v28  }
0xb9: {  	v16 =	vshll.u32 v28, $0x10;
	v3 =	vadd.f32 v10, v3;
	v10 =	vand.u32 $0xFFFF0000, v27  }
0xba: {  	v2 =	vadd.f32 v16, v2;
	v5 =	vadd.f32 v10, v5;
	v10 =	vshll.u32 v24, $0x10  }
0xbb: {  	v16 =	vshll.u32 v27, $0x10;
	v6 =	vadd.f32 v10, v6;
	v10 =	vshll.u32 v23, $0x10  }
0xbc: {  	v4 =	vadd.f32 v16, v4;
	v0 =	vadd.f32 v10, v0;
	v10 =	vshll.u32 v15, $0x10  }
0xbd: {  	v2 =	vadd.f32 v10, v2;
	v10 =	vand.u32 $0xFFFF0000, v15;
	v15 =	vshll.u32 v14, $0x10  }
0xbe: {  	v3 =	vadd.f32 v10, v3;
	v4 =	vadd.f32 v15, v4;
	v10 =	vand.u32 $0xFFFF0000, v14;
	s13 =	spop (v2sf)  }
0xbf: {  	v15 =	vshll.u32 v11, $0x10;
	v5 =	vadd.f32 v10, v5;
	v10 =	vand.u32 $0xFFFF0000, v11;
	v11 =	vld [tilespmem:s13+$0x3C20];
	_ =	sdelay $0x4  }
0xc0: {  	[tilespmem:$0x1FE80] =	vst v11;
	v11 =	vld [tilespmem:$0x1FF40];
	_ =	sdelay $0x1  }
0xc1: {  	v16 =	vand.u32 $0xFFFF0000, v24  }
0xc2: {  	v7 =	vadd.f32 v16, v7;
	_ =	sdelay $0x1  }
0xc3: {  	v7 =	vadd.f32 v10, v7;
	v10 =	vshll.u32 v11, $0x10  }
0xc4: {  	v0 =	vadd.f32 v10, v0;
	v10 =	vld [tilespmem:s13+$0x3C40];
	_ =	sdelay $0x4  }
0xc5: {  	[tilespmem:$0x1FEA0] =	vst v10;
	v10 =	vld [tilespmem:$0x1FF50]  }
0xc6: {  	(v2sf) =	vpush v8, $0x1  }
0xc7: {  	v16 =	vand.u32 $0xFFFF0000, v23  }
0xc8: {  	v1 =	vadd.f32 v16, v1  }
0xc9: {  	v16 =	vand.u32 $0xFFFF0000, v11  }
0xca: {  	v1 =	vadd.f32 v16, v1;
	v16 =	vshll.u32 v10, $0x10;
	v17 =	vand.u32 $0xFFFF0000, v10;
	v10 =	vld [tilespmem:$0x1FF60]  }
0xcb: {  	(v2sf) =	vpush v8, $0x2;
	_ =	sdelay $0x3  }
0xcc: {  	v2 =	vadd.f32 v16, v2;
	v16 =	vshll.u32 v10, $0x10  }
0xcd: {  	v4 =	vadd.f32 v16, v4;
	v16 =	vand.u32 $0xFFFF0000, v10;
	v10 =	vld [tilespmem:$0x1FF70];
	_ =	sdelay $0x3  }
0xce: {  	v6 =	vadd.f32 v15, v6  }
0xcf: {  	s15 =	spop (v2sf);
	v3 =	vadd.f32 v17, v3;
	v17 =	vshll.u32 v10, $0x10  }
0xd0: {  	v6 =	vadd.f32 v17, v6;
	v17 =	vand.u32 $0xFFFF0000, v10;
	v10 =	vld [tilespmem:s15+$0x3C40];
	_ =	sdelay $0x3  }
0xd1: {  	s2 =	spop (v2sf)  }
0xd2: {  	[tilespmem:$0x1FEB0] =	vst v10;
	v10 =	vld [tilespmem:s2+$0x3C10];
	_ =	sdelay $0x2  }
0xd3: {  	(v2sf) =	vpush v8, $0x3  }
0xd4: {  	v11 =	vld [tilespmem:s13+$0x3C30]  }
0xd5: {  	(v2sf) =	vpush v8, $0x4;
	[tilespmem:$0x1FEC0] =	vst v10;
	v10 =	vld [tilespmem:$0x1FF90];
	_ =	sdelay $0x2  }
0xd6: {  	(v2sf) =	vpush v8, $0x5;
	_ =	sdelay $0x1  }
0xd7: {  	[tilespmem:$0x1FE90] =	vst v11;
	v11 =	vld [tilespmem:$0x1FF80];
	v20 =	vshll.u32 v10, $0x10  }
0xd8: {  	v2 =	vadd.f32 v20, v2;
	v20 =	vand.u32 $0xFFFF0000, v10;
	v10 =	vld [tilespmem:$0x1FFA0];
	_ =	sdelay $0x2  }
0xd9: {  	v14 =	vld [tilespmem:s13+$0x3C10];
	(v2sf) =	vpush v8, $0x6  }
0xda: {  	v42 =	vld [tilespmem:s15+$0x3C10];
	v19 =	vshll.u32 v11, $0x10  }
0xdb: {  	v0 =	vadd.f32 v19, v0;
	v21 =	vshll.u32 v10, $0x10;
	v25 =	vand.u32 $0xFFFF0000, v10;
	v10 =	vld [tilespmem:$0x1FFB0]  }
0xdc: {  	v50 =	vmul.f32 $1.999999960e-02, v26;
	v27 =	vmul.f32 $1.999999960e-02, v37;
	v41 =	vld [tilespmem:s15+$0x3C20]  }
0xdd: {  	v18 =	vld [tilespmem:s15+$0x3C30];
	s12 =	spop (v2sf);
	(v2sf) =	vpush v8, $0x7;
	v19 =	vand.u32 $0xFFFF0000, v11;
	v0 =	vmul.f32 $1.250000000e-01, v0  }
0xde: {  	v59 =	vmul.f32 $1.999999960e-02, v31;
	v23 =	vld [tilespmem:s2+$0x3C20];
	v1 =	vadd.f32 v19, v1;
	v5 =	vadd.f32 v16, v5  }
0xdf: {  	v57 =	vmul.f32 v50, v50;
	v24 =	vld [tilespmem:s12+$0x3C10];
	s13 =	spop (v2sf);
	v0 =	vadd.f32 v27, v0;
	v4 =	vadd.f32 v21, v4  }
0xe0: {  	v26 =	vld [tilespmem:s13+$0x3C20];
	v5 =	vadd.f32 v25, v5;
	v25 =	vmul.f32 $1.999999960e-02, v22;
	v8 =	vshll.u32 v10, $0x10  }
0xe1: {  	v19 =	vld [tilespmem:s2+$0x3C30];
	v2 =	vmul.f32 $1.250000000e-01, v2;
	v6 =	vadd.f32 v8, v6;
	v8 =	vmul.f32 $1.999999960e-02, v30  }
0xe2: {  	v27 =	vld [tilespmem:s12+$0x3C40];
	s15 =	spop (v2sf);
	v49 =	vmul.f32 v25, v25;
	v4 =	vmul.f32 $1.250000000e-01, v4  }
0xe3: {  	v33 =	vld [tilespmem:s15+$0x3C20];
	v30 =	vmul.f32 v0, v25;
	v2 =	vadd.f32 v8, v2;
	v8 =	vmul.f32 $1.999999960e-02, v56  }
0xe4: {  	v31 =	vld [tilespmem:s15+$0x3C30];
	v0 =	vmul.f32 v0, v0;
	v56 =	vmul.f32 $1.999999960e-02, v29  }
0xe5: {  	v34 =	vld [tilespmem:s15+$0x3C40];
	v6 =	vmul.f32 $1.250000000e-01, v6;
	v4 =	vadd.f32 v8, v4;
	v8 =	vmul.f32 $1.999999960e-02, v55  }
0xe6: {  	v3 =	vadd.f32 v20, v3;
	v20 =	vld [tilespmem:s2+$0x3C40];
	v53 =	vmul.f32 v2, v50;
	v2 =	vmul.f32 v2, v2  }
0xe7: {  	v32 =	vmul.f32 $1.999999960e-02, v32;
	v1 =	vmul.f32 $1.250000000e-01, v1;
	v21 =	vld [tilespmem:s12+$0x3C20];
	v6 =	vadd.f32 v8, v6  }
0xe8: {  	v22 =	vld [tilespmem:s12+$0x3C30];
	s12 =	spop (v2sf);
	v8 =	vadd.f32 v57, v49;
	v0 =	vadd.f32 v2, v0;
	v2 =	vmul.f32 v56, v56  }
0xe9: {  	v7 =	vadd.f32 v17, v7;
	v3 =	vmul.f32 $1.250000000e-01, v3;
	v37 =	vld [tilespmem:s12+$0x3C10];
	v52 =	vadd.f32 $0.0e+00, v30  }
0xea: {  	v36 =	vld [tilespmem:s12+$0x3C30];
	v28 =	vand.u32 $0xFFFF0000, v10;
	v2 =	vadd.f32 v2, v8;
	v8 =	vmul.f32 $1.999999960e-02, v54  }
0xeb: {  	v25 =	vld [tilespmem:s13+$0x3C10];
	v7 =	vadd.f32 v28, v7;
	v35 =	vadd.f32 v53, v52;
	v58 =	vmul.f32 v4, v56  }
0xec: {  	v28 =	vld [tilespmem:s13+$0x3C30];
	v4 =	vmul.f32 v4, v4;
	v1 =	vadd.f32 v8, v1;
	v8 =	vmul.f32 $1.999999960e-02, v63  }
0xed: {  	v13 =	vmul.f32 $1.999999960e-02, v13;
	v29 =	vld [tilespmem:s13+$0x3C40];
	s13 =	spop (v2sf);
	v60 =	vadd.f32 v58, v35;
	v61 =	vmul.f32 v6, v59  }
0xee: {  	v0 =	vadd.f32 v4, v0;
	v6 =	vmul.f32 v6, v6;
	v3 =	vadd.f32 v8, v3;
	v8 =	vld [tilespmem:s13+$0x3C40]  }
0xef: {  	v9 =	vmul.f32 $1.999999960e-02, v9;
	v39 =	vmul.f32 v59, v59;
	v38 =	vld [tilespmem:s12+$0x3C40]  }
0xf0: {  	v30 =	vld [tilespmem:s15+$0x3C10];
	v4 =	vadd.f32 v61, v60;
	v0 =	vadd.f32 v6, v0;
	v6 =	vmul.f32 v1, v32  }
0xf1: {  	v40 =	vld [tilespmem:s13+$0x3C20];
	v63 =	vmul.f32 $1.999999960e-02, v12;
	v1 =	vmul.f32 v1, v1  }
0xf2: {  	[tilespmem:$0x1FE70] =	vst v14;
	v5 =	vmul.f32 $1.250000000e-01, v5;
	v35 =	vld [tilespmem:s12+$0x3C20];
	v4 =	vadd.f32 v6, v4;
	v6 =	vmul.f32 $1.999999960e-02, v48  }
0xf3: {  	v2 =	vadd.f32 v39, v2;
	v39 =	vld [tilespmem:s13+$0x3C10];
	v0 =	vadd.f32 v1, v0;
	v1 =	vmul.f32 v3, v63;
	[tilespmem:$0x1FED0] =	vst v8  }
0xf4: {  	v62 =	vmul.f32 v32, v32;
	v32 =	vld [tilespmem:s13+$0x3C30];
	v3 =	vmul.f32 v3, v3;
	v5 =	vadd.f32 v6, v5;
	_ =	swait.ge [sflag:s22], $0x1900  }
0xf5: {  	v1 =	vadd.f32 v1, v4;
	v4 =	vmul.f32 $1.999999960e-02, v44;
	v6 =	vmul.f32 $1.250000000e-01, v7;
	[sflag:s22] =	ssyncset.done $0x0  }
0xf6: {  	v2 =	vadd.f32 v62, v2;
	v0 =	vadd.f32 v3, v0;
	v8 =	vmul.f32 v63, v63;
	[sflag:s22] =	ssyncadd.s32 $0xFFFFE700  }
0xf7: {  	v7 =	vmul.f32 v5, v13;
	v4 =	vadd.f32 v4, v6;
	v3 =	vmul.f32 v5, v5;
	_ =	swait.ge [sflag:s23], $0x1900  }
0xf8: {  	v2 =	vadd.f32 v8, v2;
	v8 =	vmul.f32 v13, v13;
	v10 =	vld [tilespmem:$0x1FFC0]  }
0xf9: {  	v1 =	vadd.f32 v7, v1;
	v5 =	vmul.f32 v4, v9;
	v0 =	vadd.f32 v3, v0  }
0xfa: {  	v3 =	vmul.f32 v9, v9;
	v4 =	vmul.f32 v4, v4;
	v2 =	vadd.f32 v8, v2  }
0xfb: {  	v1 =	vadd.f32 v5, v1  }
0xfc: {  	v0 =	vadd.f32 v4, v0;
	v2 =	vadd.f32 v3, v2  }
0xfd: {  	v4 =	vperm.xlane v1, v10  }
0xfe: {  	v9 =	vperm.xlane v2, v10;
	v13 =	vperm.xlane v0, v10;
	v10 =	vld [tilespmem:$0x1FFD0];
	_ =	sdelay $0x1  }
0xff: {  	[sflag:s23] =	ssyncset.done $0x0  }
0x100: {  	s15 =	simm.s32 $0x18200;
	[sflag:s23] =	ssyncadd.s32 $0xFFFFE700;
	v1 =	vadd.f32 v4, v1  }
0x101: {  	v6 =	vld [tilespmem:s15+$0xFFFFE690];
	v2 =	vadd.f32 v9, v2;
	v0 =	vadd.f32 v13, v0  }
0x102: {  	v7 =	vld [tilespmem:s15+$0xFFFFE6A0];
	v13 =	vperm.xlane v1, v10  }
0x103: {  	v48 =	vperm.xlane v2, v10;
	v50 =	vperm.xlane v0, v10;
	v10 =	vld [tilespmem:$0x1FFE0]  }
0x104: {  	v5 =	vld [tilespmem:s15+$0xFFFFE6B0]  }
0x105: {  	v3 =	vld [tilespmem:s15+$0xFFFFE6C0]  }
0x106: {  	v8 =	vld [tilespmem:s15+$0xFFFFE6D0];
	v1 =	vadd.f32 v13, v1  }
0x107: {  	v43 =	vld [tilespmem:s15+$0xFFFFE6E0];
	v2 =	vadd.f32 v48, v2;
	v0 =	vadd.f32 v50, v0  }
0x108: {  	v49 =	vld [tilespmem:s15+$0xFFFFFF90];
	v13 =	vperm.xlane v1, v10  }
0x109: {  	v44 =	vperm.xlane v2, v10;
	v45 =	vperm.xlane v0, v10;
	v10 =	vld [tilespmem:$0x1FFF0]  }
0x10a: {  	v56 =	vld [tilespmem:s15+$0xFFFFFFA0]  }
0x10b: {  	v52 =	vld [tilespmem:s15+$0xFFFFFFB0]  }
0x10c: {  	v46 =	vld [tilespmem:s15+$0xFFFFE610];
	v0 =	vadd.f32 v45, v0  }
0x10d: {  	v61 =	vld [tilespmem:s15+$0xFFFFE640]  }
0x10e: {  	v55 =	vld [tilespmem:s15+$0xFFFFE650];
	v63 =	vperm.xlane v0, v10  }
0x10f: {  	v1 =	vadd.f32 v13, v1;
	v13 =	vld [tilespmem:s15+$0xFFFFE620]  }
0x110: {  	v50 =	vadd.f32 v63, v0;
	v0 =	vld [tilespmem:s15+$0xFFFFE670]  }
0x111: {  	v53 =	vimm.f32 $0.0e+00;
	v2 =	vadd.f32 v44, v2;
	v44 =	vld [tilespmem:s15+$0xFFFFE630]  }
0x112: {  	v4 =	vld [tilespmem:s15+$0xFFFFE6F0];
	v59 =	vadd.f32 v61, v53;
	v48 =	vadd.f32 v46, v53  }
0x113: {  	v57 =	vld [tilespmem:s15+$0xFFFFE660]  }
0x114: {  	v54 =	vld [tilespmem:s15+$0xFFFFFFC0];
	v48 =	vadd.f32 v6, v48;
	v45 =	vadd.f32 v3, v59  }
0x115: {  	v51 =	vld [tilespmem:s15+$0xFFFFFFD0];
	v13 =	vadd.f32 v13, v53;
	v0 =	vadd.f32 v0, v53  }
0x116: {  	v58 =	vld [tilespmem:s15+$0xFFFFE680];
	v3 =	vadd.f32 v55, v53;
	v44 =	vadd.f32 v44, v53  }
0x117: {  	v60 =	vperm.xlane v1, v10;
	v47 =	vadd.f32 v7, v13;
	v13 =	vadd.f32 v4, v0;
	v0 =	vld [tilespmem:$0x1FF30]  }
0x118: {  	v9 =	vld [tilespmem:s15+$0xFFFFE700];
	v46 =	vadd.f32 v5, v44;
	v5 =	vadd.f32 v57, v53  }
0x119: {  	v61 =	vld [tilespmem:s15+$0xFFFFFF50];
	v1 =	vadd.f32 v60, v1;
	v44 =	vadd.f32 v8, v3  }
0x11a: {  	v6 =	vld [tilespmem:s15+$0xFFFFFF20];
	v3 =	vmov s31;
	v43 =	vadd.f32 v43, v5;
	v5 =	vlaneseq.u32  }
0x11b: {  	v55 =	vld [tilespmem:s15+$0xFFFFFF40];
	vm0 =	veq.s32 v3, v5  }
0x11c: {  	v60 =	vld [tilespmem:s15+$0xFFFFFF10];
	v0 =	vsel vm0, v1, v0  }
0x11d: {  	[tilespmem:$0x1FEE0] =	vst v0;
	v0 =	vld [tilespmem:$0x1FF10]  }
0x11e: {  	v62 =	vperm.xlane v2, v10;
	v7 =	vld [tilespmem:s15+$0xFFFFFF30]  }
0x11f: {  	v3 =	vld [tilespmem:$0x1FF20]  }
0x120: {  	v58 =	vadd.f32 v58, v53;
	v2 =	vadd.f32 v62, v2;
	v62 =	vld [tilespmem:s15+$0xFFFFFF60]  }
0x121: {  	v63 =	vld [tilespmem:s15+$0xFFFFFF70]  }
0x122: {  	v9 =	vadd.f32 v9, v58;
	v58 =	vimm.f32 $0.0e+00;
	v57 =	vld [tilespmem:s15+$0xFFFFFFE0];
	v0 =	vsel vm0, v2, v0  }
0x123: {  	v59 =	vimm.f32 $0.0e+00;
	v5 =	vadd.f32 v6, v53;
	v1 =	vadd.f32 v60, v53;
	[tilespmem:$0x1FEF0] =	vst v0;
	v0 =	vld [tilespmem:s15+$0xFFFFFF80]  }
0x124: {  	v55 =	vadd.f32 v55, v53;
	v4 =	vld [tilespmem:s15+$0xFFFFFFF0];
	v3 =	vsel vm0, v50, v3;
	v2 =	vadd.f32 v7, v53  }
0x125: {  	s2 =	simm.s32 $0x18300;
	s31 =	simm.s32 $0x0;
	[tilespmem:$0x1FF00] =	vst v3;
	v60 =	vimm.f32 $0.0e+00;
	v50 =	vadd.f32 v49, v1;
	v49 =	vadd.f32 v56, v5;
	v1 =	vld [tilespmem:s15+$0x0]  }
.LBB2_6:
0x126: {  	v5 =	vld [tilespmem:s2+$0xFFFFE690];
	v2 =	vadd.f32 v52, v2;
	v6 =	vadd.f32 v54, v55  }
0x127: {  	v52 =	vadd.f32 v61, v53;
	v54 =	vadd.f32 v62, v58;
	v55 =	vld [tilespmem:s2+$0xFFFFE6A0]  }
0x128: {  	v59 =	vadd.f32 v63, v59;
	v56 =	vld [tilespmem:s2+$0xFFFFE6B0];
	v0 =	vadd.f32 v0, v60  }
0x129: {  	v53 =	vadd.f32 v51, v52;
	v58 =	vadd.f32 v57, v54;
	v61 =	vld [tilespmem:s2+$0xFFFFE6C0]  }
0x12a: {  	v59 =	vadd.f32 v4, v59;
	v63 =	vld [tilespmem:s2+$0xFFFFE6D0];
	v60 =	vadd.f32 v1, v0  }
0x12b: {  	v0 =	vld [tilespmem:s2+$0xFFFFE6E0]  }
0x12c: {  	v1 =	vld [tilespmem:s2+$0xFFFFE6F0]  }
0x12d: {  	v4 =	vld [tilespmem:s2+$0xFFFFE700]  }
0x12e: {  	v3 =	vld [tilespmem:s2+$0xFFFFFF90]  }
0x12f: {  	v8 =	vld [tilespmem:s2+$0xFFFFFFA0]  }
0x130: {  	v52 =	vld [tilespmem:s2+$0xFFFFFFB0]  }
0x131: {  	v54 =	vld [tilespmem:s2+$0xFFFFFFC0]  }
0x132: {  	v51 =	vld [tilespmem:s2+$0xFFFFFFD0]  }
0x133: {  	v57 =	vld [tilespmem:s2+$0xFFFFFFE0]  }
0x134: {  	v62 =	vld [tilespmem:s2+$0xFFFFE610]  }
0x135: {  	v7 =	vld [tilespmem:s2+$0xFFFFE620]  }
0x136: {  	v10 =	vld [tilespmem:s2+$0xFFFFE630]  }
0x137: {  	v11 =	vld [tilespmem:s2+$0xFFFFE640]  }
0x138: {  	v12 =	vld [tilespmem:s2+$0xFFFFE650]  }
0x139: {  	v14 =	vld [tilespmem:s2+$0xFFFFE660]  }
0x13a: {  	v15 =	vld [tilespmem:s2+$0xFFFFE670]  }
0x13b: {  	v48 =	vadd.f32 v62, v48;
	v7 =	vadd.f32 v7, v47;
	v62 =	vld [tilespmem:s2+$0xFFFFE680]  }
0x13c: {  	v10 =	vadd.f32 v10, v46;
	v11 =	vadd.f32 v11, v45;
	v16 =	vld [tilespmem:s2+$0xFFFFFF10]  }
0x13d: {  	v48 =	vadd.f32 v5, v48;
	v47 =	vadd.f32 v55, v7;
	v17 =	vld [tilespmem:s2+$0xFFFFFF20]  }
0x13e: {  	v46 =	vadd.f32 v56, v10;
	v5 =	vld [tilespmem:s2+$0xFFFFFF30];
	v45 =	vadd.f32 v61, v11  }
0x13f: {  	s31 =	sadd.s32 $0x2, s31;
	v7 =	vadd.f32 v12, v44;
	v10 =	vadd.f32 v14, v43;
	v11 =	vld [tilespmem:s2+$0xFFFFFF40]  }
0x140: {  	p0 =	slt.u32 s31, $0x30;
	v12 =	vadd.f32 v15, v13;
	v9 =	vadd.f32 v62, v9;
	v61 =	vld [tilespmem:s2+$0xFFFFFF50]  }
.Ltmp1:
0x141: {  	v44 =	vadd.f32 v63, v7;
	v43 =	vadd.f32 v0, v10;
	v62 =	vld [tilespmem:s2+$0xFFFFFF60];
	(pc) =	sbr.rel @p0 .LBB2_6-.Ltmp1, $4  }
0x142: {  	v13 =	vadd.f32 v1, v12;
	v63 =	vld [tilespmem:s2+$0xFFFFFF70];
	v9 =	vadd.f32 v4, v9  }
0x143: {  	v1 =	vadd.f32 v16, v50;
	v7 =	vadd.f32 v17, v49;
	v0 =	vld [tilespmem:s2+$0xFFFFFF80]  }
0x144: {  	v2 =	vadd.f32 v5, v2;
	v55 =	vadd.f32 v11, v6;
	v4 =	vld [tilespmem:s2+$0xFFFFFFF0]  }
0x145: {  	v50 =	vadd.f32 v3, v1;
	v49 =	vadd.f32 v8, v7;
	v1 =	vld [tilespmem:s2+$0x0];
	s2 =	sadd.s32 $0x100, s2  }
0x146: {  	v56 =	vadd.f32 v52, v2  }
0x147: {  	v55 =	vadd.f32 v54, v55;
	v2 =	vadd.f32 v61, v53  }
0x148: {  	v3 =	vadd.f32 v62, v58;
	v8 =	vand.u32 $0xFFFF0000, v18;
	v62 =	vshll.u32 v23, $0x10  }
0x149: {  	v6 =	vld [tilespmem:$0x1FE90];
	v12 =	vshll.u32 v19, $0x10;
	v14 =	vand.u32 $0xFFFF0000, v19;
	v15 =	vshll.u32 v20, $0x10  }
0x14a: {  	v10 =	vld [tilespmem:$0x1FEB0];
	v16 =	vand.u32 $0xFFFF0000, v20;
	v17 =	vshll.u32 v24, $0x10;
	v19 =	vshll.u32 v21, $0x10  }
0x14b: {  	v11 =	vld [tilespmem:$0x1FEC0];
	v20 =	vand.u32 $0xFFFF0000, v21;
	v21 =	vshll.u32 v22, $0x10;
	v0 =	vadd.f32 v0, v60  }
0x14c: {  	v5 =	vadd.f32 v63, v59;
	v63 =	vand.u32 $0xFFFF0000, v23;
	v53 =	vadd.f32 v57, v3;
	v3 =	vld [tilespmem:$0x1FE80]  }
0x14d: {  	v23 =	vand.u32 $0xFFFF0000, v22;
	v54 =	vadd.f32 v51, v2;
	v51 =	vadd.f32 v1, v0;
	v1 =	vld [tilespmem:$0x1FE70]  }
0x14e: {  	v22 =	vshll.u32 v35, $0x10;
	v57 =	vshll.u32 v26, $0x10;
	v52 =	vadd.f32 v4, v5  }
0x14f: {  	v4 =	vshll.u32 v42, $0x10;
	v5 =	vshll.u32 v6, $0x10;
	v6 =	vand.u32 $0xFFFF0000, v6  }
0x150: {  	v54 =	vmul.f32 $1.999999960e-02, v54;
	v58 =	vshll.u32 v10, $0x10;
	v6 =	vadd.f32 $0.0e+00, v6  }
0x151: {  	v59 =	vand.u32 $0xFFFF0000, v10;
	v60 =	vshll.u32 v11, $0x10;
	v61 =	vand.u32 $0xFFFF0000, v11  }
0x152: {  	v2 =	vshll.u32 v3, $0x10;
	v6 =	vadd.f32 v8, v6;
	v0 =	vshll.u32 v1, $0x10  }
0x153: {  	v3 =	vand.u32 $0xFFFF0000, v3;
	v2 =	vadd.f32 $0.0e+00, v2;
	v0 =	vadd.f32 $0.0e+00, v0  }
0x154: {  	v3 =	vadd.f32 $0.0e+00, v3;
	v1 =	vand.u32 $0xFFFF0000, v1;
	v6 =	vadd.f32 v14, v6  }
0x155: {  	v1 =	vadd.f32 $0.0e+00, v1;
	v14 =	vshll.u32 v33, $0x10;
	v0 =	vadd.f32 v4, v0  }
0x156: {  	v4 =	vand.u32 $0xFFFF0000, v42;
	v6 =	vadd.f32 v23, v6;
	v42 =	vand.u32 $0xFFFF0000, v25  }
0x157: {  	v23 =	vand.u32 $0xFFFF0000, v35;
	v1 =	vadd.f32 v4, v1;
	v4 =	vshll.u32 v41, $0x10  }
0x158: {  	v35 =	vand.u32 $0xFFFF0000, v32;
	v2 =	vadd.f32 v4, v2;
	v4 =	vadd.f32 $0.0e+00, v5  }
0x159: {  	v7 =	vld [tilespmem:$0x1FEA0];
	v5 =	vand.u32 $0xFFFF0000, v41;
	v0 =	vadd.f32 v60, v0;
	v41 =	vshll.u32 v25, $0x10  }
0x15a: {  	v60 =	vand.u32 $0xFFFF0000, v28;
	v25 =	vand.u32 $0xFFFF0000, v36;
	v3 =	vadd.f32 v5, v3  }
0x15b: {  	v5 =	vshll.u32 v18, $0x10;
	v1 =	vadd.f32 v61, v1;
	v18 =	vand.u32 $0xFFFF0000, v24  }
0x15c: {  	v24 =	vshll.u32 v27, $0x10;
	v27 =	vand.u32 $0xFFFF0000, v27;
	v6 =	vadd.f32 v60, v6  }
0x15d: {  	v61 =	vshll.u32 v29, $0x10;
	v60 =	vmul.f32 $1.999999960e-02, v13;
	v4 =	vadd.f32 v5, v4  }
0x15e: {  	v5 =	vshll.u32 v7, $0x10;
	v7 =	vand.u32 $0xFFFF0000, v7;
	v2 =	vadd.f32 v62, v2  }
0x15f: {  	v0 =	vadd.f32 v17, v0;
	v62 =	vand.u32 $0xFFFF0000, v29;
	v17 =	vand.u32 $0xFFFF0000, v31  }
0x160: {  	v29 =	vand.u32 $0xFFFF0000, v39;
	v5 =	vadd.f32 $0.0e+00, v5;
	v7 =	vadd.f32 $0.0e+00, v7  }
0x161: {  	v3 =	vadd.f32 v63, v3;
	v1 =	vadd.f32 v18, v1;
	v63 =	vshll.u32 v30, $0x10  }
0x162: {  	v18 =	vshll.u32 v34, $0x10;
	v6 =	vadd.f32 v17, v6;
	v4 =	vadd.f32 v12, v4  }
0x163: {  	v2 =	vadd.f32 v19, v2;
	v0 =	vadd.f32 v41, v0;
	v12 =	vand.u32 $0xFFFF0000, v30  }
0x164: {  	v19 =	vand.u32 $0xFFFF0000, v34;
	v30 =	vshll.u32 v40, $0x10;
	v34 =	vmul.f32 $1.999999960e-02, v50  }
0x165: {  	v41 =	vmul.f32 $1.999999960e-02, v56;
	v5 =	vadd.f32 v58, v5;
	v7 =	vadd.f32 v59, v7  }
0x166: {  	v56 =	vmul.f32 $1.999999960e-02, v44;
	v3 =	vadd.f32 v20, v3;
	v1 =	vadd.f32 v42, v1  }
0x167: {  	v58 =	vand.u32 $0xFFFF0000, v26;
	v59 =	vshll.u32 v28, $0x10;
	v20 =	vshll.u32 v37, $0x10  }
0x168: {  	v6 =	vadd.f32 v25, v6;
	v26 =	vshll.u32 v38, $0x10;
	v4 =	vadd.f32 v21, v4  }
0x169: {  	v28 =	vshll.u32 v39, $0x10;
	v2 =	vadd.f32 v57, v2;
	v0 =	vadd.f32 v63, v0  }
0x16a: {  	v21 =	vand.u32 $0xFFFF0000, v37;
	v5 =	vadd.f32 v15, v5;
	v7 =	vadd.f32 v16, v7  }
0x16b: {  	v57 =	vmul.f32 $1.999999960e-02, v53;
	v3 =	vadd.f32 v58, v3;
	v1 =	vadd.f32 v12, v1  }
0x16c: {  	v15 =	vand.u32 $0xFFFF0000, v33;
	v16 =	vshll.u32 v31, $0x10;
	v31 =	vand.u32 $0xFFFF0000, v40  }
0x16d: {  	v33 =	vshll.u32 v32, $0x10;
	v12 =	vmul.f32 $1.999999960e-02, v49;
	v6 =	vadd.f32 v35, v6  }
0x16e: {  	v40 =	vmul.f32 $1.999999960e-02, v47;
	v47 =	vmul.f32 $1.999999960e-02, v55;
	v4 =	vadd.f32 v59, v4  }
0x16f: {  	v49 =	vmul.f32 $1.999999960e-02, v45;
	v2 =	vadd.f32 v14, v2;
	v0 =	vadd.f32 v20, v0  }
0x170: {  	v58 =	vmul.f32 $1.999999960e-02, v43;
	v5 =	vadd.f32 v24, v5;
	v7 =	vadd.f32 v27, v7  }
0x171: {  	v3 =	vadd.f32 v15, v3;
	v1 =	vadd.f32 v21, v1;
	v24 =	vshll.u32 v36, $0x10  }
0x172: {  	v27 =	vand.u32 $0xFFFF0000, v38;
	v4 =	vadd.f32 v16, v4;
	v2 =	vadd.f32 v22, v2  }
0x173: {  	v14 =	vld [tilespmem:$0x1FED0];
	v36 =	vmul.f32 $1.999999960e-02, v48;
	v0 =	vadd.f32 v28, v0;
	v5 =	vadd.f32 v61, v5  }
0x174: {  	v15 =	vmul.f32 $1.999999960e-02, v46;
	v7 =	vadd.f32 v62, v7;
	v3 =	vadd.f32 v23, v3  }
0x175: {  	v4 =	vadd.f32 v24, v4;
	v2 =	vadd.f32 v30, v2;
	v0 =	vmul.f32 $1.250000000e-01, v0  }
0x176: {  	v6 =	vmul.f32 $1.250000000e-01, v6;
	v1 =	vadd.f32 v29, v1;
	v5 =	vadd.f32 v18, v5  }
0x177: {  	v4 =	vadd.f32 v33, v4;
	v0 =	vadd.f32 v34, v0;
	v2 =	vmul.f32 $1.250000000e-01, v2  }
0x178: {  	v10 =	vmul.f32 v36, v36;
	v37 =	vshll.u32 v14, $0x10;
	v5 =	vadd.f32 v26, v5  }
0x179: {  	v2 =	vadd.f32 v12, v2;
	v38 =	vmul.f32 v0, v36;
	v4 =	vmul.f32 $1.250000000e-01, v4  }
0x17a: {  	v7 =	vadd.f32 v19, v7;
	v0 =	vmul.f32 v0, v0;
	v5 =	vadd.f32 v37, v5  }
0x17b: {  	v8 =	vadd.f32 $0.0e+00, v38;
	v42 =	vmul.f32 v2, v40;
	v4 =	vadd.f32 v41, v4  }
0x17c: {  	v3 =	vadd.f32 v31, v3;
	v2 =	vmul.f32 v2, v2;
	v5 =	vmul.f32 $1.250000000e-01, v5  }
0x17d: {  	v1 =	vmul.f32 $1.250000000e-01, v1;
	v8 =	vadd.f32 v42, v8;
	v48 =	vmul.f32 v4, v15  }
0x17e: {  	v0 =	vadd.f32 v2, v0;
	v4 =	vmul.f32 v4, v4;
	v5 =	vadd.f32 v47, v5  }
0x17f: {  	v39 =	vand.u32 $0xFFFF0000, v14;
	v1 =	vadd.f32 v54, v1;
	v8 =	vadd.f32 v48, v8  }
0x180: {  	v0 =	vadd.f32 v4, v0;
	v50 =	vmul.f32 v5, v49;
	v5 =	vmul.f32 v5, v5  }
0x181: {  	v7 =	vadd.f32 v27, v7;
	v3 =	vmul.f32 $1.250000000e-01, v3;
	v12 =	vmul.f32 v40, v40  }
0x182: {  	v4 =	vadd.f32 v50, v8;
	v0 =	vadd.f32 v5, v0;
	v5 =	vmul.f32 v1, v56  }
0x183: {  	v7 =	vadd.f32 v39, v7;
	v3 =	vadd.f32 v57, v3;
	v1 =	vmul.f32 v1, v1  }
0x184: {  	v10 =	vadd.f32 v12, v10;
	v2 =	vmul.f32 v15, v15;
	v4 =	vadd.f32 v5, v4  }
0x185: {  	v5 =	vmul.f32 $1.999999960e-02, v52;
	v0 =	vadd.f32 v1, v0;
	v1 =	vmul.f32 v3, v58  }
0x186: {  	v55 =	vmul.f32 v49, v49;
	v7 =	vmul.f32 $1.250000000e-01, v7;
	v2 =	vadd.f32 v2, v10  }
0x187: {  	v5 =	vadd.f32 v5, v6;
	v1 =	vadd.f32 v1, v4;
	v4 =	vmul.f32 $1.999999960e-02, v51  }
0x188: {  	v10 =	vmul.f32 v56, v56;
	v2 =	vadd.f32 v55, v2;
	v3 =	vmul.f32 v3, v3  }
0x189: {  	v63 =	vmul.f32 $1.999999960e-02, v9;
	v61 =	vmul.f32 v5, v60;
	v4 =	vadd.f32 v4, v7  }
0x18a: {  	v59 =	vmul.f32 v58, v58;
	v2 =	vadd.f32 v10, v2;
	v0 =	vadd.f32 v3, v0  }
0x18b: {  	v3 =	vmul.f32 v5, v5;
	v1 =	vadd.f32 v61, v1;
	v5 =	vmul.f32 v4, v63  }
0x18c: {  	v62 =	vmul.f32 v60, v60;
	v2 =	vadd.f32 v59, v2  }
0x18d: {  	v1 =	vadd.f32 v5, v1;
	v5 =	vld [tilespmem:$0x1FFC0]  }
0x18e: {  	v2 =	vadd.f32 v62, v2  }
0x18f: {  	v0 =	vadd.f32 v3, v0;
	v3 =	vmul.f32 v63, v63;
	v4 =	vmul.f32 v4, v4;
	_ =	sdelay $0x1  }
0x190: {  	v2 =	vadd.f32 v3, v2;
	v0 =	vadd.f32 v4, v0  }
0x191: {  	v3 =	vperm.xlane v1, v5  }
0x192: {  	v4 =	vperm.xlane v2, v5;
	v5 =	vperm.xlane v0, v5;
	_ =	sdelay $0x1  }
0x193: {  	v0 =	vadd.f32 v5, v0;
	v5 =	vld [tilespmem:$0x1FFD0];
	_ =	sdelay $0x2  }
0x194: {  	v1 =	vadd.f32 v3, v1  }
0x195: {  	v2 =	vadd.f32 v4, v2  }
0x196: {  	v3 =	vperm.xlane v1, v5  }
0x197: {  	v4 =	vperm.xlane v2, v5;
	v5 =	vperm.xlane v0, v5;
	_ =	sdelay $0x1  }
0x198: {  	v0 =	vadd.f32 v5, v0;
	v5 =	vld [tilespmem:$0x1FFE0];
	_ =	sdelay $0x2  }
0x199: {  	v1 =	vadd.f32 v3, v1  }
0x19a: {  	v2 =	vadd.f32 v4, v2  }
0x19b: {  	v3 =	vperm.xlane v1, v5  }
0x19c: {  	v4 =	vperm.xlane v2, v5;
	v5 =	vperm.xlane v0, v5;
	_ =	sdelay $0x1  }
0x19d: {  	v0 =	vadd.f32 v5, v0;
	v5 =	vld [tilespmem:$0x1FFF0];
	_ =	sdelay $0x2  }
0x19e: {  	v1 =	vadd.f32 v3, v1  }
0x19f: {  	v2 =	vadd.f32 v4, v2  }
0x1a0: {  	v3 =	vperm.xlane v1, v5  }
0x1a1: {  	v4 =	vperm.xlane v2, v5  }
0x1a2: {  	v1 =	vadd.f32 v3, v1  }
0x1a3: {  	v2 =	vadd.f32 v4, v2;
	v3 =	vmov s30;
	v4 =	vlaneseq.u32  }
0x1a4: {  	vm0 =	veq.s32 v3, v4;
	v3 =	vld [tilespmem:$0x1FEE0];
	_ =	sdelay $0x4  }
0x1a5: {  	v3 =	vsel vm0, v1, v3;
	v1 =	vld [tilespmem:$0x1FEF0];
	_ =	sdelay $0x3  }
0x1a6: {  	s29 =	sadd.s32 $0x1, s29  }
0x1a7: {  	p0 =	sne.s32 s29, $0x8;
	v1 =	vsel vm0, v2, v1;
	v2 =	vld [tilespmem:$0x1FF00]  }
.Ltmp2:
0x1a8: {  	v5 =	vperm.xlane v0, v5;
	(pc) =	sbr.rel @p0 .LBB2_3-.Ltmp2, $3  }
0x1a9: {  	_ = 	snop  }
0x1aa: {  	v0 =	vadd.f32 v5, v0;
	_ =	sdelay $0x1  }
0x1ab: {  	v0 =	vsel vm0, v0, v2  }
0x1ac: {  	v0 =	vmul.f32 v0, v1;
	_ =	sdelay $0x1  }
0x1ad: {  	v1 =	vshra.s32 v0, $0x1  }
0x1ae: {  	v1 =	vadd.s32 $0x1FBD1DF5, v1  }
0x1af: {  	(erf) = vrcp.f32 v1;
	_ =	sdelay $0x8  }
0x1b0: {  	v2 =	vpop (erf)  }
0x1b1: {  	v2 =	vmul.f32 v2, v0;
	_ =	sdelay $0x1  }
0x1b2: {  	v1 =	vadd.f32 v1, v2;
	_ =	sdelay $0x1  }
0x1b3: {  	v1 =	vmul.f32 $5.000000000e-01, v1;
	_ =	sdelay $0x1  }
0x1b4: {  	(erf) = vrcp.f32 v1;
	_ =	sdelay $0x8  }
0x1b5: {  	v62 =	vpop (erf)  }
0x1b6: {  	v2 =	vmul.f32 v62, v0;
	_ =	sdelay $0x1  }
0x1b7: {  	v1 =	vadd.f32 v2, v1;
	_ =	sdelay $0x1  }
0x1b8: {  	v1 =	vmul.f32 $5.000000000e-01, v1;
	_ =	sdelay $0x1  }
0x1b9: {  	(erf) = vrcp.f32 v1;
	_ =	sdelay $0x8  }
0x1ba: {  	v63 =	vpop (erf)  }
0x1bb: {  	v0 =	vmul.f32 v63, v0;
	_ =	sdelay $0x1  }
0x1bc: {  	v0 =	vadd.f32 v0, v1;
	_ =	sdelay $0x1  }
0x1bd: {  	v0 =	vmul.f32 $5.000000000e-01, v0;
	_ =	sdelay $0x1  }
0x1be: {  	v0 =	vmax.f32 v0, $9.999999930e-09  }
0x1bf: {  	(erf) = vrcp.f32 v0;
	_ =	sdelay $0x5  }
0x1c0: {  	s26 =	sadd.s32 $0x1, s26  }
0x1c1: {  	p0 =	sne.s32 s26, $0x8  }
.Ltmp3:
0x1c2: {  	_ = 	snop;
	(pc) =	sbr.rel @p0 .LBB2_2-.Ltmp3, $4  }
0x1c3: {  	v0 =	vpop (erf)  }
0x1c4: {  	v0 =	vmul.f32 v0, v3  }
0x1c5: {  	s0 =	sand.u32 $0x3FFFFFF0, s28  }
0x1c6: {  	[tilespmem:s0+$0x19A10] =	vst v0  }
0x1c7: {  	s25 =	sadd.s32 $0x1, s25  }
0x1c8: {  	p0 =	sne.s32 s25, s9  }
.Ltmp4:
0x1c9: {  	_ = 	snop;
	(pc) =	sbr.rel @p0 .LBB2_1-.Ltmp4, $4  }
0x1ca: {  	[hbm4b:s8+s3] =	stream.linear.scatter [tilespmem:s24], [sflag:$0x6], $0x80, $0x38;
	[tilespmem:$0x19A90] =	vst v63  }
0x1cb: {  	_ =	swait.ge [sflag:s10], $0x80  }
0x1cc: {  	[sflag:s10] =	ssyncset.done $0x0  }
0x1cd: {  	[sflag:s10] =	ssyncadd.s32 $0xFFFFFF80  }
0x1ce: {  	_ =	sfence.sel $0x180000  }
0x1cf: {  	[bflag:$0x0] =	sbarrier.arrive $0xFFFF  }
0x1d0: {  	_ =	strace $0x90000047  }
0x1d1: {  	s0 =	stileid.u32;
	[bflag:$0x2] =	sbarrier.arrive $0xFFFF  }
0x1d2: {  	p0 =	sne.s32 s0, $0x0;
	s0 =	rddreg [dreg:$0x3]  }
0x1d3: {  	s0 =	sadd.s32 @!p0 $0x100000, s0  }
0x1d4: {  	[sflag:s0] =	ssyncadd.tile.s32 @!p0 $0x1;
	_ =	shalt  }
.Lfunc_end2:
_tile_overlayer_lowered:
.L_overlay_start_2:
0x1d5: {  	(tag) =	ssettag $0x2  }
0x1d6: {  	s0 =	rddreg [dreg:$0x0];
	s2 =	stileid.u32  }
0x1d7: {  	s1 =	rddreg [dreg:$0x1];
	p0 =	sne.s32 s2, $0x0  }
0x1d8: {  	s3 =	rddreg [dreg:$0x2];
	[bflag:$0x3] =	sbarrier.arrive $0xFFFF;
	s2 =	simm.s32 @!p0 $0x1C06  }
0x1d9: {  	[timem:s3], [sflag:s2] =	dma.local @!p0 [hbm:s0], s1  }
0x1da: {  	s0 =	simm.s32 @!p0 $0x6  }
0x1db: {  	_ =	swait.ge @!p0 [sflag:s0], s1  }
0x1dc: {  	s1 =	ssub.s32 @!p0 $0x0, s1;
	[sflag:s0] =	ssyncset.done @!p0 $0x0  }
0x1dd: {  	[sflag:s0] =	ssyncadd.s32 @!p0 s1  }
0x1de: {  	[bflag:$0x3] =	sbarrier.arrive $0xFFFF  }
0x1df: {  	_ =	shalt  }

</sc_bundles>
